<compile_context>
chip_gen: v7x
topology: tpu7x:2x2x1
jax: 0.10.2.dev20260603
libtpu: 0.0.44.dev20260713+nightly
codegen_flags: <defaults>
</compile_context>

<pallas_src>
import functools

import jax
import jax.numpy as jnp
from jax import lax
from jax.experimental import pallas as pl
from jax.experimental.pallas import tpu as pltpu
from jax.experimental.pallas import tpu_sc as plsc

NUM_USERS = 1000000
EMBED_DIM = 64
BATCH = 16384

_info = plsc.get_sparse_core_info()
_NC = _info.num_cores
_NS = _info.num_subcores
_NW = _NC * _NS

_CW = 128
_TAIL = (NUM_USERS // 128) * 128
_NCH = _TAIL // _CW
_CPW = _NCH // _NW
_XTRA = _NCH - _CPW * _NW
_NBUF = 6
_ORING = 32
_CSH = 7


@functools.partial(
    pl.kernel,
    mesh=plsc.VectorSubcoreMesh(core_axis_name="c", subcore_axis_name="s"),
    out_type=jax.ShapeDtypeStruct((BATCH * EMBED_DIM,), jnp.float32),
    scratch_types=[
        pltpu.VMEM((BATCH + 16,), jnp.int32),
        pltpu.VMEM((BATCH + 16,), jnp.int32),
        pltpu.VMEM((BATCH + 16,), jnp.int32),
        pltpu.VMEM((BATCH + 16,), jnp.int32),
        [pltpu.VMEM((EMBED_DIM, _CW), jnp.float32) for _ in range(_NBUF)],
        pltpu.VMEM((EMBED_DIM, EMBED_DIM), jnp.float32),
        pltpu.VMEM((_ORING * EMBED_DIM,), jnp.float32),
        pltpu.VMEM((272,), jnp.int32),
        pltpu.VMEM((272,), jnp.int32),
        pltpu.VMEM((272,), jnp.int32),
        pltpu.SMEM((8,), jnp.int32),
        [pltpu.SemaphoreType.DMA for _ in range(_NBUF)],
        pltpu.SemaphoreType.DMA,
    ],
    compiler_params=pltpu.CompilerParams(needs_layout_passes=False),
)
def _sc_gather(idx_hbm, tt_hbm, tail_hbm, out_hbm,
               idx_all, pu, pg, sg, bufs, tail_v, oring,
               counts, starts, cursor, scal,
               gsems, osem):
    su = idx_all
    wid = lax.axis_index("s") * _NC + lax.axis_index("c")
    base_c = wid * _CPW + jnp.minimum(wid, _XTRA)
    n_c = _CPW + (wid < _XTRA).astype(jnp.int32)

    lanes = lax.iota(jnp.int32, 16)
    z16 = jnp.zeros((16,), jnp.int32)
    lane0 = lanes == 0

    pltpu.sync_copy(idx_hbm, idx_all.at[pl.ds(0, BATCH)])
    pltpu.sync_copy(tail_hbm, tail_v)

    def p1_step(v, off):
        iv = idx_all[pl.ds(v * 16, 16)]
        cu = jnp.minimum(iv, _TAIL - 1)
        c = cu >> _CSH
        m = (c >= base_c) & (c < base_c + n_c)
        cnt = plsc.all_reduce_population_count(m)[0]

        @pl.when(cnt > 0)
        def _():
            mi = m.astype(jnp.int32)
            pos = jnp.minimum(off + plsc.cumsum(mi) - 1, BATCH - 1)
            plsc.store_scatter(pu, [pos], iv, mask=m)
            plsc.store_scatter(pg, [pos], v * 16 + lanes, mask=m)

        return off + cnt

    def p1_body(t, off):
        off = p1_step(2 * t, off)
        return p1_step(2 * t + 1, off)

    off = lax.fori_loop(0, BATCH // 32, p1_body, 0)

    def zinit(j, _):
        counts[pl.ds(j * 16, 16)] = z16
        return 0

    lax.fori_loop(0, 17, zinit, 0)

    def chunk_of(u):
        return (jnp.minimum(u, _TAIL - 1) >> _CSH) - base_c

    n_pv = (off + 15) >> 4

    def p2_body(v, _):
        uv = pu[pl.ds(v * 16, 16)]
        m = (v * 16 + lanes) < off
        c_l = jnp.clip(chunk_of(uv), 0, 255)
        rdc, lastm = plsc.scan_count(c_l, m)
        old = plsc.load_gather(counts, [c_l])
        plsc.store_scatter(counts, [c_l], old + rdc, mask=m & lastm)
        return 0

    lax.fori_loop(0, n_pv, p2_body, 0)

    def p3_body(j, run):
        cv = counts[pl.ds(j * 16, 16)]
        ex = plsc.cumsum(cv) - cv + run
        starts[pl.ds(j * 16, 16)] = ex
        cursor[pl.ds(j * 16, 16)] = ex
        return run + jnp.sum(cv)

    lax.fori_loop(0, 17, p3_body, 0)

    def p4_body(v, _):
        uv = pu[pl.ds(v * 16, 16)]
        gv = pg[pl.ds(v * 16, 16)]
        m = (v * 16 + lanes) < off
        c_l = jnp.clip(chunk_of(uv), 0, 255)
        rdc, lastm = plsc.scan_count(c_l, m)
        cur = plsc.load_gather(cursor, [c_l])
        pos = jnp.clip(cur + rdc - 1, 0, BATCH - 1)
        plsc.store_scatter(su, [pos], uv, mask=m)
        plsc.store_scatter(sg, [pos], gv, mask=m)
        plsc.store_scatter(cursor, [c_l], cur + rdc, mask=m & lastm)
        return 0

    lax.fori_loop(0, n_pv, p4_body, 0)

    scal[0] = 0

    def cnt_of(c):
        return counts[pl.ds(c, 16)][0]

    def hit(c):
        return (c < n_c) & (cnt_of(c) > 0)

    def issue(c, s):
        start = pl.multiple_of((base_c + c) * _CW, 128)
        pltpu.async_copy(tt_hbm.at[:, pl.ds(start, _CW)], bufs[s], gsems[s])

    def drain(s):
        pltpu.make_async_copy(
            tt_hbm.at[:, pl.ds(0, _CW)], bufs[s], gsems[s]
        ).wait()

    def extract_chunk(c, s):
        cbase = (base_c + c) * _CW
        s0 = starts[pl.ds(c, 16)][0]
        cnt = cnt_of(c)

        def ubody(p, _):
            u = su[pl.ds(p, 16)][0]
            g = sg[pl.ds(p, 16)][0]
            q = scal[0]
            scal[0] = q + 1
            slot = q & (_ORING - 1)
            obase = pl.multiple_of(slot * EMBED_DIM, EMBED_DIM)

            @pl.when(q >= _ORING)
            def _():
                pltpu.make_async_copy(
                    out_hbm.at[pl.ds(0, EMBED_DIM)],
                    oring.at[pl.ds(0, EMBED_DIM)],
                    osem,
                ).wait()

            lane = jnp.minimum(u - cbase, _CW - 1)
            is_tail = (u >= _TAIL).astype(jnp.int32)
            tail_m = (z16 + is_tail) != 0
            lane_v = z16 + lane
            tl_v = z16 + jnp.minimum(jnp.maximum(u - _TAIL, 0), EMBED_DIM - 1)
            for k in range(EMBED_DIM // 16):
                dvec = lanes + (k * 16)
                g1 = plsc.load_gather(bufs[s], [dvec, lane_v])
                g2 = plsc.load_gather(tail_v, [tl_v, dvec])
                oring[pl.ds(obase + k * 16, 16)] = jnp.where(tail_m, g2, g1)
            pltpu.async_copy(
                oring.at[pl.ds(obase, EMBED_DIM)],
                out_hbm.at[pl.ds(g * EMBED_DIM, EMBED_DIM)],
                osem,
            )
            return 0

        lax.fori_loop(s0, s0 + cnt, ubody, 0)

    for s in range(_NBUF):
        @pl.when(hit(s))
        def _(s=s):
            issue(s, s)

    def ring_body(t, _):
        for s in range(_NBUF):
            c = t * _NBUF + s

            @pl.when(hit(c))
            def _(c=c, s=s):
                drain(s)
                extract_chunk(c, s)

            @pl.when(hit(c + _NBUF))
            def _(c=c, s=s):
                issue(c + _NBUF, s)
        return 0

    lax.fori_loop(0, (_CPW + _XTRA + _NBUF - 1) // _NBUF, ring_body, 0)

    def odrain(r, _):
        pltpu.make_async_copy(
            out_hbm.at[pl.ds(0, EMBED_DIM)],
            oring.at[pl.ds(0, EMBED_DIM)],
            osem,
        ).wait()
        return 0

    lax.fori_loop(0, jnp.minimum(off, _ORING), odrain, 0)


def kernel(user_inputs, table):
    tt = jnp.transpose(table)
    tail = table[_TAIL:, :]
    out_flat = _sc_gather(user_inputs, tt, tail)
    return jnp.reshape(out_flat, (BATCH, EMBED_DIM))

# --- scband reference (transcript-rebuilt; emitter-appended) ---
"""Pipeline reference for scband-user-embedding-layer-56169582297415 (READ-ONLY COPY).

The authoritative reference and input builder live on the scoring server;
editing this copy changes nothing except your own understanding.
"""

import jax, jax.numpy as jnp
import numpy as np

NUM_USERS = 1000000
EMBED_DIM = 64
BATCH = 16384

def setup_inputs(seed: int = 0) -> dict:
    key = jax.random.key(seed)
    k1, k2 = jax.random.split(key)
    user_inputs = jax.random.randint(k1, (BATCH,), 0, NUM_USERS, dtype=jnp.int64 if jax.config.jax_enable_x64 else jnp.int32).astype(jnp.int32)
    table = jax.random.normal(k2, (NUM_USERS, EMBED_DIM), dtype=jnp.float32)
    return {"user_inputs": user_inputs, "table": table}

def reference(user_inputs, table):
    # nn.Embedding lookup == row gather from the embedding table
    user_embeds = jnp.take(table, user_inputs, axis=0)
    return user_embeds

if __name__ == "__main__":
    import jax
    _d = setup_inputs()
    print(jax.jit(kernel)(*tuple(_d.values())))

</pallas_src>

<mosaic_0001>
#map = affine_map<(d0, d1) -> (0)>
#map1 = affine_map<(d0, d1) -> (0, 0)>
module attributes {stable_mosaic.version = 14 : i64} {
  func.func @_sc_gather(%arg0: i32, %arg1: i32, %arg2: memref<16384xi32, #tpu.memory_space<hbm>>, %arg3: memref<64x1000000xf32, #tpu.memory_space<hbm>>, %arg4: memref<64x64xf32, #tpu.memory_space<hbm>>, %arg5: memref<1048576xf32, #tpu.memory_space<hbm>>, %arg6: memref<16400xi32, #tpu.memory_space<vmem>>, %arg7: memref<16400xi32, #tpu.memory_space<vmem>>, %arg8: memref<16400xi32, #tpu.memory_space<vmem>>, %arg9: memref<16400xi32, #tpu.memory_space<vmem>>, %arg10: memref<64x128xf32, #tpu.memory_space<vmem>>, %arg11: memref<64x128xf32, #tpu.memory_space<vmem>>, %arg12: memref<64x128xf32, #tpu.memory_space<vmem>>, %arg13: memref<64x128xf32, #tpu.memory_space<vmem>>, %arg14: memref<64x128xf32, #tpu.memory_space<vmem>>, %arg15: memref<64x128xf32, #tpu.memory_space<vmem>>, %arg16: memref<64x64xf32, #tpu.memory_space<vmem>>, %arg17: memref<2048xf32, #tpu.memory_space<vmem>>, %arg18: memref<272xi32, #tpu.memory_space<vmem>>, %arg19: memref<272xi32, #tpu.memory_space<vmem>>, %arg20: memref<272xi32, #tpu.memory_space<vmem>>, %arg21: memref<8xi32, #tpu.memory_space<smem>>, %arg22: memref<!tpu.dma_semaphore, #tpu.memory_space<semaphore_mem>>, %arg23: memref<!tpu.dma_semaphore, #tpu.memory_space<semaphore_mem>>, %arg24: memref<!tpu.dma_semaphore, #tpu.memory_space<semaphore_mem>>, %arg25: memref<!tpu.dma_semaphore, #tpu.memory_space<semaphore_mem>>, %arg26: memref<!tpu.dma_semaphore, #tpu.memory_space<semaphore_mem>>, %arg27: memref<!tpu.dma_semaphore, #tpu.memory_space<semaphore_mem>>, %arg28: memref<!tpu.dma_semaphore, #tpu.memory_space<semaphore_mem>>) attributes {dimension_semantics = [#tpu.dimension_semantics<core_parallel>, #tpu.dimension_semantics<subcore_parallel>], iteration_bounds = array<i64: 2, 16>, scalar_prefetch = 0 : i64, scratch_operands = 23 : i64, tpu.core_type = #tpu.core_type<sc_vector_subcore>, window_params = [{transform_indices = #map}, {transform_indices = #map1}, {transform_indices = #map1}, {transform_indices = #map}]} {
    %mul3A = arith.constant 2 : i32
    %mul3A_0 = arith.muli %arg1, %mul3A : i32
    %add3A = arith.addi %mul3A_0, %arg0 : i32
    %mul3A_1 = arith.constant 244 : i32
    %mul3A_2 = arith.muli %add3A, %mul3A_1 : i32
    %min3A = arith.constant 4 : i32
    %min3A_3 = arith.minsi %add3A, %min3A : i32
    %add3A_4 = arith.addi %mul3A_2, %min3A_3 : i32
    %lt3A = arith.constant 4 : i32
    %lt3A_5 = arith.cmpi slt, %add3A, %lt3A : i32
    %convert_element_type3A = arith.extui %lt3A_5 : i1 to i32
    %add3A_6 = arith.constant 244 : i32
    %add3A_7 = arith.addi %add3A_6, %convert_element_type3A : i32
    %iota3A = tpu.iota {dimensions = array<i32: 0>} : vector<16xi32>
    %broadcast_in_dim3A = arith.constant 0 : i32
    %broadcast_in_dim3A_8 = vector.broadcast %broadcast_in_dim3A : i32 to vector<16xi32>
    %eq3A = arith.constant 0 : i32
    %eq3A_9 = vector.broadcast %eq3A : i32 to vector<16xi32>
    %eq3A_10 = arith.cmpi eq, %iota3A, %eq3A_9 : vector<16xi32>
    "tpu.region"() ({
      %run_scoped3A = tpu.sem_alloc : memref<!tpu.dma_semaphore, #tpu.memory_space<semaphore_mem>>
      %dma_start3A = arith.constant 0 : i32
      %dma_start3A_147 = tpu.memref_slice %arg6[%dma_start3A] : memref<16400xi32, #tpu.memory_space<vmem>> -> memref<16384xi32, #tpu.memory_space<vmem>>
      %dma_start3A_148 = arith.constant 0 : i32
      %dma_start3A_149 = tpu.memref_slice %arg6[%dma_start3A_148] : memref<16400xi32, #tpu.memory_space<vmem>> -> memref<16384xi32, #tpu.memory_space<vmem>>
      tpu.enqueue_dma source(%arg2 : memref<16384xi32, #tpu.memory_space<hbm>>) target(%dma_start3A_149 : memref<16384xi32, #tpu.memory_space<vmem>>) target_semaphore(%run_scoped3A : memref<!tpu.dma_semaphore, #tpu.memory_space<semaphore_mem>>)
      %dma_wait3A = arith.constant 0 : i32
      %dma_wait3A_150 = tpu.memref_slice %arg6[%dma_wait3A] : memref<16400xi32, #tpu.memory_space<vmem>> -> memref<16384xi32, #tpu.memory_space<vmem>>
      %dma_wait3A_151 = arith.constant 0 : i32
      %dma_wait3A_152 = tpu.memref_slice %arg6[%dma_wait3A_151] : memref<16400xi32, #tpu.memory_space<vmem>> -> memref<16384xi32, #tpu.memory_space<vmem>>
      tpu.wait_dma2 semaphore(%run_scoped3A : memref<!tpu.dma_semaphore, #tpu.memory_space<semaphore_mem>>) src(%arg2 : memref<16384xi32, #tpu.memory_space<hbm>>) dst(%dma_wait3A_152 : memref<16384xi32, #tpu.memory_space<vmem>>)
      tpu.yield
    }) : () -> ()
    "tpu.region"() ({
      %run_scoped3A = tpu.sem_alloc : memref<!tpu.dma_semaphore, #tpu.memory_space<semaphore_mem>>
      tpu.enqueue_dma source(%arg4 : memref<64x64xf32, #tpu.memory_space<hbm>>) target(%arg16 : memref<64x64xf32, #tpu.memory_space<vmem>>) target_semaphore(%run_scoped3A : memref<!tpu.dma_semaphore, #tpu.memory_space<semaphore_mem>>)
      tpu.wait_dma2 semaphore(%run_scoped3A : memref<!tpu.dma_semaphore, #tpu.memory_space<semaphore_mem>>) src(%arg4 : memref<64x64xf32, #tpu.memory_space<hbm>>) dst(%arg16 : memref<64x64xf32, #tpu.memory_space<vmem>>)
      tpu.yield
    }) : () -> ()
    %scan3A = arith.constant 0 : i32
    %scan3A_11 = arith.constant 0 : i32
    %scan3A_12 = arith.constant 512 : i32
    %scan3A_13 = arith.addi %scan3A_11, %scan3A_12 : i32
    %scan3A_14 = arith.constant 1 : i32
    %scan3A_15 = scf.for %scan3A_147 = %scan3A_11 to %scan3A_13 step %scan3A_14 iter_args(%scan3A_148 = %scan3A) -> (i32)  : i32 {
      %mul3A_149 = arith.constant 2 : i32
      %mul3A_150 = arith.muli %mul3A_149, %scan3A_147 : i32
      %mul3A_151 = arith.constant 16 : i32
      %mul3A_152 = arith.muli %mul3A_150, %mul3A_151 : i32
      %get3A_153 = arith.index_cast %mul3A_152 : i32 to index
      %get3A_154 = tpu.vector_load %arg6[%get3A_153] {strides = array<i32>} : memref<16400xi32, #tpu.memory_space<vmem>>, vector<16xi32>,
      %min3A_155 = arith.constant 999935 : i32
      %min3A_156 = vector.broadcast %min3A_155 : i32 to vector<16xi32>
      %min3A_157 = arith.minsi %get3A_154, %min3A_156 : vector<16xi32>
      %shift_right_arithmetic3A_158 = arith.constant 7 : i32
      %shift_right_arithmetic3A_159 = vector.broadcast %shift_right_arithmetic3A_158 : i32 to vector<16xi32>
      %shift_right_arithmetic3A_160 = arith.shrsi %min3A_157, %shift_right_arithmetic3A_159 : vector<16xi32>
      %ge3A = vector.broadcast %add3A_4 : i32 to vector<16xi32>
      %ge3A_161 = arith.cmpi sge, %shift_right_arithmetic3A_160, %ge3A : vector<16xi32>
      %add3A_162 = arith.addi %add3A_4, %add3A_7 : i32
      %lt3A_163 = vector.broadcast %add3A_162 : i32 to vector<16xi32>
      %lt3A_164 = arith.cmpi slt, %shift_right_arithmetic3A_160, %lt3A_163 : vector<16xi32>
      %and3A_165 = arith.andi %ge3A_161, %lt3A_164 : vector<16xi1>
      %all_reduce_population_count3A = tpu.all_reduce %and3A_165 {dim = 0 : i64, kind = #tpu.reduction_kind<sum>} : vector<16xi1> -> vector<16xi32>
      %slice3A_166 = vector.extract_strided_slice %all_reduce_population_count3A {offsets = [0], sizes = [1], strides = [1]} : vector<16xi32> to vector<1xi32>
      %squeeze3A_167 = vector.extract %slice3A_166[0] : i32 from vector<1xi32>
      %gt3A_168 = arith.constant 0 : i32
      %gt3A_169 = arith.cmpi sgt, %squeeze3A_167, %gt3A_168 : i32
      %convert_element_type3A_170 = arith.extui %gt3A_169 : i1 to i32
      %cond3A_171 = arith.constant 0 : i32
      %cond3A_172 = arith.cmpi ne, %convert_element_type3A_170, %cond3A_171 : i32
      scf.if %cond3A_172 {
        %convert_element_type3A_203 = arith.extui %and3A_165 : vector<16xi1> to vector<16xi32>
        %broadcast_in_dim3A_204 = arith.constant true
        %broadcast_in_dim3A_205 = vector.broadcast %broadcast_in_dim3A_204 : i1 to vector<16xi1>
        %masked_cumsum3A = tpu.scan <sum>, %convert_element_type3A_203 masked %broadcast_in_dim3A_205 : vector<16xi32>, vector<16xi1> -> vector<16xi32>
        %add3A_206 = vector.broadcast %scan3A_148 : i32 to vector<16xi32>
        %add3A_207 = arith.addi %add3A_206, %masked_cumsum3A : vector<16xi32>
        %sub3A = arith.constant 1 : i32
        %sub3A_208 = vector.broadcast %sub3A : i32 to vector<16xi32>
        %sub3A_209 = arith.subi %add3A_207, %sub3A_208 : vector<16xi32>
        %min3A_210 = arith.constant 16383 : i32
        %min3A_211 = vector.broadcast %min3A_210 : i32 to vector<16xi32>
        %min3A_212 = arith.minsi %sub3A_209, %min3A_211 : vector<16xi32>
        tpu.vector_store_idx %arg7[%min3A_212], %get3A_154 masked %and3A_165 : memref<16400xi32, #tpu.memory_space<vmem>>[vector<16xi32>], vector<16xi32>, vector<16xi1>
        %mul3A_213 = arith.constant 16 : i32
        %mul3A_214 = arith.muli %mul3A_150, %mul3A_213 : i32
        %add3A_215 = vector.broadcast %mul3A_214 : i32 to vector<16xi32>
        %add3A_216 = arith.addi %add3A_215, %iota3A : vector<16xi32>
        tpu.vector_store_idx %arg8[%min3A_212], %add3A_216 masked %and3A_165 : memref<16400xi32, #tpu.memory_space<vmem>>[vector<16xi32>], vector<16xi32>, vector<16xi1>
      } else {
      }
      %add3A_173 = arith.addi %scan3A_148, %squeeze3A_167 : i32
      %mul3A_174 = arith.constant 2 : i32
      %mul3A_175 = arith.muli %mul3A_174, %scan3A_147 : i32
      %add3A_176 = arith.constant 1 : i32
      %add3A_177 = arith.addi %mul3A_175, %add3A_176 : i32
      %mul3A_178 = arith.constant 16 : i32
      %mul3A_179 = arith.muli %add3A_177, %mul3A_178 : i32
      %get3A_180 = arith.index_cast %mul3A_179 : i32 to index
      %get3A_181 = tpu.vector_load %arg6[%get3A_180] {strides = array<i32>} : memref<16400xi32, #tpu.memory_space<vmem>>, vector<16xi32>,
      %min3A_182 = arith.constant 999935 : i32
      %min3A_183 = vector.broadcast %min3A_182 : i32 to vector<16xi32>
      %min3A_184 = arith.minsi %get3A_181, %min3A_183 : vector<16xi32>
      %shift_right_arithmetic3A_185 = arith.constant 7 : i32
      %shift_right_arithmetic3A_186 = vector.broadcast %shift_right_arithmetic3A_185 : i32 to vector<16xi32>
      %shift_right_arithmetic3A_187 = arith.shrsi %min3A_184, %shift_right_arithmetic3A_186 : vector<16xi32>
      %ge3A_188 = vector.broadcast %add3A_4 : i32 to vector<16xi32>
      %ge3A_189 = arith.cmpi sge, %shift_right_arithmetic3A_187, %ge3A_188 : vector<16xi32>
      %add3A_190 = arith.addi %add3A_4, %add3A_7 : i32
      %lt3A_191 = vector.broadcast %add3A_190 : i32 to vector<16xi32>
      %lt3A_192 = arith.cmpi slt, %shift_right_arithmetic3A_187, %lt3A_191 : vector<16xi32>
      %and3A_193 = arith.andi %ge3A_189, %lt3A_192 : vector<16xi1>
      %all_reduce_population_count3A_194 = tpu.all_reduce %and3A_193 {dim = 0 : i64, kind = #tpu.reduction_kind<sum>} : vector<16xi1> -> vector<16xi32>
      %slice3A_195 = vector.extract_strided_slice %all_reduce_population_count3A_194 {offsets = [0], sizes = [1], strides = [1]} : vector<16xi32> to vector<1xi32>
      %squeeze3A_196 = vector.extract %slice3A_195[0] : i32 from vector<1xi32>
      %gt3A_197 = arith.constant 0 : i32
      %gt3A_198 = arith.cmpi sgt, %squeeze3A_196, %gt3A_197 : i32
      %convert_element_type3A_199 = arith.extui %gt3A_198 : i1 to i32
      %cond3A_200 = arith.constant 0 : i32
      %cond3A_201 = arith.cmpi ne, %convert_element_type3A_199, %cond3A_200 : i32
      scf.if %cond3A_201 {
        %convert_element_type3A_203 = arith.extui %and3A_193 : vector<16xi1> to vector<16xi32>
        %broadcast_in_dim3A_204 = arith.constant true
        %broadcast_in_dim3A_205 = vector.broadcast %broadcast_in_dim3A_204 : i1 to vector<16xi1>
        %masked_cumsum3A = tpu.scan <sum>, %convert_element_type3A_203 masked %broadcast_in_dim3A_205 : vector<16xi32>, vector<16xi1> -> vector<16xi32>
        %add3A_206 = vector.broadcast %add3A_173 : i32 to vector<16xi32>
        %add3A_207 = arith.addi %add3A_206, %masked_cumsum3A : vector<16xi32>
        %sub3A = arith.constant 1 : i32
        %sub3A_208 = vector.broadcast %sub3A : i32 to vector<16xi32>
        %sub3A_209 = arith.subi %add3A_207, %sub3A_208 : vector<16xi32>
        %min3A_210 = arith.constant 16383 : i32
        %min3A_211 = vector.broadcast %min3A_210 : i32 to vector<16xi32>
        %min3A_212 = arith.minsi %sub3A_209, %min3A_211 : vector<16xi32>
        tpu.vector_store_idx %arg7[%min3A_212], %get3A_181 masked %and3A_193 : memref<16400xi32, #tpu.memory_space<vmem>>[vector<16xi32>], vector<16xi32>, vector<16xi1>
        %mul3A_213 = arith.constant 16 : i32
        %mul3A_214 = arith.muli %add3A_177, %mul3A_213 : i32
        %add3A_215 = vector.broadcast %mul3A_214 : i32 to vector<16xi32>
        %add3A_216 = arith.addi %add3A_215, %iota3A : vector<16xi32>
        tpu.vector_store_idx %arg8[%min3A_212], %add3A_216 masked %and3A_193 : memref<16400xi32, #tpu.memory_space<vmem>>[vector<16xi32>], vector<16xi32>, vector<16xi1>
      } else {
      }
      %add3A_202 = arith.addi %add3A_173, %squeeze3A_196 : i32
      scf.yield %add3A_202 : i32
    }
    %scan3A_16 = arith.constant 512 : i32
    %scan3A_17 = arith.constant 0 : i32
    %scan3A_18 = arith.constant 0 : i32
    %scan3A_19 = arith.constant 17 : i32
    %scan3A_20 = arith.addi %scan3A_18, %scan3A_19 : i32
    %scan3A_21 = arith.constant 1 : i32
    %scan3A_22 = scf.for %scan3A_147 = %scan3A_18 to %scan3A_20 step %scan3A_21 iter_args(%scan3A_148 = %scan3A_17) -> (i32)  : i32 {
      %mul3A_149 = arith.constant 16 : i32
      %mul3A_150 = arith.muli %scan3A_147, %mul3A_149 : i32
      %swap3A_151 = arith.index_cast %mul3A_150 : i32 to index
      %swap3A_152 = tpu.vector_load %arg18[%swap3A_151] {strides = array<i32>} : memref<272xi32, #tpu.memory_space<vmem>>, vector<16xi32>,
      tpu.vector_store %arg18[%swap3A_151], %broadcast_in_dim3A_8 {strides = array<i32>} : memref<272xi32, #tpu.memory_space<vmem>>, vector<16xi32>,
      %scan3A_153 = arith.constant 0 : i32
      scf.yield %scan3A_153 : i32
    }
    %scan3A_23 = arith.constant 17 : i32
    %add3A_24 = arith.constant 15 : i32
    %add3A_25 = arith.addi %scan3A_15, %add3A_24 : i32
    %shift_right_arithmetic3A = arith.constant 4 : i32
    %shift_right_arithmetic3A_26 = arith.shrsi %add3A_25, %shift_right_arithmetic3A : i32
    %while3A = arith.constant 0 : i32
    %while3A_27 = arith.constant 0 : i32
    %while3A_28 = arith.subi %shift_right_arithmetic3A_26, %while3A : i32
    %while3A_29 = arith.addi %while3A, %while3A_28 : i32
    %while3A_30 = arith.constant 1 : i32
    %while3A_31 = arith.divsi %while3A_28, %while3A_30 : i32
    %while3A_32 = arith.muli %while3A_31, %while3A_30 : i32
    %while3A_33 = arith.addi %while3A, %while3A_32 : i32
    %while3A_34 = arith.constant 1 : i32
    %while3A_35 = scf.for %while3A_147 = %while3A to %while3A_33 step %while3A_34 iter_args(%while3A_148 = %while3A_27) -> (i32)  : i32 {
      %mul3A_149 = arith.constant 16 : i32
      %mul3A_150 = arith.muli %while3A_147, %mul3A_149 : i32
      %get3A_151 = arith.index_cast %mul3A_150 : i32 to index
      %get3A_152 = tpu.vector_load %arg7[%get3A_151] {strides = array<i32>} : memref<16400xi32, #tpu.memory_space<vmem>>, vector<16xi32>,
      %mul3A_153 = arith.constant 16 : i32
      %mul3A_154 = arith.muli %while3A_147, %mul3A_153 : i32
      %add3A_155 = vector.broadcast %mul3A_154 : i32 to vector<16xi32>
      %add3A_156 = arith.addi %add3A_155, %iota3A : vector<16xi32>
      %lt3A_157 = vector.broadcast %scan3A_15 : i32 to vector<16xi32>
      %lt3A_158 = arith.cmpi slt, %add3A_156, %lt3A_157 : vector<16xi32>
      %min3A_159 = arith.constant 999935 : i32
      %min3A_160 = vector.broadcast %min3A_159 : i32 to vector<16xi32>
      %min3A_161 = arith.minsi %get3A_152, %min3A_160 : vector<16xi32>
      %shift_right_arithmetic3A_162 = arith.constant 7 : i32
      %shift_right_arithmetic3A_163 = vector.broadcast %shift_right_arithmetic3A_162 : i32 to vector<16xi32>
      %shift_right_arithmetic3A_164 = arith.shrsi %min3A_161, %shift_right_arithmetic3A_163 : vector<16xi32>
      %sub3A = vector.broadcast %add3A_4 : i32 to vector<16xi32>
      %sub3A_165 = arith.subi %shift_right_arithmetic3A_164, %sub3A : vector<16xi32>
      %jit3A = arith.constant 0 : i32
      %jit3A_166 = arith.constant 255 : i32
      %max3A = vector.broadcast %jit3A : i32 to vector<16xi32>
      %max3A_167 = arith.maxsi %max3A, %sub3A_165 : vector<16xi32>
      %min3A_168 = vector.broadcast %jit3A_166 : i32 to vector<16xi32>
      %min3A_169 = arith.minsi %min3A_168, %max3A_167 : vector<16xi32>
      %unique3A, %unique3A_170 = tpu.scan_count mask(%lt3A_158 : vector<16xi1>) value(%min3A_169 : vector<16xi32>) : vector<16xi1>, vector<16xi32>
      %gather3A = tpu.vector_load_idx %arg18[%min3A_169] : memref<272xi32, #tpu.memory_space<vmem>>[vector<16xi32>], vector<16xi32>,
      %add3A_171 = arith.addi %gather3A, %unique3A_170 : vector<16xi32>
      %and3A_172 = arith.andi %lt3A_158, %unique3A : vector<16xi1>
      tpu.vector_store_idx %arg18[%min3A_169], %add3A_171 masked %and3A_172 : memref<272xi32, #tpu.memory_space<vmem>>[vector<16xi32>], vector<16xi32>, vector<16xi1>
      %while3A_173 = arith.constant 0 : i32
      scf.yield %while3A_173 : i32
    }
    %while3A_36 = arith.constant 1 : i32
    %while3A_37 = scf.for %while3A_147 = %while3A_33 to %while3A_29 step %while3A_36 iter_args(%while3A_148 = %while3A_35) -> (i32)  : i32 {
      %mul3A_149 = arith.constant 16 : i32
      %mul3A_150 = arith.muli %while3A_147, %mul3A_149 : i32
      %get3A_151 = arith.index_cast %mul3A_150 : i32 to index
      %get3A_152 = tpu.vector_load %arg7[%get3A_151] {strides = array<i32>} : memref<16400xi32, #tpu.memory_space<vmem>>, vector<16xi32>,
      %mul3A_153 = arith.constant 16 : i32
      %mul3A_154 = arith.muli %while3A_147, %mul3A_153 : i32
      %add3A_155 = vector.broadcast %mul3A_154 : i32 to vector<16xi32>
      %add3A_156 = arith.addi %add3A_155, %iota3A : vector<16xi32>
      %lt3A_157 = vector.broadcast %scan3A_15 : i32 to vector<16xi32>
      %lt3A_158 = arith.cmpi slt, %add3A_156, %lt3A_157 : vector<16xi32>
      %min3A_159 = arith.constant 999935 : i32
      %min3A_160 = vector.broadcast %min3A_159 : i32 to vector<16xi32>
      %min3A_161 = arith.minsi %get3A_152, %min3A_160 : vector<16xi32>
      %shift_right_arithmetic3A_162 = arith.constant 7 : i32
      %shift_right_arithmetic3A_163 = vector.broadcast %shift_right_arithmetic3A_162 : i32 to vector<16xi32>
      %shift_right_arithmetic3A_164 = arith.shrsi %min3A_161, %shift_right_arithmetic3A_163 : vector<16xi32>
      %sub3A = vector.broadcast %add3A_4 : i32 to vector<16xi32>
      %sub3A_165 = arith.subi %shift_right_arithmetic3A_164, %sub3A : vector<16xi32>
      %jit3A = arith.constant 0 : i32
      %jit3A_166 = arith.constant 255 : i32
      %max3A = vector.broadcast %jit3A : i32 to vector<16xi32>
      %max3A_167 = arith.maxsi %max3A, %sub3A_165 : vector<16xi32>
      %min3A_168 = vector.broadcast %jit3A_166 : i32 to vector<16xi32>
      %min3A_169 = arith.minsi %min3A_168, %max3A_167 : vector<16xi32>
      %unique3A, %unique3A_170 = tpu.scan_count mask(%lt3A_158 : vector<16xi1>) value(%min3A_169 : vector<16xi32>) : vector<16xi1>, vector<16xi32>
      %gather3A = tpu.vector_load_idx %arg18[%min3A_169] : memref<272xi32, #tpu.memory_space<vmem>>[vector<16xi32>], vector<16xi32>,
      %add3A_171 = arith.addi %gather3A, %unique3A_170 : vector<16xi32>
      %and3A_172 = arith.andi %lt3A_158, %unique3A : vector<16xi1>
      tpu.vector_store_idx %arg18[%min3A_169], %add3A_171 masked %and3A_172 : memref<272xi32, #tpu.memory_space<vmem>>[vector<16xi32>], vector<16xi32>, vector<16xi1>
      %while3A_173 = arith.constant 0 : i32
      scf.yield %while3A_173 : i32
    }
    %scan3A_38 = arith.constant 0 : i32
    %scan3A_39 = arith.constant 0 : i32
    %scan3A_40 = arith.constant 17 : i32
    %scan3A_41 = arith.addi %scan3A_39, %scan3A_40 : i32
    %scan3A_42 = arith.constant 1 : i32
    %scan3A_43 = scf.for %scan3A_147 = %scan3A_39 to %scan3A_41 step %scan3A_42 iter_args(%scan3A_148 = %scan3A_38) -> (i32)  : i32 {
      %mul3A_149 = arith.constant 16 : i32
      %mul3A_150 = arith.muli %scan3A_147, %mul3A_149 : i32
      %get3A_151 = arith.index_cast %mul3A_150 : i32 to index
      %get3A_152 = tpu.vector_load %arg18[%get3A_151] {strides = array<i32>} : memref<272xi32, #tpu.memory_space<vmem>>, vector<16xi32>,
      %broadcast_in_dim3A_153 = arith.constant true
      %broadcast_in_dim3A_154 = vector.broadcast %broadcast_in_dim3A_153 : i1 to vector<16xi1>
      %masked_cumsum3A = tpu.scan <sum>, %get3A_152 masked %broadcast_in_dim3A_154 : vector<16xi32>, vector<16xi1> -> vector<16xi32>
      %sub3A = arith.subi %masked_cumsum3A, %get3A_152 : vector<16xi32>
      %add3A_155 = vector.broadcast %scan3A_148 : i32 to vector<16xi32>
      %add3A_156 = arith.addi %sub3A, %add3A_155 : vector<16xi32>
      %mul3A_157 = arith.constant 16 : i32
      %mul3A_158 = arith.muli %scan3A_147, %mul3A_157 : i32
      %swap3A_159 = arith.index_cast %mul3A_158 : i32 to index
      %swap3A_160 = tpu.vector_load %arg19[%swap3A_159] {strides = array<i32>} : memref<272xi32, #tpu.memory_space<vmem>>, vector<16xi32>,
      tpu.vector_store %arg19[%swap3A_159], %add3A_156 {strides = array<i32>} : memref<272xi32, #tpu.memory_space<vmem>>, vector<16xi32>,
      %mul3A_161 = arith.constant 16 : i32
      %mul3A_162 = arith.muli %scan3A_147, %mul3A_161 : i32
      %swap3A_163 = arith.index_cast %mul3A_162 : i32 to index
      %swap3A_164 = tpu.vector_load %arg20[%swap3A_163] {strides = array<i32>} : memref<272xi32, #tpu.memory_space<vmem>>, vector<16xi32>,
      tpu.vector_store %arg20[%swap3A_163], %add3A_156 {strides = array<i32>} : memref<272xi32, #tpu.memory_space<vmem>>, vector<16xi32>,
      %reduce_sum3A = arith.constant true
      %reduce_sum3A_165 = vector.broadcast %reduce_sum3A : i1 to vector<16xi1>
      %reduce_sum3A_166 = tpu.scan <sum>, %get3A_152 masked %reduce_sum3A_165 : vector<16xi32>, vector<16xi1> -> vector<16xi32>
      %reduce_sum3A_167 = vector.extract %reduce_sum3A_166[15] : i32 from vector<16xi32>
      %add3A_168 = arith.addi %scan3A_148, %reduce_sum3A_167 : i32
      scf.yield %add3A_168 : i32
    }
    %scan3A_44 = arith.constant 17 : i32
    %while3A_45 = arith.constant 0 : i32
    %while3A_46 = arith.constant 0 : i32
    %while3A_47 = arith.subi %shift_right_arithmetic3A_26, %while3A_45 : i32
    %while3A_48 = arith.addi %while3A_45, %while3A_47 : i32
    %while3A_49 = arith.constant 1 : i32
    %while3A_50 = arith.divsi %while3A_47, %while3A_49 : i32
    %while3A_51 = arith.muli %while3A_50, %while3A_49 : i32
    %while3A_52 = arith.addi %while3A_45, %while3A_51 : i32
    %while3A_53 = arith.constant 1 : i32
    %while3A_54 = scf.for %while3A_147 = %while3A_45 to %while3A_52 step %while3A_53 iter_args(%while3A_148 = %while3A_46) -> (i32)  : i32 {
      %mul3A_149 = arith.constant 16 : i32
      %mul3A_150 = arith.muli %while3A_147, %mul3A_149 : i32
      %get3A_151 = arith.index_cast %mul3A_150 : i32 to index
      %get3A_152 = tpu.vector_load %arg7[%get3A_151] {strides = array<i32>} : memref<16400xi32, #tpu.memory_space<vmem>>, vector<16xi32>,
      %mul3A_153 = arith.constant 16 : i32
      %mul3A_154 = arith.muli %while3A_147, %mul3A_153 : i32
      %get3A_155 = arith.index_cast %mul3A_154 : i32 to index
      %get3A_156 = tpu.vector_load %arg8[%get3A_155] {strides = array<i32>} : memref<16400xi32, #tpu.memory_space<vmem>>, vector<16xi32>,
      %mul3A_157 = arith.constant 16 : i32
      %mul3A_158 = arith.muli %while3A_147, %mul3A_157 : i32
      %add3A_159 = vector.broadcast %mul3A_158 : i32 to vector<16xi32>
      %add3A_160 = arith.addi %add3A_159, %iota3A : vector<16xi32>
      %lt3A_161 = vector.broadcast %scan3A_15 : i32 to vector<16xi32>
      %lt3A_162 = arith.cmpi slt, %add3A_160, %lt3A_161 : vector<16xi32>
      %min3A_163 = arith.constant 999935 : i32
      %min3A_164 = vector.broadcast %min3A_163 : i32 to vector<16xi32>
      %min3A_165 = arith.minsi %get3A_152, %min3A_164 : vector<16xi32>
      %shift_right_arithmetic3A_166 = arith.constant 7 : i32
      %shift_right_arithmetic3A_167 = vector.broadcast %shift_right_arithmetic3A_166 : i32 to vector<16xi32>
      %shift_right_arithmetic3A_168 = arith.shrsi %min3A_165, %shift_right_arithmetic3A_167 : vector<16xi32>
      %sub3A = vector.broadcast %add3A_4 : i32 to vector<16xi32>
      %sub3A_169 = arith.subi %shift_right_arithmetic3A_168, %sub3A : vector<16xi32>
      %jit3A = arith.constant 0 : i32
      %jit3A_170 = arith.constant 255 : i32
      %max3A = vector.broadcast %jit3A : i32 to vector<16xi32>
      %max3A_171 = arith.maxsi %max3A, %sub3A_169 : vector<16xi32>
      %min3A_172 = vector.broadcast %jit3A_170 : i32 to vector<16xi32>
      %min3A_173 = arith.minsi %min3A_172, %max3A_171 : vector<16xi32>
      %unique3A, %unique3A_174 = tpu.scan_count mask(%lt3A_162 : vector<16xi1>) value(%min3A_173 : vector<16xi32>) : vector<16xi1>, vector<16xi32>
      %gather3A = tpu.vector_load_idx %arg20[%min3A_173] : memref<272xi32, #tpu.memory_space<vmem>>[vector<16xi32>], vector<16xi32>,
      %add3A_175 = arith.addi %gather3A, %unique3A_174 : vector<16xi32>
      %sub3A_176 = arith.constant 1 : i32
      %sub3A_177 = vector.broadcast %sub3A_176 : i32 to vector<16xi32>
      %sub3A_178 = arith.subi %add3A_175, %sub3A_177 : vector<16xi32>
      %jit3A_179 = arith.constant 0 : i32
      %jit3A_180 = arith.constant 16383 : i32
      %max3A_181 = vector.broadcast %jit3A_179 : i32 to vector<16xi32>
      %max3A_182 = arith.maxsi %max3A_181, %sub3A_178 : vector<16xi32>
      %min3A_183 = vector.broadcast %jit3A_180 : i32 to vector<16xi32>
      %min3A_184 = arith.minsi %min3A_183, %max3A_182 : vector<16xi32>
      tpu.vector_store_idx %arg6[%min3A_184], %get3A_152 masked %lt3A_162 : memref<16400xi32, #tpu.memory_space<vmem>>[vector<16xi32>], vector<16xi32>, vector<16xi1>
      tpu.vector_store_idx %arg9[%min3A_184], %get3A_156 masked %lt3A_162 : memref<16400xi32, #tpu.memory_space<vmem>>[vector<16xi32>], vector<16xi32>, vector<16xi1>
      %add3A_185 = arith.addi %gather3A, %unique3A_174 : vector<16xi32>
      %and3A_186 = arith.andi %lt3A_162, %unique3A : vector<16xi1>
      tpu.vector_store_idx %arg20[%min3A_173], %add3A_185 masked %and3A_186 : memref<272xi32, #tpu.memory_space<vmem>>[vector<16xi32>], vector<16xi32>, vector<16xi1>
      %while3A_187 = arith.constant 0 : i32
      scf.yield %while3A_187 : i32
    }
    %while3A_55 = arith.constant 1 : i32
    %while3A_56 = scf.for %while3A_147 = %while3A_52 to %while3A_48 step %while3A_55 iter_args(%while3A_148 = %while3A_54) -> (i32)  : i32 {
      %mul3A_149 = arith.constant 16 : i32
      %mul3A_150 = arith.muli %while3A_147, %mul3A_149 : i32
      %get3A_151 = arith.index_cast %mul3A_150 : i32 to index
      %get3A_152 = tpu.vector_load %arg7[%get3A_151] {strides = array<i32>} : memref<16400xi32, #tpu.memory_space<vmem>>, vector<16xi32>,
      %mul3A_153 = arith.constant 16 : i32
      %mul3A_154 = arith.muli %while3A_147, %mul3A_153 : i32
      %get3A_155 = arith.index_cast %mul3A_154 : i32 to index
      %get3A_156 = tpu.vector_load %arg8[%get3A_155] {strides = array<i32>} : memref<16400xi32, #tpu.memory_space<vmem>>, vector<16xi32>,
      %mul3A_157 = arith.constant 16 : i32
      %mul3A_158 = arith.muli %while3A_147, %mul3A_157 : i32
      %add3A_159 = vector.broadcast %mul3A_158 : i32 to vector<16xi32>
      %add3A_160 = arith.addi %add3A_159, %iota3A : vector<16xi32>
      %lt3A_161 = vector.broadcast %scan3A_15 : i32 to vector<16xi32>
      %lt3A_162 = arith.cmpi slt, %add3A_160, %lt3A_161 : vector<16xi32>
      %min3A_163 = arith.constant 999935 : i32
      %min3A_164 = vector.broadcast %min3A_163 : i32 to vector<16xi32>
      %min3A_165 = arith.minsi %get3A_152, %min3A_164 : vector<16xi32>
      %shift_right_arithmetic3A_166 = arith.constant 7 : i32
      %shift_right_arithmetic3A_167 = vector.broadcast %shift_right_arithmetic3A_166 : i32 to vector<16xi32>
      %shift_right_arithmetic3A_168 = arith.shrsi %min3A_165, %shift_right_arithmetic3A_167 : vector<16xi32>
      %sub3A = vector.broadcast %add3A_4 : i32 to vector<16xi32>
      %sub3A_169 = arith.subi %shift_right_arithmetic3A_168, %sub3A : vector<16xi32>
      %jit3A = arith.constant 0 : i32
      %jit3A_170 = arith.constant 255 : i32
      %max3A = vector.broadcast %jit3A : i32 to vector<16xi32>
      %max3A_171 = arith.maxsi %max3A, %sub3A_169 : vector<16xi32>
      %min3A_172 = vector.broadcast %jit3A_170 : i32 to vector<16xi32>
      %min3A_173 = arith.minsi %min3A_172, %max3A_171 : vector<16xi32>
      %unique3A, %unique3A_174 = tpu.scan_count mask(%lt3A_162 : vector<16xi1>) value(%min3A_173 : vector<16xi32>) : vector<16xi1>, vector<16xi32>
      %gather3A = tpu.vector_load_idx %arg20[%min3A_173] : memref<272xi32, #tpu.memory_space<vmem>>[vector<16xi32>], vector<16xi32>,
      %add3A_175 = arith.addi %gather3A, %unique3A_174 : vector<16xi32>
      %sub3A_176 = arith.constant 1 : i32
      %sub3A_177 = vector.broadcast %sub3A_176 : i32 to vector<16xi32>
      %sub3A_178 = arith.subi %add3A_175, %sub3A_177 : vector<16xi32>
      %jit3A_179 = arith.constant 0 : i32
      %jit3A_180 = arith.constant 16383 : i32
      %max3A_181 = vector.broadcast %jit3A_179 : i32 to vector<16xi32>
      %max3A_182 = arith.maxsi %max3A_181, %sub3A_178 : vector<16xi32>
      %min3A_183 = vector.broadcast %jit3A_180 : i32 to vector<16xi32>
      %min3A_184 = arith.minsi %min3A_183, %max3A_182 : vector<16xi32>
      tpu.vector_store_idx %arg6[%min3A_184], %get3A_152 masked %lt3A_162 : memref<16400xi32, #tpu.memory_space<vmem>>[vector<16xi32>], vector<16xi32>, vector<16xi1>
      tpu.vector_store_idx %arg9[%min3A_184], %get3A_156 masked %lt3A_162 : memref<16400xi32, #tpu.memory_space<vmem>>[vector<16xi32>], vector<16xi32>, vector<16xi1>
      %add3A_185 = arith.addi %gather3A, %unique3A_174 : vector<16xi32>
      %and3A_186 = arith.andi %lt3A_162, %unique3A : vector<16xi1>
      tpu.vector_store_idx %arg20[%min3A_173], %add3A_185 masked %and3A_186 : memref<272xi32, #tpu.memory_space<vmem>>[vector<16xi32>], vector<16xi32>, vector<16xi1>
      %while3A_187 = arith.constant 0 : i32
      scf.yield %while3A_187 : i32
    }
    %swap3A = arith.constant 0 : i32
    %swap3A_57 = arith.constant 0 : i32
    %swap3A_58 = arith.index_cast %swap3A_57 : i32 to index
    %swap3A_59 = memref.load %arg21[%swap3A_58] : memref<8xi32, #tpu.memory_space<smem>>
    memref.store %swap3A, %arg21[%swap3A_58] : memref<8xi32, #tpu.memory_space<smem>>
    %gt3A = arith.constant 0 : i32
    %gt3A_60 = arith.cmpi sgt, %add3A_7, %gt3A : i32
    %get3A = arith.constant 0 : index
    %get3A_61 = tpu.vector_load %arg18[%get3A] {strides = array<i32>} : memref<272xi32, #tpu.memory_space<vmem>>, vector<16xi32>,
    %slice3A = vector.extract_strided_slice %get3A_61 {offsets = [0], sizes = [1], strides = [1]} : vector<16xi32> to vector<1xi32>
    %squeeze3A = vector.extract %slice3A[0] : i32 from vector<1xi32>
    %gt3A_62 = arith.constant 0 : i32
    %gt3A_63 = arith.cmpi sgt, %squeeze3A, %gt3A_62 : i32
    %and3A = arith.andi %gt3A_60, %gt3A_63 : i1
    %convert_element_type3A_64 = arith.extui %and3A : i1 to i32
    %cond3A = arith.constant 0 : i32
    %cond3A_65 = arith.cmpi ne, %convert_element_type3A_64, %cond3A : i32
    scf.if %cond3A_65 {
      %add3A_147 = arith.constant 0 : i32
      %add3A_148 = arith.addi %add3A_4, %add3A_147 : i32
      %mul3A_149 = arith.constant 128 : i32
      %mul3A_150 = arith.muli %add3A_148, %mul3A_149 : i32
      %multiple_of3A = tpu.assume_multiple %mul3A_150, 128 : i32
      %dma_start3A = arith.constant 0 : i32
      %dma_start3A_151 = tpu.memref_slice %arg3[%dma_start3A, %multiple_of3A] : memref<64x1000000xf32, #tpu.memory_space<hbm>> -> memref<64x128xf32, #tpu.memory_space<hbm>>
      %dma_start3A_152 = arith.constant 0 : i32
      %dma_start3A_153 = tpu.memref_slice %arg3[%dma_start3A_152, %multiple_of3A] : memref<64x1000000xf32, #tpu.memory_space<hbm>> -> memref<64x128xf32, #tpu.memory_space<hbm>>
      tpu.enqueue_dma source(%dma_start3A_153 : memref<64x128xf32, #tpu.memory_space<hbm>>) target(%arg10 : memref<64x128xf32, #tpu.memory_space<vmem>>) target_semaphore(%arg22 : memref<!tpu.dma_semaphore, #tpu.memory_space<semaphore_mem>>)
    } else {
    }
    %gt3A_66 = arith.constant 1 : i32
    %gt3A_67 = arith.cmpi sgt, %add3A_7, %gt3A_66 : i32
    %get3A_68 = arith.constant 1 : index
    %get3A_69 = tpu.vector_load %arg18[%get3A_68] {strides = array<i32>} : memref<272xi32, #tpu.memory_space<vmem>>, vector<16xi32>,
    %slice3A_70 = vector.extract_strided_slice %get3A_69 {offsets = [0], sizes = [1], strides = [1]} : vector<16xi32> to vector<1xi32>
    %squeeze3A_71 = vector.extract %slice3A_70[0] : i32 from vector<1xi32>
    %gt3A_72 = arith.constant 0 : i32
    %gt3A_73 = arith.cmpi sgt, %squeeze3A_71, %gt3A_72 : i32
    %and3A_74 = arith.andi %gt3A_67, %gt3A_73 : i1
    %convert_element_type3A_75 = arith.extui %and3A_74 : i1 to i32
    %cond3A_76 = arith.constant 0 : i32
    %cond3A_77 = arith.cmpi ne, %convert_element_type3A_75, %cond3A_76 : i32
    scf.if %cond3A_77 {
      %add3A_147 = arith.constant 1 : i32
      %add3A_148 = arith.addi %add3A_4, %add3A_147 : i32
      %mul3A_149 = arith.constant 128 : i32
      %mul3A_150 = arith.muli %add3A_148, %mul3A_149 : i32
      %multiple_of3A = tpu.assume_multiple %mul3A_150, 128 : i32
      %dma_start3A = arith.constant 0 : i32
      %dma_start3A_151 = tpu.memref_slice %arg3[%dma_start3A, %multiple_of3A] : memref<64x1000000xf32, #tpu.memory_space<hbm>> -> memref<64x128xf32, #tpu.memory_space<hbm>>
      %dma_start3A_152 = arith.constant 0 : i32
      %dma_start3A_153 = tpu.memref_slice %arg3[%dma_start3A_152, %multiple_of3A] : memref<64x1000000xf32, #tpu.memory_space<hbm>> -> memref<64x128xf32, #tpu.memory_space<hbm>>
      tpu.enqueue_dma source(%dma_start3A_153 : memref<64x128xf32, #tpu.memory_space<hbm>>) target(%arg11 : memref<64x128xf32, #tpu.memory_space<vmem>>) target_semaphore(%arg23 : memref<!tpu.dma_semaphore, #tpu.memory_space<semaphore_mem>>)
    } else {
    }
    %gt3A_78 = arith.constant 2 : i32
    %gt3A_79 = arith.cmpi sgt, %add3A_7, %gt3A_78 : i32
    %get3A_80 = arith.constant 2 : index
    %get3A_81 = tpu.vector_load %arg18[%get3A_80] {strides = array<i32>} : memref<272xi32, #tpu.memory_space<vmem>>, vector<16xi32>,
    %slice3A_82 = vector.extract_strided_slice %get3A_81 {offsets = [0], sizes = [1], strides = [1]} : vector<16xi32> to vector<1xi32>
    %squeeze3A_83 = vector.extract %slice3A_82[0] : i32 from vector<1xi32>
    %gt3A_84 = arith.constant 0 : i32
    %gt3A_85 = arith.cmpi sgt, %squeeze3A_83, %gt3A_84 : i32
    %and3A_86 = arith.andi %gt3A_79, %gt3A_85 : i1
    %convert_element_type3A_87 = arith.extui %and3A_86 : i1 to i32
    %cond3A_88 = arith.constant 0 : i32
    %cond3A_89 = arith.cmpi ne, %convert_element_type3A_87, %cond3A_88 : i32
    scf.if %cond3A_89 {
      %add3A_147 = arith.constant 2 : i32
      %add3A_148 = arith.addi %add3A_4, %add3A_147 : i32
      %mul3A_149 = arith.constant 128 : i32
      %mul3A_150 = arith.muli %add3A_148, %mul3A_149 : i32
      %multiple_of3A = tpu.assume_multiple %mul3A_150, 128 : i32
      %dma_start3A = arith.constant 0 : i32
      %dma_start3A_151 = tpu.memref_slice %arg3[%dma_start3A, %multiple_of3A] : memref<64x1000000xf32, #tpu.memory_space<hbm>> -> memref<64x128xf32, #tpu.memory_space<hbm>>
      %dma_start3A_152 = arith.constant 0 : i32
      %dma_start3A_153 = tpu.memref_slice %arg3[%dma_start3A_152, %multiple_of3A] : memref<64x1000000xf32, #tpu.memory_space<hbm>> -> memref<64x128xf32, #tpu.memory_space<hbm>>
      tpu.enqueue_dma source(%dma_start3A_153 : memref<64x128xf32, #tpu.memory_space<hbm>>) target(%arg12 : memref<64x128xf32, #tpu.memory_space<vmem>>) target_semaphore(%arg24 : memref<!tpu.dma_semaphore, #tpu.memory_space<semaphore_mem>>)
    } else {
    }
    %gt3A_90 = arith.constant 3 : i32
    %gt3A_91 = arith.cmpi sgt, %add3A_7, %gt3A_90 : i32
    %get3A_92 = arith.constant 3 : index
    %get3A_93 = tpu.vector_load %arg18[%get3A_92] {strides = array<i32>} : memref<272xi32, #tpu.memory_space<vmem>>, vector<16xi32>,
    %slice3A_94 = vector.extract_strided_slice %get3A_93 {offsets = [0], sizes = [1], strides = [1]} : vector<16xi32> to vector<1xi32>
    %squeeze3A_95 = vector.extract %slice3A_94[0] : i32 from vector<1xi32>
    %gt3A_96 = arith.constant 0 : i32
    %gt3A_97 = arith.cmpi sgt, %squeeze3A_95, %gt3A_96 : i32
    %and3A_98 = arith.andi %gt3A_91, %gt3A_97 : i1
    %convert_element_type3A_99 = arith.extui %and3A_98 : i1 to i32
    %cond3A_100 = arith.constant 0 : i32
    %cond3A_101 = arith.cmpi ne, %convert_element_type3A_99, %cond3A_100 : i32
    scf.if %cond3A_101 {
      %add3A_147 = arith.constant 3 : i32
      %add3A_148 = arith.addi %add3A_4, %add3A_147 : i32
      %mul3A_149 = arith.constant 128 : i32
      %mul3A_150 = arith.muli %add3A_148, %mul3A_149 : i32
      %multiple_of3A = tpu.assume_multiple %mul3A_150, 128 : i32
      %dma_start3A = arith.constant 0 : i32
      %dma_start3A_151 = tpu.memref_slice %arg3[%dma_start3A, %multiple_of3A] : memref<64x1000000xf32, #tpu.memory_space<hbm>> -> memref<64x128xf32, #tpu.memory_space<hbm>>
      %dma_start3A_152 = arith.constant 0 : i32
      %dma_start3A_153 = tpu.memref_slice %arg3[%dma_start3A_152, %multiple_of3A] : memref<64x1000000xf32, #tpu.memory_space<hbm>> -> memref<64x128xf32, #tpu.memory_space<hbm>>
      tpu.enqueue_dma source(%dma_start3A_153 : memref<64x128xf32, #tpu.memory_space<hbm>>) target(%arg13 : memref<64x128xf32, #tpu.memory_space<vmem>>) target_semaphore(%arg25 : memref<!tpu.dma_semaphore, #tpu.memory_space<semaphore_mem>>)
    } else {
    }
    %gt3A_102 = arith.constant 4 : i32
    %gt3A_103 = arith.cmpi sgt, %add3A_7, %gt3A_102 : i32
    %get3A_104 = arith.constant 4 : index
    %get3A_105 = tpu.vector_load %arg18[%get3A_104] {strides = array<i32>} : memref<272xi32, #tpu.memory_space<vmem>>, vector<16xi32>,
    %slice3A_106 = vector.extract_strided_slice %get3A_105 {offsets = [0], sizes = [1], strides = [1]} : vector<16xi32> to vector<1xi32>
    %squeeze3A_107 = vector.extract %slice3A_106[0] : i32 from vector<1xi32>
    %gt3A_108 = arith.constant 0 : i32
    %gt3A_109 = arith.cmpi sgt, %squeeze3A_107, %gt3A_108 : i32
    %and3A_110 = arith.andi %gt3A_103, %gt3A_109 : i1
    %convert_element_type3A_111 = arith.extui %and3A_110 : i1 to i32
    %cond3A_112 = arith.constant 0 : i32
    %cond3A_113 = arith.cmpi ne, %convert_element_type3A_111, %cond3A_112 : i32
    scf.if %cond3A_113 {
      %add3A_147 = arith.constant 4 : i32
      %add3A_148 = arith.addi %add3A_4, %add3A_147 : i32
      %mul3A_149 = arith.constant 128 : i32
      %mul3A_150 = arith.muli %add3A_148, %mul3A_149 : i32
      %multiple_of3A = tpu.assume_multiple %mul3A_150, 128 : i32
      %dma_start3A = arith.constant 0 : i32
      %dma_start3A_151 = tpu.memref_slice %arg3[%dma_start3A, %multiple_of3A] : memref<64x1000000xf32, #tpu.memory_space<hbm>> -> memref<64x128xf32, #tpu.memory_space<hbm>>
      %dma_start3A_152 = arith.constant 0 : i32
      %dma_start3A_153 = tpu.memref_slice %arg3[%dma_start3A_152, %multiple_of3A] : memref<64x1000000xf32, #tpu.memory_space<hbm>> -> memref<64x128xf32, #tpu.memory_space<hbm>>
      tpu.enqueue_dma source(%dma_start3A_153 : memref<64x128xf32, #tpu.memory_space<hbm>>) target(%arg14 : memref<64x128xf32, #tpu.memory_space<vmem>>) target_semaphore(%arg26 : memref<!tpu.dma_semaphore, #tpu.memory_space<semaphore_mem>>)
    } else {
    }
    %gt3A_114 = arith.constant 5 : i32
    %gt3A_115 = arith.cmpi sgt, %add3A_7, %gt3A_114 : i32
    %get3A_116 = arith.constant 5 : index
    %get3A_117 = tpu.vector_load %arg18[%get3A_116] {strides = array<i32>} : memref<272xi32, #tpu.memory_space<vmem>>, vector<16xi32>,
    %slice3A_118 = vector.extract_strided_slice %get3A_117 {offsets = [0], sizes = [1], strides = [1]} : vector<16xi32> to vector<1xi32>
    %squeeze3A_119 = vector.extract %slice3A_118[0] : i32 from vector<1xi32>
    %gt3A_120 = arith.constant 0 : i32
    %gt3A_121 = arith.cmpi sgt, %squeeze3A_119, %gt3A_120 : i32
    %and3A_122 = arith.andi %gt3A_115, %gt3A_121 : i1
    %convert_element_type3A_123 = arith.extui %and3A_122 : i1 to i32
    %cond3A_124 = arith.constant 0 : i32
    %cond3A_125 = arith.cmpi ne, %convert_element_type3A_123, %cond3A_124 : i32
    scf.if %cond3A_125 {
      %add3A_147 = arith.constant 5 : i32
      %add3A_148 = arith.addi %add3A_4, %add3A_147 : i32
      %mul3A_149 = arith.constant 128 : i32
      %mul3A_150 = arith.muli %add3A_148, %mul3A_149 : i32
      %multiple_of3A = tpu.assume_multiple %mul3A_150, 128 : i32
      %dma_start3A = arith.constant 0 : i32
      %dma_start3A_151 = tpu.memref_slice %arg3[%dma_start3A, %multiple_of3A] : memref<64x1000000xf32, #tpu.memory_space<hbm>> -> memref<64x128xf32, #tpu.memory_space<hbm>>
      %dma_start3A_152 = arith.constant 0 : i32
      %dma_start3A_153 = tpu.memref_slice %arg3[%dma_start3A_152, %multiple_of3A] : memref<64x1000000xf32, #tpu.memory_space<hbm>> -> memref<64x128xf32, #tpu.memory_space<hbm>>
      tpu.enqueue_dma source(%dma_start3A_153 : memref<64x128xf32, #tpu.memory_space<hbm>>) target(%arg15 : memref<64x128xf32, #tpu.memory_space<vmem>>) target_semaphore(%arg27 : memref<!tpu.dma_semaphore, #tpu.memory_space<semaphore_mem>>)
    } else {
    }
    %scan3A_126 = arith.constant 0 : i32
    %scan3A_127 = arith.constant 0 : i32
    %scan3A_128 = arith.constant 42 : i32
    %scan3A_129 = arith.addi %scan3A_127, %scan3A_128 : i32
    %scan3A_130 = arith.constant 1 : i32
    %scan3A_131 = scf.for %scan3A_147 = %scan3A_127 to %scan3A_129 step %scan3A_130 iter_args(%scan3A_148 = %scan3A_126) -> (i32)  : i32 {
      %mul3A_149 = arith.constant 6 : i32
      %mul3A_150 = arith.muli %scan3A_147, %mul3A_149 : i32
      %add3A_151 = arith.constant 0 : i32
      %add3A_152 = arith.addi %mul3A_150, %add3A_151 : i32
      %lt3A_153 = arith.cmpi slt, %add3A_152, %add3A_7 : i32
      %get3A_154 = arith.index_cast %add3A_152 : i32 to index
      %get3A_155 = tpu.vector_load %arg18[%get3A_154] {strides = array<i32>} : memref<272xi32, #tpu.memory_space<vmem>>, vector<16xi32>,
      %slice3A_156 = vector.extract_strided_slice %get3A_155 {offsets = [0], sizes = [1], strides = [1]} : vector<16xi32> to vector<1xi32>
      %squeeze3A_157 = vector.extract %slice3A_156[0] : i32 from vector<1xi32>
      %gt3A_158 = arith.constant 0 : i32
      %gt3A_159 = arith.cmpi sgt, %squeeze3A_157, %gt3A_158 : i32
      %and3A_160 = arith.andi %lt3A_153, %gt3A_159 : i1
      %convert_element_type3A_161 = arith.extui %and3A_160 : i1 to i32
      %cond3A_162 = arith.constant 0 : i32
      %cond3A_163 = arith.cmpi ne, %convert_element_type3A_161, %cond3A_162 : i32
      scf.if %cond3A_163 {
        %dma_wait3A = arith.constant 0 : i32
        %dma_wait3A_318 = arith.constant 0 : i32
        %dma_wait3A_319 = tpu.memref_slice %arg3[%dma_wait3A, %dma_wait3A_318] : memref<64x1000000xf32, #tpu.memory_space<hbm>> -> memref<64x128xf32, #tpu.memory_space<hbm>>
        %dma_wait3A_320 = arith.constant 0 : i32
        %dma_wait3A_321 = arith.constant 0 : i32
        %dma_wait3A_322 = tpu.memref_slice %arg3[%dma_wait3A_320, %dma_wait3A_321] : memref<64x1000000xf32, #tpu.memory_space<hbm>> -> memref<64x128xf32, #tpu.memory_space<hbm>>
        tpu.wait_dma2 semaphore(%arg22 : memref<!tpu.dma_semaphore, #tpu.memory_space<semaphore_mem>>) src(%dma_wait3A_322 : memref<64x128xf32, #tpu.memory_space<hbm>>) dst(%arg10 : memref<64x128xf32, #tpu.memory_space<vmem>>)
        %add3A_323 = arith.addi %add3A_4, %add3A_152 : i32
        %mul3A_324 = arith.constant 128 : i32
        %mul3A_325 = arith.muli %add3A_323, %mul3A_324 : i32
        %get3A_326 = arith.index_cast %add3A_152 : i32 to index
        %get3A_327 = tpu.vector_load %arg19[%get3A_326] {strides = array<i32>} : memref<272xi32, #tpu.memory_space<vmem>>, vector<16xi32>,
        %slice3A_328 = vector.extract_strided_slice %get3A_327 {offsets = [0], sizes = [1], strides = [1]} : vector<16xi32> to vector<1xi32>
        %squeeze3A_329 = vector.extract %slice3A_328[0] : i32 from vector<1xi32>
        %get3A_330 = arith.index_cast %add3A_152 : i32 to index
        %get3A_331 = tpu.vector_load %arg18[%get3A_330] {strides = array<i32>} : memref<272xi32, #tpu.memory_space<vmem>>, vector<16xi32>,
        %slice3A_332 = vector.extract_strided_slice %get3A_331 {offsets = [0], sizes = [1], strides = [1]} : vector<16xi32> to vector<1xi32>
        %squeeze3A_333 = vector.extract %slice3A_332[0] : i32 from vector<1xi32>
        %add3A_334 = arith.addi %squeeze3A_329, %squeeze3A_333 : i32
        %while3A_335 = arith.constant 0 : i32
        %while3A_336 = arith.subi %add3A_334, %squeeze3A_329 : i32
        %while3A_337 = arith.addi %squeeze3A_329, %while3A_336 : i32
        %while3A_338 = arith.constant 1 : i32
        %while3A_339 = arith.divsi %while3A_336, %while3A_338 : i32
        %while3A_340 = arith.muli %while3A_339, %while3A_338 : i32
        %while3A_341 = arith.addi %squeeze3A_329, %while3A_340 : i32
        %while3A_342 = arith.constant 1 : i32
        %while3A_343 = scf.for %while3A_346 = %squeeze3A_329 to %while3A_341 step %while3A_342 iter_args(%while3A_347 = %while3A_335) -> (i32)  : i32 {
          %get3A_348 = arith.index_cast %while3A_346 : i32 to index
          %get3A_349 = tpu.vector_load %arg6[%get3A_348] {strides = array<i32>} : memref<16400xi32, #tpu.memory_space<vmem>>, vector<16xi32>,
          %slice3A_350 = vector.extract_strided_slice %get3A_349 {offsets = [0], sizes = [1], strides = [1]} : vector<16xi32> to vector<1xi32>
          %squeeze3A_351 = vector.extract %slice3A_350[0] : i32 from vector<1xi32>
          %get3A_352 = arith.index_cast %while3A_346 : i32 to index
          %get3A_353 = tpu.vector_load %arg9[%get3A_352] {strides = array<i32>} : memref<16400xi32, #tpu.memory_space<vmem>>, vector<16xi32>,
          %slice3A_354 = vector.extract_strided_slice %get3A_353 {offsets = [0], sizes = [1], strides = [1]} : vector<16xi32> to vector<1xi32>
          %squeeze3A_355 = vector.extract %slice3A_354[0] : i32 from vector<1xi32>
          %get3A_356 = arith.constant 0 : i32
          %get3A_357 = arith.index_cast %get3A_356 : i32 to index
          %get3A_358 = memref.load %arg21[%get3A_357] : memref<8xi32, #tpu.memory_space<smem>>
          %add3A_359 = arith.constant 1 : i32
          %add3A_360 = arith.addi %get3A_358, %add3A_359 : i32
          %swap3A_361 = arith.constant 0 : i32
          %swap3A_362 = arith.index_cast %swap3A_361 : i32 to index
          %swap3A_363 = memref.load %arg21[%swap3A_362] : memref<8xi32, #tpu.memory_space<smem>>
          memref.store %add3A_360, %arg21[%swap3A_362] : memref<8xi32, #tpu.memory_space<smem>>
          %and3A_364 = arith.constant 31 : i32
          %and3A_365 = arith.andi %get3A_358, %and3A_364 : i32
          %mul3A_366 = arith.constant 64 : i32
          %mul3A_367 = arith.muli %and3A_365, %mul3A_366 : i32
          %multiple_of3A = tpu.assume_multiple %mul3A_367, 64 : i32
          %ge3A = arith.constant 32 : i32
          %ge3A_368 = arith.cmpi sge, %get3A_358, %ge3A : i32
          %convert_element_type3A_369 = arith.extui %ge3A_368 : i1 to i32
          %cond3A_370 = arith.constant 0 : i32
          %cond3A_371 = arith.cmpi ne, %convert_element_type3A_369, %cond3A_370 : i32
          scf.if %cond3A_371 {
            %dma_wait3A_434 = arith.constant 0 : i32
            %dma_wait3A_435 = tpu.memref_slice %arg17[%dma_wait3A_434] : memref<2048xf32, #tpu.memory_space<vmem>> -> memref<64xf32, #tpu.memory_space<vmem>>
            %dma_wait3A_436 = arith.constant 0 : i32
            %dma_wait3A_437 = tpu.memref_slice %arg5[%dma_wait3A_436] : memref<1048576xf32, #tpu.memory_space<hbm>> -> memref<64xf32, #tpu.memory_space<hbm>>
            %dma_wait3A_438 = arith.constant 0 : i32
            %dma_wait3A_439 = tpu.memref_slice %arg17[%dma_wait3A_438] : memref<2048xf32, #tpu.memory_space<vmem>> -> memref<64xf32, #tpu.memory_space<vmem>>
            %dma_wait3A_440 = arith.constant 0 : i32
            %dma_wait3A_441 = tpu.memref_slice %arg5[%dma_wait3A_440] : memref<1048576xf32, #tpu.memory_space<hbm>> -> memref<64xf32, #tpu.memory_space<hbm>>
            tpu.wait_dma2 semaphore(%arg28 : memref<!tpu.dma_semaphore, #tpu.memory_space<semaphore_mem>>) src(%dma_wait3A_441 : memref<64xf32, #tpu.memory_space<hbm>>) dst(%dma_wait3A_439 : memref<64xf32, #tpu.memory_space<vmem>>)
          } else {
          }
          %sub3A = arith.subi %squeeze3A_351, %mul3A_325 : i32
          %min3A_372 = arith.constant 127 : i32
          %min3A_373 = arith.minsi %sub3A, %min3A_372 : i32
          %ge3A_374 = arith.constant 999936 : i32
          %ge3A_375 = arith.cmpi sge, %squeeze3A_351, %ge3A_374 : i32
          %convert_element_type3A_376 = arith.extui %ge3A_375 : i1 to i32
          %add3A_377 = vector.broadcast %convert_element_type3A_376 : i32 to vector<16xi32>
          %add3A_378 = arith.addi %broadcast_in_dim3A_8, %add3A_377 : vector<16xi32>
          %ne3A = arith.constant 0 : i32
          %ne3A_379 = vector.broadcast %ne3A : i32 to vector<16xi32>
          %ne3A_380 = arith.cmpi ne, %add3A_378, %ne3A_379 : vector<16xi32>
          %add3A_381 = vector.broadcast %min3A_373 : i32 to vector<16xi32>
          %add3A_382 = arith.addi %broadcast_in_dim3A_8, %add3A_381 : vector<16xi32>
          %sub3A_383 = arith.constant 999936 : i32
          %sub3A_384 = arith.subi %squeeze3A_351, %sub3A_383 : i32
          %max3A = arith.constant 0 : i32
          %max3A_385 = arith.maxsi %sub3A_384, %max3A : i32
          %min3A_386 = arith.constant 63 : i32
          %min3A_387 = arith.minsi %max3A_385, %min3A_386 : i32
          %add3A_388 = vector.broadcast %min3A_387 : i32 to vector<16xi32>
          %add3A_389 = arith.addi %broadcast_in_dim3A_8, %add3A_388 : vector<16xi32>
          %add3A_390 = arith.constant 0 : i32
          %add3A_391 = vector.broadcast %add3A_390 : i32 to vector<16xi32>
          %add3A_392 = arith.addi %iota3A, %add3A_391 : vector<16xi32>
          %gather3A = tpu.vector_load_idx %arg10[%add3A_392, %add3A_382] : memref<64x128xf32, #tpu.memory_space<vmem>>[vector<16xi32>, vector<16xi32>], vector<16xf32>,
          %gather3A_393 = tpu.vector_load_idx %arg16[%add3A_389, %add3A_392] : memref<64x64xf32, #tpu.memory_space<vmem>>[vector<16xi32>, vector<16xi32>], vector<16xf32>,
          %select_n3A = arith.select %ne3A_380, %gather3A_393, %gather3A : vector<16xi1>, vector<16xf32>
          %add3A_394 = arith.constant 0 : i32
          %add3A_395 = arith.addi %multiple_of3A, %add3A_394 : i32
          %swap3A_396 = arith.index_cast %add3A_395 : i32 to index
          %swap3A_397 = tpu.vector_load %arg17[%swap3A_396] {strides = array<i32>} : memref<2048xf32, #tpu.memory_space<vmem>>, vector<16xf32>,
          tpu.vector_store %arg17[%swap3A_396], %select_n3A {strides = array<i32>} : memref<2048xf32, #tpu.memory_space<vmem>>, vector<16xf32>,
          %add3A_398 = arith.constant 16 : i32
          %add3A_399 = vector.broadcast %add3A_398 : i32 to vector<16xi32>
          %add3A_400 = arith.addi %iota3A, %add3A_399 : vector<16xi32>
          %gather3A_401 = tpu.vector_load_idx %arg10[%add3A_400, %add3A_382] : memref<64x128xf32, #tpu.memory_space<vmem>>[vector<16xi32>, vector<16xi32>], vector<16xf32>,
          %gather3A_402 = tpu.vector_load_idx %arg16[%add3A_389, %add3A_400] : memref<64x64xf32, #tpu.memory_space<vmem>>[vector<16xi32>, vector<16xi32>], vector<16xf32>,
          %select_n3A_403 = arith.select %ne3A_380, %gather3A_402, %gather3A_401 : vector<16xi1>, vector<16xf32>
          %add3A_404 = arith.constant 16 : i32
          %add3A_405 = arith.addi %multiple_of3A, %add3A_404 : i32
          %swap3A_406 = arith.index_cast %add3A_405 : i32 to index
          %swap3A_407 = tpu.vector_load %arg17[%swap3A_406] {strides = array<i32>} : memref<2048xf32, #tpu.memory_space<vmem>>, vector<16xf32>,
          tpu.vector_store %arg17[%swap3A_406], %select_n3A_403 {strides = array<i32>} : memref<2048xf32, #tpu.memory_space<vmem>>, vector<16xf32>,
          %add3A_408 = arith.constant 32 : i32
          %add3A_409 = vector.broadcast %add3A_408 : i32 to vector<16xi32>
          %add3A_410 = arith.addi %iota3A, %add3A_409 : vector<16xi32>
          %gather3A_411 = tpu.vector_load_idx %arg10[%add3A_410, %add3A_382] : memref<64x128xf32, #tpu.memory_space<vmem>>[vector<16xi32>, vector<16xi32>], vector<16xf32>,
          %gather3A_412 = tpu.vector_load_idx %arg16[%add3A_389, %add3A_410] : memref<64x64xf32, #tpu.memory_space<vmem>>[vector<16xi32>, vector<16xi32>], vector<16xf32>,
          %select_n3A_413 = arith.select %ne3A_380, %gather3A_412, %gather3A_411 : vector<16xi1>, vector<16xf32>
          %add3A_414 = arith.constant 32 : i32
          %add3A_415 = arith.addi %multiple_of3A, %add3A_414 : i32
          %swap3A_416 = arith.index_cast %add3A_415 : i32 to index
          %swap3A_417 = tpu.vector_load %arg17[%swap3A_416] {strides = array<i32>} : memref<2048xf32, #tpu.memory_space<vmem>>, vector<16xf32>,
          tpu.vector_store %arg17[%swap3A_416], %select_n3A_413 {strides = array<i32>} : memref<2048xf32, #tpu.memory_space<vmem>>, vector<16xf32>,
          %add3A_418 = arith.constant 48 : i32
          %add3A_419 = vector.broadcast %add3A_418 : i32 to vector<16xi32>
          %add3A_420 = arith.addi %iota3A, %add3A_419 : vector<16xi32>
          %gather3A_421 = tpu.vector_load_idx %arg10[%add3A_420, %add3A_382] : memref<64x128xf32, #tpu.memory_space<vmem>>[vector<16xi32>, vector<16xi32>], vector<16xf32>,
          %gather3A_422 = tpu.vector_load_idx %arg16[%add3A_389, %add3A_420] : memref<64x64xf32, #tpu.memory_space<vmem>>[vector<16xi32>, vector<16xi32>], vector<16xf32>,
          %select_n3A_423 = arith.select %ne3A_380, %gather3A_422, %gather3A_421 : vector<16xi1>, vector<16xf32>
          %add3A_424 = arith.constant 48 : i32
          %add3A_425 = arith.addi %multiple_of3A, %add3A_424 : i32
          %swap3A_426 = arith.index_cast %add3A_425 : i32 to index
          %swap3A_427 = tpu.vector_load %arg17[%swap3A_426] {strides = array<i32>} : memref<2048xf32, #tpu.memory_space<vmem>>, vector<16xf32>,
          tpu.vector_store %arg17[%swap3A_426], %select_n3A_423 {strides = array<i32>} : memref<2048xf32, #tpu.memory_space<vmem>>, vector<16xf32>,
          %mul3A_428 = arith.constant 64 : i32
          %mul3A_429 = arith.muli %squeeze3A_355, %mul3A_428 : i32
          %dma_start3A = tpu.memref_slice %arg17[%multiple_of3A] : memref<2048xf32, #tpu.memory_space<vmem>> -> memref<64xf32, #tpu.memory_space<vmem>>
          %dma_start3A_430 = tpu.memref_slice %arg5[%mul3A_429] : memref<1048576xf32, #tpu.memory_space<hbm>> -> memref<64xf32, #tpu.memory_space<hbm>>
          %dma_start3A_431 = tpu.memref_slice %arg5[%mul3A_429] : memref<1048576xf32, #tpu.memory_space<hbm>> -> memref<64xf32, #tpu.memory_space<hbm>>
          %dma_start3A_432 = tpu.memref_slice %arg17[%multiple_of3A] : memref<2048xf32, #tpu.memory_space<vmem>> -> memref<64xf32, #tpu.memory_space<vmem>>
          tpu.enqueue_dma source(%dma_start3A_432 : memref<64xf32, #tpu.memory_space<vmem>>) target(%dma_start3A_431 : memref<64xf32, #tpu.memory_space<hbm>>) target_semaphore(%arg28 : memref<!tpu.dma_semaphore, #tpu.memory_space<semaphore_mem>>)
          %while3A_433 = arith.constant 0 : i32
          scf.yield %while3A_433 : i32
        }
        %while3A_344 = arith.constant 1 : i32
        %while3A_345 = scf.for %while3A_346 = %while3A_341 to %while3A_337 step %while3A_344 iter_args(%while3A_347 = %while3A_343) -> (i32)  : i32 {
          %get3A_348 = arith.index_cast %while3A_346 : i32 to index
          %get3A_349 = tpu.vector_load %arg6[%get3A_348] {strides = array<i32>} : memref<16400xi32, #tpu.memory_space<vmem>>, vector<16xi32>,
          %slice3A_350 = vector.extract_strided_slice %get3A_349 {offsets = [0], sizes = [1], strides = [1]} : vector<16xi32> to vector<1xi32>
          %squeeze3A_351 = vector.extract %slice3A_350[0] : i32 from vector<1xi32>
          %get3A_352 = arith.index_cast %while3A_346 : i32 to index
          %get3A_353 = tpu.vector_load %arg9[%get3A_352] {strides = array<i32>} : memref<16400xi32, #tpu.memory_space<vmem>>, vector<16xi32>,
          %slice3A_354 = vector.extract_strided_slice %get3A_353 {offsets = [0], sizes = [1], strides = [1]} : vector<16xi32> to vector<1xi32>
          %squeeze3A_355 = vector.extract %slice3A_354[0] : i32 from vector<1xi32>
          %get3A_356 = arith.constant 0 : i32
          %get3A_357 = arith.index_cast %get3A_356 : i32 to index
          %get3A_358 = memref.load %arg21[%get3A_357] : memref<8xi32, #tpu.memory_space<smem>>
          %add3A_359 = arith.constant 1 : i32
          %add3A_360 = arith.addi %get3A_358, %add3A_359 : i32
          %swap3A_361 = arith.constant 0 : i32
          %swap3A_362 = arith.index_cast %swap3A_361 : i32 to index
          %swap3A_363 = memref.load %arg21[%swap3A_362] : memref<8xi32, #tpu.memory_space<smem>>
          memref.store %add3A_360, %arg21[%swap3A_362] : memref<8xi32, #tpu.memory_space<smem>>
          %and3A_364 = arith.constant 31 : i32
          %and3A_365 = arith.andi %get3A_358, %and3A_364 : i32
          %mul3A_366 = arith.constant 64 : i32
          %mul3A_367 = arith.muli %and3A_365, %mul3A_366 : i32
          %multiple_of3A = tpu.assume_multiple %mul3A_367, 64 : i32
          %ge3A = arith.constant 32 : i32
          %ge3A_368 = arith.cmpi sge, %get3A_358, %ge3A : i32
          %convert_element_type3A_369 = arith.extui %ge3A_368 : i1 to i32
          %cond3A_370 = arith.constant 0 : i32
          %cond3A_371 = arith.cmpi ne, %convert_element_type3A_369, %cond3A_370 : i32
          scf.if %cond3A_371 {
            %dma_wait3A_434 = arith.constant 0 : i32
            %dma_wait3A_435 = tpu.memref_slice %arg17[%dma_wait3A_434] : memref<2048xf32, #tpu.memory_space<vmem>> -> memref<64xf32, #tpu.memory_space<vmem>>
            %dma_wait3A_436 = arith.constant 0 : i32
            %dma_wait3A_437 = tpu.memref_slice %arg5[%dma_wait3A_436] : memref<1048576xf32, #tpu.memory_space<hbm>> -> memref<64xf32, #tpu.memory_space<hbm>>
            %dma_wait3A_438 = arith.constant 0 : i32
            %dma_wait3A_439 = tpu.memref_slice %arg17[%dma_wait3A_438] : memref<2048xf32, #tpu.memory_space<vmem>> -> memref<64xf32, #tpu.memory_space<vmem>>
            %dma_wait3A_440 = arith.constant 0 : i32
            %dma_wait3A_441 = tpu.memref_slice %arg5[%dma_wait3A_440] : memref<1048576xf32, #tpu.memory_space<hbm>> -> memref<64xf32, #tpu.memory_space<hbm>>
            tpu.wait_dma2 semaphore(%arg28 : memref<!tpu.dma_semaphore, #tpu.memory_space<semaphore_mem>>) src(%dma_wait3A_441 : memref<64xf32, #tpu.memory_space<hbm>>) dst(%dma_wait3A_439 : memref<64xf32, #tpu.memory_space<vmem>>)
          } else {
          }
          %sub3A = arith.subi %squeeze3A_351, %mul3A_325 : i32
          %min3A_372 = arith.constant 127 : i32
          %min3A_373 = arith.minsi %sub3A, %min3A_372 : i32
          %ge3A_374 = arith.constant 999936 : i32
          %ge3A_375 = arith.cmpi sge, %squeeze3A_351, %ge3A_374 : i32
          %convert_element_type3A_376 = arith.extui %ge3A_375 : i1 to i32
          %add3A_377 = vector.broadcast %convert_element_type3A_376 : i32 to vector<16xi32>
          %add3A_378 = arith.addi %broadcast_in_dim3A_8, %add3A_377 : vector<16xi32>
          %ne3A = arith.constant 0 : i32
          %ne3A_379 = vector.broadcast %ne3A : i32 to vector<16xi32>
          %ne3A_380 = arith.cmpi ne, %add3A_378, %ne3A_379 : vector<16xi32>
          %add3A_381 = vector.broadcast %min3A_373 : i32 to vector<16xi32>
          %add3A_382 = arith.addi %broadcast_in_dim3A_8, %add3A_381 : vector<16xi32>
          %sub3A_383 = arith.constant 999936 : i32
          %sub3A_384 = arith.subi %squeeze3A_351, %sub3A_383 : i32
          %max3A = arith.constant 0 : i32
          %max3A_385 = arith.maxsi %sub3A_384, %max3A : i32
          %min3A_386 = arith.constant 63 : i32
          %min3A_387 = arith.minsi %max3A_385, %min3A_386 : i32
          %add3A_388 = vector.broadcast %min3A_387 : i32 to vector<16xi32>
          %add3A_389 = arith.addi %broadcast_in_dim3A_8, %add3A_388 : vector<16xi32>
          %add3A_390 = arith.constant 0 : i32
          %add3A_391 = vector.broadcast %add3A_390 : i32 to vector<16xi32>
          %add3A_392 = arith.addi %iota3A, %add3A_391 : vector<16xi32>
          %gather3A = tpu.vector_load_idx %arg10[%add3A_392, %add3A_382] : memref<64x128xf32, #tpu.memory_space<vmem>>[vector<16xi32>, vector<16xi32>], vector<16xf32>,
          %gather3A_393 = tpu.vector_load_idx %arg16[%add3A_389, %add3A_392] : memref<64x64xf32, #tpu.memory_space<vmem>>[vector<16xi32>, vector<16xi32>], vector<16xf32>,
          %select_n3A = arith.select %ne3A_380, %gather3A_393, %gather3A : vector<16xi1>, vector<16xf32>
          %add3A_394 = arith.constant 0 : i32
          %add3A_395 = arith.addi %multiple_of3A, %add3A_394 : i32
          %swap3A_396 = arith.index_cast %add3A_395 : i32 to index
          %swap3A_397 = tpu.vector_load %arg17[%swap3A_396] {strides = array<i32>} : memref<2048xf32, #tpu.memory_space<vmem>>, vector<16xf32>,
          tpu.vector_store %arg17[%swap3A_396], %select_n3A {strides = array<i32>} : memref<2048xf32, #tpu.memory_space<vmem>>, vector<16xf32>,
          %add3A_398 = arith.constant 16 : i32
          %add3A_399 = vector.broadcast %add3A_398 : i32 to vector<16xi32>
          %add3A_400 = arith.addi %iota3A, %add3A_399 : vector<16xi32>
          %gather3A_401 = tpu.vector_load_idx %arg10[%add3A_400, %add3A_382] : memref<64x128xf32, #tpu.memory_space<vmem>>[vector<16xi32>, vector<16xi32>], vector<16xf32>,
          %gather3A_402 = tpu.vector_load_idx %arg16[%add3A_389, %add3A_400] : memref<64x64xf32, #tpu.memory_space<vmem>>[vector<16xi32>, vector<16xi32>], vector<16xf32>,
          %select_n3A_403 = arith.select %ne3A_380, %gather3A_402, %gather3A_401 : vector<16xi1>, vector<16xf32>
          %add3A_404 = arith.constant 16 : i32
          %add3A_405 = arith.addi %multiple_of3A, %add3A_404 : i32
          %swap3A_406 = arith.index_cast %add3A_405 : i32 to index
          %swap3A_407 = tpu.vector_load %arg17[%swap3A_406] {strides = array<i32>} : memref<2048xf32, #tpu.memory_space<vmem>>, vector<16xf32>,
          tpu.vector_store %arg17[%swap3A_406], %select_n3A_403 {strides = array<i32>} : memref<2048xf32, #tpu.memory_space<vmem>>, vector<16xf32>,
          %add3A_408 = arith.constant 32 : i32
          %add3A_409 = vector.broadcast %add3A_408 : i32 to vector<16xi32>
          %add3A_410 = arith.addi %iota3A, %add3A_409 : vector<16xi32>
          %gather3A_411 = tpu.vector_load_idx %arg10[%add3A_410, %add3A_382] : memref<64x128xf32, #tpu.memory_space<vmem>>[vector<16xi32>, vector<16xi32>], vector<16xf32>,
          %gather3A_412 = tpu.vector_load_idx %arg16[%add3A_389, %add3A_410] : memref<64x64xf32, #tpu.memory_space<vmem>>[vector<16xi32>, vector<16xi32>], vector<16xf32>,
          %select_n3A_413 = arith.select %ne3A_380, %gather3A_412, %gather3A_411 : vector<16xi1>, vector<16xf32>
          %add3A_414 = arith.constant 32 : i32
          %add3A_415 = arith.addi %multiple_of3A, %add3A_414 : i32
          %swap3A_416 = arith.index_cast %add3A_415 : i32 to index
          %swap3A_417 = tpu.vector_load %arg17[%swap3A_416] {strides = array<i32>} : memref<2048xf32, #tpu.memory_space<vmem>>, vector<16xf32>,
          tpu.vector_store %arg17[%swap3A_416], %select_n3A_413 {strides = array<i32>} : memref<2048xf32, #tpu.memory_space<vmem>>, vector<16xf32>,
          %add3A_418 = arith.constant 48 : i32
          %add3A_419 = vector.broadcast %add3A_418 : i32 to vector<16xi32>
          %add3A_420 = arith.addi %iota3A, %add3A_419 : vector<16xi32>
          %gather3A_421 = tpu.vector_load_idx %arg10[%add3A_420, %add3A_382] : memref<64x128xf32, #tpu.memory_space<vmem>>[vector<16xi32>, vector<16xi32>], vector<16xf32>,
          %gather3A_422 = tpu.vector_load_idx %arg16[%add3A_389, %add3A_420] : memref<64x64xf32, #tpu.memory_space<vmem>>[vector<16xi32>, vector<16xi32>], vector<16xf32>,
          %select_n3A_423 = arith.select %ne3A_380, %gather3A_422, %gather3A_421 : vector<16xi1>, vector<16xf32>
          %add3A_424 = arith.constant 48 : i32
          %add3A_425 = arith.addi %multiple_of3A, %add3A_424 : i32
          %swap3A_426 = arith.index_cast %add3A_425 : i32 to index
          %swap3A_427 = tpu.vector_load %arg17[%swap3A_426] {strides = array<i32>} : memref<2048xf32, #tpu.memory_space<vmem>>, vector<16xf32>,
          tpu.vector_store %arg17[%swap3A_426], %select_n3A_423 {strides = array<i32>} : memref<2048xf32, #tpu.memory_space<vmem>>, vector<16xf32>,
          %mul3A_428 = arith.constant 64 : i32
          %mul3A_429 = arith.muli %squeeze3A_355, %mul3A_428 : i32
          %dma_start3A = tpu.memref_slice %arg17[%multiple_of3A] : memref<2048xf32, #tpu.memory_space<vmem>> -> memref<64xf32, #tpu.memory_space<vmem>>
          %dma_start3A_430 = tpu.memref_slice %arg5[%mul3A_429] : memref<1048576xf32, #tpu.memory_space<hbm>> -> memref<64xf32, #tpu.memory_space<hbm>>
          %dma_start3A_431 = tpu.memref_slice %arg5[%mul3A_429] : memref<1048576xf32, #tpu.memory_space<hbm>> -> memref<64xf32, #tpu.memory_space<hbm>>
          %dma_start3A_432 = tpu.memref_slice %arg17[%multiple_of3A] : memref<2048xf32, #tpu.memory_space<vmem>> -> memref<64xf32, #tpu.memory_space<vmem>>
          tpu.enqueue_dma source(%dma_start3A_432 : memref<64xf32, #tpu.memory_space<vmem>>) target(%dma_start3A_431 : memref<64xf32, #tpu.memory_space<hbm>>) target_semaphore(%arg28 : memref<!tpu.dma_semaphore, #tpu.memory_space<semaphore_mem>>)
          %while3A_433 = arith.constant 0 : i32
          scf.yield %while3A_433 : i32
        }
      } else {
      }
      %add3A_164 = arith.constant 6 : i32
      %add3A_165 = arith.addi %add3A_152, %add3A_164 : i32
      %lt3A_166 = arith.cmpi slt, %add3A_165, %add3A_7 : i32
      %get3A_167 = arith.index_cast %add3A_165 : i32 to index
      %get3A_168 = tpu.vector_load %arg18[%get3A_167] {strides = array<i32>} : memref<272xi32, #tpu.memory_space<vmem>>, vector<16xi32>,
      %slice3A_169 = vector.extract_strided_slice %get3A_168 {offsets = [0], sizes = [1], strides = [1]} : vector<16xi32> to vector<1xi32>
      %squeeze3A_170 = vector.extract %slice3A_169[0] : i32 from vector<1xi32>
      %gt3A_171 = arith.constant 0 : i32
      %gt3A_172 = arith.cmpi sgt, %squeeze3A_170, %gt3A_171 : i32
      %and3A_173 = arith.andi %lt3A_166, %gt3A_172 : i1
      %convert_element_type3A_174 = arith.extui %and3A_173 : i1 to i32
      %cond3A_175 = arith.constant 0 : i32
      %cond3A_176 = arith.cmpi ne, %convert_element_type3A_174, %cond3A_175 : i32
      scf.if %cond3A_176 {
        %add3A_318 = arith.constant 6 : i32
        %add3A_319 = arith.addi %add3A_152, %add3A_318 : i32
        %add3A_320 = arith.addi %add3A_4, %add3A_319 : i32
        %mul3A_321 = arith.constant 128 : i32
        %mul3A_322 = arith.muli %add3A_320, %mul3A_321 : i32
        %multiple_of3A = tpu.assume_multiple %mul3A_322, 128 : i32
        %dma_start3A = arith.constant 0 : i32
        %dma_start3A_323 = tpu.memref_slice %arg3[%dma_start3A, %multiple_of3A] : memref<64x1000000xf32, #tpu.memory_space<hbm>> -> memref<64x128xf32, #tpu.memory_space<hbm>>
        %dma_start3A_324 = arith.constant 0 : i32
        %dma_start3A_325 = tpu.memref_slice %arg3[%dma_start3A_324, %multiple_of3A] : memref<64x1000000xf32, #tpu.memory_space<hbm>> -> memref<64x128xf32, #tpu.memory_space<hbm>>
        tpu.enqueue_dma source(%dma_start3A_325 : memref<64x128xf32, #tpu.memory_space<hbm>>) target(%arg10 : memref<64x128xf32, #tpu.memory_space<vmem>>) target_semaphore(%arg22 : memref<!tpu.dma_semaphore, #tpu.memory_space<semaphore_mem>>)
      } else {
      }
      %mul3A_177 = arith.constant 6 : i32
      %mul3A_178 = arith.muli %scan3A_147, %mul3A_177 : i32
      %add3A_179 = arith.constant 1 : i32
      %add3A_180 = arith.addi %mul3A_178, %add3A_179 : i32
      %lt3A_181 = arith.cmpi slt, %add3A_180, %add3A_7 : i32
      %get3A_182 = arith.index_cast %add3A_180 : i32 to index
      %get3A_183 = tpu.vector_load %arg18[%get3A_182] {strides = array<i32>} : memref<272xi32, #tpu.memory_space<vmem>>, vector<16xi32>,
      %slice3A_184 = vector.extract_strided_slice %get3A_183 {offsets = [0], sizes = [1], strides = [1]} : vector<16xi32> to vector<1xi32>
      %squeeze3A_185 = vector.extract %slice3A_184[0] : i32 from vector<1xi32>
      %gt3A_186 = arith.constant 0 : i32
      %gt3A_187 = arith.cmpi sgt, %squeeze3A_185, %gt3A_186 : i32
      %and3A_188 = arith.andi %lt3A_181, %gt3A_187 : i1
      %convert_element_type3A_189 = arith.extui %and3A_188 : i1 to i32
      %cond3A_190 = arith.constant 0 : i32
      %cond3A_191 = arith.cmpi ne, %convert_element_type3A_189, %cond3A_190 : i32
      scf.if %cond3A_191 {
        %dma_wait3A = arith.constant 0 : i32
        %dma_wait3A_318 = arith.constant 0 : i32
        %dma_wait3A_319 = tpu.memref_slice %arg3[%dma_wait3A, %dma_wait3A_318] : memref<64x1000000xf32, #tpu.memory_space<hbm>> -> memref<64x128xf32, #tpu.memory_space<hbm>>
        %dma_wait3A_320 = arith.constant 0 : i32
        %dma_wait3A_321 = arith.constant 0 : i32
        %dma_wait3A_322 = tpu.memref_slice %arg3[%dma_wait3A_320, %dma_wait3A_321] : memref<64x1000000xf32, #tpu.memory_space<hbm>> -> memref<64x128xf32, #tpu.memory_space<hbm>>
        tpu.wait_dma2 semaphore(%arg23 : memref<!tpu.dma_semaphore, #tpu.memory_space<semaphore_mem>>) src(%dma_wait3A_322 : memref<64x128xf32, #tpu.memory_space<hbm>>) dst(%arg11 : memref<64x128xf32, #tpu.memory_space<vmem>>)
        %add3A_323 = arith.addi %add3A_4, %add3A_180 : i32
        %mul3A_324 = arith.constant 128 : i32
        %mul3A_325 = arith.muli %add3A_323, %mul3A_324 : i32
        %get3A_326 = arith.index_cast %add3A_180 : i32 to index
        %get3A_327 = tpu.vector_load %arg19[%get3A_326] {strides = array<i32>} : memref<272xi32, #tpu.memory_space<vmem>>, vector<16xi32>,
        %slice3A_328 = vector.extract_strided_slice %get3A_327 {offsets = [0], sizes = [1], strides = [1]} : vector<16xi32> to vector<1xi32>
        %squeeze3A_329 = vector.extract %slice3A_328[0] : i32 from vector<1xi32>
        %get3A_330 = arith.index_cast %add3A_180 : i32 to index
        %get3A_331 = tpu.vector_load %arg18[%get3A_330] {strides = array<i32>} : memref<272xi32, #tpu.memory_space<vmem>>, vector<16xi32>,
        %slice3A_332 = vector.extract_strided_slice %get3A_331 {offsets = [0], sizes = [1], strides = [1]} : vector<16xi32> to vector<1xi32>
        %squeeze3A_333 = vector.extract %slice3A_332[0] : i32 from vector<1xi32>
        %add3A_334 = arith.addi %squeeze3A_329, %squeeze3A_333 : i32
        %while3A_335 = arith.constant 0 : i32
        %while3A_336 = arith.subi %add3A_334, %squeeze3A_329 : i32
        %while3A_337 = arith.addi %squeeze3A_329, %while3A_336 : i32
        %while3A_338 = arith.constant 1 : i32
        %while3A_339 = arith.divsi %while3A_336, %while3A_338 : i32
        %while3A_340 = arith.muli %while3A_339, %while3A_338 : i32
        %while3A_341 = arith.addi %squeeze3A_329, %while3A_340 : i32
        %while3A_342 = arith.constant 1 : i32
        %while3A_343 = scf.for %while3A_346 = %squeeze3A_329 to %while3A_341 step %while3A_342 iter_args(%while3A_347 = %while3A_335) -> (i32)  : i32 {
          %get3A_348 = arith.index_cast %while3A_346 : i32 to index
          %get3A_349 = tpu.vector_load %arg6[%get3A_348] {strides = array<i32>} : memref<16400xi32, #tpu.memory_space<vmem>>, vector<16xi32>,
          %slice3A_350 = vector.extract_strided_slice %get3A_349 {offsets = [0], sizes = [1], strides = [1]} : vector<16xi32> to vector<1xi32>
          %squeeze3A_351 = vector.extract %slice3A_350[0] : i32 from vector<1xi32>
          %get3A_352 = arith.index_cast %while3A_346 : i32 to index
          %get3A_353 = tpu.vector_load %arg9[%get3A_352] {strides = array<i32>} : memref<16400xi32, #tpu.memory_space<vmem>>, vector<16xi32>,
          %slice3A_354 = vector.extract_strided_slice %get3A_353 {offsets = [0], sizes = [1], strides = [1]} : vector<16xi32> to vector<1xi32>
          %squeeze3A_355 = vector.extract %slice3A_354[0] : i32 from vector<1xi32>
          %get3A_356 = arith.constant 0 : i32
          %get3A_357 = arith.index_cast %get3A_356 : i32 to index
          %get3A_358 = memref.load %arg21[%get3A_357] : memref<8xi32, #tpu.memory_space<smem>>
          %add3A_359 = arith.constant 1 : i32
          %add3A_360 = arith.addi %get3A_358, %add3A_359 : i32
          %swap3A_361 = arith.constant 0 : i32
          %swap3A_362 = arith.index_cast %swap3A_361 : i32 to index
          %swap3A_363 = memref.load %arg21[%swap3A_362] : memref<8xi32, #tpu.memory_space<smem>>
          memref.store %add3A_360, %arg21[%swap3A_362] : memref<8xi32, #tpu.memory_space<smem>>
          %and3A_364 = arith.constant 31 : i32
          %and3A_365 = arith.andi %get3A_358, %and3A_364 : i32
          %mul3A_366 = arith.constant 64 : i32
          %mul3A_367 = arith.muli %and3A_365, %mul3A_366 : i32
          %multiple_of3A = tpu.assume_multiple %mul3A_367, 64 : i32
          %ge3A = arith.constant 32 : i32
          %ge3A_368 = arith.cmpi sge, %get3A_358, %ge3A : i32
          %convert_element_type3A_369 = arith.extui %ge3A_368 : i1 to i32
          %cond3A_370 = arith.constant 0 : i32
          %cond3A_371 = arith.cmpi ne, %convert_element_type3A_369, %cond3A_370 : i32
          scf.if %cond3A_371 {
            %dma_wait3A_434 = arith.constant 0 : i32
            %dma_wait3A_435 = tpu.memref_slice %arg17[%dma_wait3A_434] : memref<2048xf32, #tpu.memory_space<vmem>> -> memref<64xf32, #tpu.memory_space<vmem>>
            %dma_wait3A_436 = arith.constant 0 : i32
            %dma_wait3A_437 = tpu.memref_slice %arg5[%dma_wait3A_436] : memref<1048576xf32, #tpu.memory_space<hbm>> -> memref<64xf32, #tpu.memory_space<hbm>>
            %dma_wait3A_438 = arith.constant 0 : i32
            %dma_wait3A_439 = tpu.memref_slice %arg17[%dma_wait3A_438] : memref<2048xf32, #tpu.memory_space<vmem>> -> memref<64xf32, #tpu.memory_space<vmem>>
            %dma_wait3A_440 = arith.constant 0 : i32
            %dma_wait3A_441 = tpu.memref_slice %arg5[%dma_wait3A_440] : memref<1048576xf32, #tpu.memory_space<hbm>> -> memref<64xf32, #tpu.memory_space<hbm>>
            tpu.wait_dma2 semaphore(%arg28 : memref<!tpu.dma_semaphore, #tpu.memory_space<semaphore_mem>>) src(%dma_wait3A_441 : memref<64xf32, #tpu.memory_space<hbm>>) dst(%dma_wait3A_439 : memref<64xf32, #tpu.memory_space<vmem>>)
          } else {
          }
          %sub3A = arith.subi %squeeze3A_351, %mul3A_325 : i32
          %min3A_372 = arith.constant 127 : i32
          %min3A_373 = arith.minsi %sub3A, %min3A_372 : i32
          %ge3A_374 = arith.constant 999936 : i32
          %ge3A_375 = arith.cmpi sge, %squeeze3A_351, %ge3A_374 : i32
          %convert_element_type3A_376 = arith.extui %ge3A_375 : i1 to i32
          %add3A_377 = vector.broadcast %convert_element_type3A_376 : i32 to vector<16xi32>
          %add3A_378 = arith.addi %broadcast_in_dim3A_8, %add3A_377 : vector<16xi32>
          %ne3A = arith.constant 0 : i32
          %ne3A_379 = vector.broadcast %ne3A : i32 to vector<16xi32>
          %ne3A_380 = arith.cmpi ne, %add3A_378, %ne3A_379 : vector<16xi32>
          %add3A_381 = vector.broadcast %min3A_373 : i32 to vector<16xi32>
          %add3A_382 = arith.addi %broadcast_in_dim3A_8, %add3A_381 : vector<16xi32>
          %sub3A_383 = arith.constant 999936 : i32
          %sub3A_384 = arith.subi %squeeze3A_351, %sub3A_383 : i32
          %max3A = arith.constant 0 : i32
          %max3A_385 = arith.maxsi %sub3A_384, %max3A : i32
          %min3A_386 = arith.constant 63 : i32
          %min3A_387 = arith.minsi %max3A_385, %min3A_386 : i32
          %add3A_388 = vector.broadcast %min3A_387 : i32 to vector<16xi32>
          %add3A_389 = arith.addi %broadcast_in_dim3A_8, %add3A_388 : vector<16xi32>
          %add3A_390 = arith.constant 0 : i32
          %add3A_391 = vector.broadcast %add3A_390 : i32 to vector<16xi32>
          %add3A_392 = arith.addi %iota3A, %add3A_391 : vector<16xi32>
          %gather3A = tpu.vector_load_idx %arg11[%add3A_392, %add3A_382] : memref<64x128xf32, #tpu.memory_space<vmem>>[vector<16xi32>, vector<16xi32>], vector<16xf32>,
          %gather3A_393 = tpu.vector_load_idx %arg16[%add3A_389, %add3A_392] : memref<64x64xf32, #tpu.memory_space<vmem>>[vector<16xi32>, vector<16xi32>], vector<16xf32>,
          %select_n3A = arith.select %ne3A_380, %gather3A_393, %gather3A : vector<16xi1>, vector<16xf32>
          %add3A_394 = arith.constant 0 : i32
          %add3A_395 = arith.addi %multiple_of3A, %add3A_394 : i32
          %swap3A_396 = arith.index_cast %add3A_395 : i32 to index
          %swap3A_397 = tpu.vector_load %arg17[%swap3A_396] {strides = array<i32>} : memref<2048xf32, #tpu.memory_space<vmem>>, vector<16xf32>,
          tpu.vector_store %arg17[%swap3A_396], %select_n3A {strides = array<i32>} : memref<2048xf32, #tpu.memory_space<vmem>>, vector<16xf32>,
          %add3A_398 = arith.constant 16 : i32
          %add3A_399 = vector.broadcast %add3A_398 : i32 to vector<16xi32>
          %add3A_400 = arith.addi %iota3A, %add3A_399 : vector<16xi32>
          %gather3A_401 = tpu.vector_load_idx %arg11[%add3A_400, %add3A_382] : memref<64x128xf32, #tpu.memory_space<vmem>>[vector<16xi32>, vector<16xi32>], vector<16xf32>,
          %gather3A_402 = tpu.vector_load_idx %arg16[%add3A_389, %add3A_400] : memref<64x64xf32, #tpu.memory_space<vmem>>[vector<16xi32>, vector<16xi32>], vector<16xf32>,
          %select_n3A_403 = arith.select %ne3A_380, %gather3A_402, %gather3A_401 : vector<16xi1>, vector<16xf32>
          %add3A_404 = arith.constant 16 : i32
          %add3A_405 = arith.addi %multiple_of3A, %add3A_404 : i32
          %swap3A_406 = arith.index_cast %add3A_405 : i32 to index
          %swap3A_407 = tpu.vector_load %arg17[%swap3A_406] {strides = array<i32>} : memref<2048xf32, #tpu.memory_space<vmem>>, vector<16xf32>,
          tpu.vector_store %arg17[%swap3A_406], %select_n3A_403 {strides = array<i32>} : memref<2048xf32, #tpu.memory_space<vmem>>, vector<16xf32>,
          %add3A_408 = arith.constant 32 : i32
          %add3A_409 = vector.broadcast %add3A_408 : i32 to vector<16xi32>
          %add3A_410 = arith.addi %iota3A, %add3A_409 : vector<16xi32>
          %gather3A_411 = tpu.vector_load_idx %arg11[%add3A_410, %add3A_382] : memref<64x128xf32, #tpu.memory_space<vmem>>[vector<16xi32>, vector<16xi32>], vector<16xf32>,
          %gather3A_412 = tpu.vector_load_idx %arg16[%add3A_389, %add3A_410] : memref<64x64xf32, #tpu.memory_space<vmem>>[vector<16xi32>, vector<16xi32>], vector<16xf32>,
          %select_n3A_413 = arith.select %ne3A_380, %gather3A_412, %gather3A_411 : vector<16xi1>, vector<16xf32>
          %add3A_414 = arith.constant 32 : i32
          %add3A_415 = arith.addi %multiple_of3A, %add3A_414 : i32
          %swap3A_416 = arith.index_cast %add3A_415 : i32 to index
          %swap3A_417 = tpu.vector_load %arg17[%swap3A_416] {strides = array<i32>} : memref<2048xf32, #tpu.memory_space<vmem>>, vector<16xf32>,
          tpu.vector_store %arg17[%swap3A_416], %select_n3A_413 {strides = array<i32>} : memref<2048xf32, #tpu.memory_space<vmem>>, vector<16xf32>,
          %add3A_418 = arith.constant 48 : i32
          %add3A_419 = vector.broadcast %add3A_418 : i32 to vector<16xi32>
          %add3A_420 = arith.addi %iota3A, %add3A_419 : vector<16xi32>
          %gather3A_421 = tpu.vector_load_idx %arg11[%add3A_420, %add3A_382] : memref<64x128xf32, #tpu.memory_space<vmem>>[vector<16xi32>, vector<16xi32>], vector<16xf32>,
          %gather3A_422 = tpu.vector_load_idx %arg16[%add3A_389, %add3A_420] : memref<64x64xf32, #tpu.memory_space<vmem>>[vector<16xi32>, vector<16xi32>], vector<16xf32>,
          %select_n3A_423 = arith.select %ne3A_380, %gather3A_422, %gather3A_421 : vector<16xi1>, vector<16xf32>
          %add3A_424 = arith.constant 48 : i32
          %add3A_425 = arith.addi %multiple_of3A, %add3A_424 : i32
          %swap3A_426 = arith.index_cast %add3A_425 : i32 to index
          %swap3A_427 = tpu.vector_load %arg17[%swap3A_426] {strides = array<i32>} : memref<2048xf32, #tpu.memory_space<vmem>>, vector<16xf32>,
          tpu.vector_store %arg17[%swap3A_426], %select_n3A_423 {strides = array<i32>} : memref<2048xf32, #tpu.memory_space<vmem>>, vector<16xf32>,
          %mul3A_428 = arith.constant 64 : i32
          %mul3A_429 = arith.muli %squeeze3A_355, %mul3A_428 : i32
          %dma_start3A = tpu.memref_slice %arg17[%multiple_of3A] : memref<2048xf32, #tpu.memory_space<vmem>> -> memref<64xf32, #tpu.memory_space<vmem>>
          %dma_start3A_430 = tpu.memref_slice %arg5[%mul3A_429] : memref<1048576xf32, #tpu.memory_space<hbm>> -> memref<64xf32, #tpu.memory_space<hbm>>
          %dma_start3A_431 = tpu.memref_slice %arg5[%mul3A_429] : memref<1048576xf32, #tpu.memory_space<hbm>> -> memref<64xf32, #tpu.memory_space<hbm>>
          %dma_start3A_432 = tpu.memref_slice %arg17[%multiple_of3A] : memref<2048xf32, #tpu.memory_space<vmem>> -> memref<64xf32, #tpu.memory_space<vmem>>
          tpu.enqueue_dma source(%dma_start3A_432 : memref<64xf32, #tpu.memory_space<vmem>>) target(%dma_start3A_431 : memref<64xf32, #tpu.memory_space<hbm>>) target_semaphore(%arg28 : memref<!tpu.dma_semaphore, #tpu.memory_space<semaphore_mem>>)
          %while3A_433 = arith.constant 0 : i32
          scf.yield %while3A_433 : i32
        }
        %while3A_344 = arith.constant 1 : i32
        %while3A_345 = scf.for %while3A_346 = %while3A_341 to %while3A_337 step %while3A_344 iter_args(%while3A_347 = %while3A_343) -> (i32)  : i32 {
          %get3A_348 = arith.index_cast %while3A_346 : i32 to index
          %get3A_349 = tpu.vector_load %arg6[%get3A_348] {strides = array<i32>} : memref<16400xi32, #tpu.memory_space<vmem>>, vector<16xi32>,
          %slice3A_350 = vector.extract_strided_slice %get3A_349 {offsets = [0], sizes = [1], strides = [1]} : vector<16xi32> to vector<1xi32>
          %squeeze3A_351 = vector.extract %slice3A_350[0] : i32 from vector<1xi32>
          %get3A_352 = arith.index_cast %while3A_346 : i32 to index
          %get3A_353 = tpu.vector_load %arg9[%get3A_352] {strides = array<i32>} : memref<16400xi32, #tpu.memory_space<vmem>>, vector<16xi32>,
          %slice3A_354 = vector.extract_strided_slice %get3A_353 {offsets = [0], sizes = [1], strides = [1]} : vector<16xi32> to vector<1xi32>
          %squeeze3A_355 = vector.extract %slice3A_354[0] : i32 from vector<1xi32>
          %get3A_356 = arith.constant 0 : i32
          %get3A_357 = arith.index_cast %get3A_356 : i32 to index
          %get3A_358 = memref.load %arg21[%get3A_357] : memref<8xi32, #tpu.memory_space<smem>>
          %add3A_359 = arith.constant 1 : i32
          %add3A_360 = arith.addi %get3A_358, %add3A_359 : i32
          %swap3A_361 = arith.constant 0 : i32
          %swap3A_362 = arith.index_cast %swap3A_361 : i32 to index
          %swap3A_363 = memref.load %arg21[%swap3A_362] : memref<8xi32, #tpu.memory_space<smem>>
          memref.store %add3A_360, %arg21[%swap3A_362] : memref<8xi32, #tpu.memory_space<smem>>
          %and3A_364 = arith.constant 31 : i32
          %and3A_365 = arith.andi %get3A_358, %and3A_364 : i32
          %mul3A_366 = arith.constant 64 : i32
          %mul3A_367 = arith.muli %and3A_365, %mul3A_366 : i32
          %multiple_of3A = tpu.assume_multiple %mul3A_367, 64 : i32
          %ge3A = arith.constant 32 : i32
          %ge3A_368 = arith.cmpi sge, %get3A_358, %ge3A : i32
          %convert_element_type3A_369 = arith.extui %ge3A_368 : i1 to i32
          %cond3A_370 = arith.constant 0 : i32
          %cond3A_371 = arith.cmpi ne, %convert_element_type3A_369, %cond3A_370 : i32
          scf.if %cond3A_371 {
            %dma_wait3A_434 = arith.constant 0 : i32
            %dma_wait3A_435 = tpu.memref_slice %arg17[%dma_wait3A_434] : memref<2048xf32, #tpu.memory_space<vmem>> -> memref<64xf32, #tpu.memory_space<vmem>>
            %dma_wait3A_436 = arith.constant 0 : i32
            %dma_wait3A_437 = tpu.memref_slice %arg5[%dma_wait3A_436] : memref<1048576xf32, #tpu.memory_space<hbm>> -> memref<64xf32, #tpu.memory_space<hbm>>
            %dma_wait3A_438 = arith.constant 0 : i32
            %dma_wait3A_439 = tpu.memref_slice %arg17[%dma_wait3A_438] : memref<2048xf32, #tpu.memory_space<vmem>> -> memref<64xf32, #tpu.memory_space<vmem>>
            %dma_wait3A_440 = arith.constant 0 : i32
            %dma_wait3A_441 = tpu.memref_slice %arg5[%dma_wait3A_440] : memref<1048576xf32, #tpu.memory_space<hbm>> -> memref<64xf32, #tpu.memory_space<hbm>>
            tpu.wait_dma2 semaphore(%arg28 : memref<!tpu.dma_semaphore, #tpu.memory_space<semaphore_mem>>) src(%dma_wait3A_441 : memref<64xf32, #tpu.memory_space<hbm>>) dst(%dma_wait3A_439 : memref<64xf32, #tpu.memory_space<vmem>>)
          } else {
          }
          %sub3A = arith.subi %squeeze3A_351, %mul3A_325 : i32
          %min3A_372 = arith.constant 127 : i32
          %min3A_373 = arith.minsi %sub3A, %min3A_372 : i32
          %ge3A_374 = arith.constant 999936 : i32
          %ge3A_375 = arith.cmpi sge, %squeeze3A_351, %ge3A_374 : i32
          %convert_element_type3A_376 = arith.extui %ge3A_375 : i1 to i32
          %add3A_377 = vector.broadcast %convert_element_type3A_376 : i32 to vector<16xi32>
          %add3A_378 = arith.addi %broadcast_in_dim3A_8, %add3A_377 : vector<16xi32>
          %ne3A = arith.constant 0 : i32
          %ne3A_379 = vector.broadcast %ne3A : i32 to vector<16xi32>
          %ne3A_380 = arith.cmpi ne, %add3A_378, %ne3A_379 : vector<16xi32>
          %add3A_381 = vector.broadcast %min3A_373 : i32 to vector<16xi32>
          %add3A_382 = arith.addi %broadcast_in_dim3A_8, %add3A_381 : vector<16xi32>
          %sub3A_383 = arith.constant 999936 : i32
          %sub3A_384 = arith.subi %squeeze3A_351, %sub3A_383 : i32
          %max3A = arith.constant 0 : i32
          %max3A_385 = arith.maxsi %sub3A_384, %max3A : i32
          %min3A_386 = arith.constant 63 : i32
          %min3A_387 = arith.minsi %max3A_385, %min3A_386 : i32
          %add3A_388 = vector.broadcast %min3A_387 : i32 to vector<16xi32>
          %add3A_389 = arith.addi %broadcast_in_dim3A_8, %add3A_388 : vector<16xi32>
          %add3A_390 = arith.constant 0 : i32
          %add3A_391 = vector.broadcast %add3A_390 : i32 to vector<16xi32>
          %add3A_392 = arith.addi %iota3A, %add3A_391 : vector<16xi32>
          %gather3A = tpu.vector_load_idx %arg11[%add3A_392, %add3A_382] : memref<64x128xf32, #tpu.memory_space<vmem>>[vector<16xi32>, vector<16xi32>], vector<16xf32>,
          %gather3A_393 = tpu.vector_load_idx %arg16[%add3A_389, %add3A_392] : memref<64x64xf32, #tpu.memory_space<vmem>>[vector<16xi32>, vector<16xi32>], vector<16xf32>,
          %select_n3A = arith.select %ne3A_380, %gather3A_393, %gather3A : vector<16xi1>, vector<16xf32>
          %add3A_394 = arith.constant 0 : i32
          %add3A_395 = arith.addi %multiple_of3A, %add3A_394 : i32
          %swap3A_396 = arith.index_cast %add3A_395 : i32 to index
          %swap3A_397 = tpu.vector_load %arg17[%swap3A_396] {strides = array<i32>} : memref<2048xf32, #tpu.memory_space<vmem>>, vector<16xf32>,
          tpu.vector_store %arg17[%swap3A_396], %select_n3A {strides = array<i32>} : memref<2048xf32, #tpu.memory_space<vmem>>, vector<16xf32>,
          %add3A_398 = arith.constant 16 : i32
          %add3A_399 = vector.broadcast %add3A_398 : i32 to vector<16xi32>
          %add3A_400 = arith.addi %iota3A, %add3A_399 : vector<16xi32>
          %gather3A_401 = tpu.vector_load_idx %arg11[%add3A_400, %add3A_382] : memref<64x128xf32, #tpu.memory_space<vmem>>[vector<16xi32>, vector<16xi32>], vector<16xf32>,
          %gather3A_402 = tpu.vector_load_idx %arg16[%add3A_389, %add3A_400] : memref<64x64xf32, #tpu.memory_space<vmem>>[vector<16xi32>, vector<16xi32>], vector<16xf32>,
          %select_n3A_403 = arith.select %ne3A_380, %gather3A_402, %gather3A_401 : vector<16xi1>, vector<16xf32>
          %add3A_404 = arith.constant 16 : i32
          %add3A_405 = arith.addi %multiple_of3A, %add3A_404 : i32
          %swap3A_406 = arith.index_cast %add3A_405 : i32 to index
          %swap3A_407 = tpu.vector_load %arg17[%swap3A_406] {strides = array<i32>} : memref<2048xf32, #tpu.memory_space<vmem>>, vector<16xf32>,
          tpu.vector_store %arg17[%swap3A_406], %select_n3A_403 {strides = array<i32>} : memref<2048xf32, #tpu.memory_space<vmem>>, vector<16xf32>,
          %add3A_408 = arith.constant 32 : i32
          %add3A_409 = vector.broadcast %add3A_408 : i32 to vector<16xi32>
          %add3A_410 = arith.addi %iota3A, %add3A_409 : vector<16xi32>
          %gather3A_411 = tpu.vector_load_idx %arg11[%add3A_410, %add3A_382] : memref<64x128xf32, #tpu.memory_space<vmem>>[vector<16xi32>, vector<16xi32>], vector<16xf32>,
          %gather3A_412 = tpu.vector_load_idx %arg16[%add3A_389, %add3A_410] : memref<64x64xf32, #tpu.memory_space<vmem>>[vector<16xi32>, vector<16xi32>], vector<16xf32>,
          %select_n3A_413 = arith.select %ne3A_380, %gather3A_412, %gather3A_411 : vector<16xi1>, vector<16xf32>
          %add3A_414 = arith.constant 32 : i32
          %add3A_415 = arith.addi %multiple_of3A, %add3A_414 : i32
          %swap3A_416 = arith.index_cast %add3A_415 : i32 to index
          %swap3A_417 = tpu.vector_load %arg17[%swap3A_416] {strides = array<i32>} : memref<2048xf32, #tpu.memory_space<vmem>>, vector<16xf32>,
          tpu.vector_store %arg17[%swap3A_416], %select_n3A_413 {strides = array<i32>} : memref<2048xf32, #tpu.memory_space<vmem>>, vector<16xf32>,
          %add3A_418 = arith.constant 48 : i32
          %add3A_419 = vector.broadcast %add3A_418 : i32 to vector<16xi32>
          %add3A_420 = arith.addi %iota3A, %add3A_419 : vector<16xi32>
          %gather3A_421 = tpu.vector_load_idx %arg11[%add3A_420, %add3A_382] : memref<64x128xf32, #tpu.memory_space<vmem>>[vector<16xi32>, vector<16xi32>], vector<16xf32>,
          %gather3A_422 = tpu.vector_load_idx %arg16[%add3A_389, %add3A_420] : memref<64x64xf32, #tpu.memory_space<vmem>>[vector<16xi32>, vector<16xi32>], vector<16xf32>,
          %select_n3A_423 = arith.select %ne3A_380, %gather3A_422, %gather3A_421 : vector<16xi1>, vector<16xf32>
          %add3A_424 = arith.constant 48 : i32
          %add3A_425 = arith.addi %multiple_of3A, %add3A_424 : i32
          %swap3A_426 = arith.index_cast %add3A_425 : i32 to index
          %swap3A_427 = tpu.vector_load %arg17[%swap3A_426] {strides = array<i32>} : memref<2048xf32, #tpu.memory_space<vmem>>, vector<16xf32>,
          tpu.vector_store %arg17[%swap3A_426], %select_n3A_423 {strides = array<i32>} : memref<2048xf32, #tpu.memory_space<vmem>>, vector<16xf32>,
          %mul3A_428 = arith.constant 64 : i32
          %mul3A_429 = arith.muli %squeeze3A_355, %mul3A_428 : i32
          %dma_start3A = tpu.memref_slice %arg17[%multiple_of3A] : memref<2048xf32, #tpu.memory_space<vmem>> -> memref<64xf32, #tpu.memory_space<vmem>>
          %dma_start3A_430 = tpu.memref_slice %arg5[%mul3A_429] : memref<1048576xf32, #tpu.memory_space<hbm>> -> memref<64xf32, #tpu.memory_space<hbm>>
          %dma_start3A_431 = tpu.memref_slice %arg5[%mul3A_429] : memref<1048576xf32, #tpu.memory_space<hbm>> -> memref<64xf32, #tpu.memory_space<hbm>>
          %dma_start3A_432 = tpu.memref_slice %arg17[%multiple_of3A] : memref<2048xf32, #tpu.memory_space<vmem>> -> memref<64xf32, #tpu.memory_space<vmem>>
          tpu.enqueue_dma source(%dma_start3A_432 : memref<64xf32, #tpu.memory_space<vmem>>) target(%dma_start3A_431 : memref<64xf32, #tpu.memory_space<hbm>>) target_semaphore(%arg28 : memref<!tpu.dma_semaphore, #tpu.memory_space<semaphore_mem>>)
          %while3A_433 = arith.constant 0 : i32
          scf.yield %while3A_433 : i32
        }
      } else {
      }
      %add3A_192 = arith.constant 6 : i32
      %add3A_193 = arith.addi %add3A_180, %add3A_192 : i32
      %lt3A_194 = arith.cmpi slt, %add3A_193, %add3A_7 : i32
      %get3A_195 = arith.index_cast %add3A_193 : i32 to index
      %get3A_196 = tpu.vector_load %arg18[%get3A_195] {strides = array<i32>} : memref<272xi32, #tpu.memory_space<vmem>>, vector<16xi32>,
      %slice3A_197 = vector.extract_strided_slice %get3A_196 {offsets = [0], sizes = [1], strides = [1]} : vector<16xi32> to vector<1xi32>
      %squeeze3A_198 = vector.extract %slice3A_197[0] : i32 from vector<1xi32>
      %gt3A_199 = arith.constant 0 : i32
      %gt3A_200 = arith.cmpi sgt, %squeeze3A_198, %gt3A_199 : i32
      %and3A_201 = arith.andi %lt3A_194, %gt3A_200 : i1
      %convert_element_type3A_202 = arith.extui %and3A_201 : i1 to i32
      %cond3A_203 = arith.constant 0 : i32
      %cond3A_204 = arith.cmpi ne, %convert_element_type3A_202, %cond3A_203 : i32
      scf.if %cond3A_204 {
        %add3A_318 = arith.constant 6 : i32
        %add3A_319 = arith.addi %add3A_180, %add3A_318 : i32
        %add3A_320 = arith.addi %add3A_4, %add3A_319 : i32
        %mul3A_321 = arith.constant 128 : i32
        %mul3A_322 = arith.muli %add3A_320, %mul3A_321 : i32
        %multiple_of3A = tpu.assume_multiple %mul3A_322, 128 : i32
        %dma_start3A = arith.constant 0 : i32
        %dma_start3A_323 = tpu.memref_slice %arg3[%dma_start3A, %multiple_of3A] : memref<64x1000000xf32, #tpu.memory_space<hbm>> -> memref<64x128xf32, #tpu.memory_space<hbm>>
        %dma_start3A_324 = arith.constant 0 : i32
        %dma_start3A_325 = tpu.memref_slice %arg3[%dma_start3A_324, %multiple_of3A] : memref<64x1000000xf32, #tpu.memory_space<hbm>> -> memref<64x128xf32, #tpu.memory_space<hbm>>
        tpu.enqueue_dma source(%dma_start3A_325 : memref<64x128xf32, #tpu.memory_space<hbm>>) target(%arg11 : memref<64x128xf32, #tpu.memory_space<vmem>>) target_semaphore(%arg23 : memref<!tpu.dma_semaphore, #tpu.memory_space<semaphore_mem>>)
      } else {
      }
      %mul3A_205 = arith.constant 6 : i32
      %mul3A_206 = arith.muli %scan3A_147, %mul3A_205 : i32
      %add3A_207 = arith.constant 2 : i32
      %add3A_208 = arith.addi %mul3A_206, %add3A_207 : i32
      %lt3A_209 = arith.cmpi slt, %add3A_208, %add3A_7 : i32
      %get3A_210 = arith.index_cast %add3A_208 : i32 to index
      %get3A_211 = tpu.vector_load %arg18[%get3A_210] {strides = array<i32>} : memref<272xi32, #tpu.memory_space<vmem>>, vector<16xi32>,
      %slice3A_212 = vector.extract_strided_slice %get3A_211 {offsets = [0], sizes = [1], strides = [1]} : vector<16xi32> to vector<1xi32>
      %squeeze3A_213 = vector.extract %slice3A_212[0] : i32 from vector<1xi32>
      %gt3A_214 = arith.constant 0 : i32
      %gt3A_215 = arith.cmpi sgt, %squeeze3A_213, %gt3A_214 : i32
      %and3A_216 = arith.andi %lt3A_209, %gt3A_215 : i1
      %convert_element_type3A_217 = arith.extui %and3A_216 : i1 to i32
      %cond3A_218 = arith.constant 0 : i32
      %cond3A_219 = arith.cmpi ne, %convert_element_type3A_217, %cond3A_218 : i32
      scf.if %cond3A_219 {
        %dma_wait3A = arith.constant 0 : i32
        %dma_wait3A_318 = arith.constant 0 : i32
        %dma_wait3A_319 = tpu.memref_slice %arg3[%dma_wait3A, %dma_wait3A_318] : memref<64x1000000xf32, #tpu.memory_space<hbm>> -> memref<64x128xf32, #tpu.memory_space<hbm>>
        %dma_wait3A_320 = arith.constant 0 : i32
        %dma_wait3A_321 = arith.constant 0 : i32
        %dma_wait3A_322 = tpu.memref_slice %arg3[%dma_wait3A_320, %dma_wait3A_321] : memref<64x1000000xf32, #tpu.memory_space<hbm>> -> memref<64x128xf32, #tpu.memory_space<hbm>>
        tpu.wait_dma2 semaphore(%arg24 : memref<!tpu.dma_semaphore, #tpu.memory_space<semaphore_mem>>) src(%dma_wait3A_322 : memref<64x128xf32, #tpu.memory_space<hbm>>) dst(%arg12 : memref<64x128xf32, #tpu.memory_space<vmem>>)
        %add3A_323 = arith.addi %add3A_4, %add3A_208 : i32
        %mul3A_324 = arith.constant 128 : i32
        %mul3A_325 = arith.muli %add3A_323, %mul3A_324 : i32
        %get3A_326 = arith.index_cast %add3A_208 : i32 to index
        %get3A_327 = tpu.vector_load %arg19[%get3A_326] {strides = array<i32>} : memref<272xi32, #tpu.memory_space<vmem>>, vector<16xi32>,
        %slice3A_328 = vector.extract_strided_slice %get3A_327 {offsets = [0], sizes = [1], strides = [1]} : vector<16xi32> to vector<1xi32>
        %squeeze3A_329 = vector.extract %slice3A_328[0] : i32 from vector<1xi32>
        %get3A_330 = arith.index_cast %add3A_208 : i32 to index
        %get3A_331 = tpu.vector_load %arg18[%get3A_330] {strides = array<i32>} : memref<272xi32, #tpu.memory_space<vmem>>, vector<16xi32>,
        %slice3A_332 = vector.extract_strided_slice %get3A_331 {offsets = [0], sizes = [1], strides = [1]} : vector<16xi32> to vector<1xi32>
        %squeeze3A_333 = vector.extract %slice3A_332[0] : i32 from vector<1xi32>
        %add3A_334 = arith.addi %squeeze3A_329, %squeeze3A_333 : i32
        %while3A_335 = arith.constant 0 : i32
        %while3A_336 = arith.subi %add3A_334, %squeeze3A_329 : i32
        %while3A_337 = arith.addi %squeeze3A_329, %while3A_336 : i32
        %while3A_338 = arith.constant 1 : i32
        %while3A_339 = arith.divsi %while3A_336, %while3A_338 : i32
        %while3A_340 = arith.muli %while3A_339, %while3A_338 : i32
        %while3A_341 = arith.addi %squeeze3A_329, %while3A_340 : i32
        %while3A_342 = arith.constant 1 : i32
        %while3A_343 = scf.for %while3A_346 = %squeeze3A_329 to %while3A_341 step %while3A_342 iter_args(%while3A_347 = %while3A_335) -> (i32)  : i32 {
          %get3A_348 = arith.index_cast %while3A_346 : i32 to index
          %get3A_349 = tpu.vector_load %arg6[%get3A_348] {strides = array<i32>} : memref<16400xi32, #tpu.memory_space<vmem>>, vector<16xi32>,
          %slice3A_350 = vector.extract_strided_slice %get3A_349 {offsets = [0], sizes = [1], strides = [1]} : vector<16xi32> to vector<1xi32>
          %squeeze3A_351 = vector.extract %slice3A_350[0] : i32 from vector<1xi32>
          %get3A_352 = arith.index_cast %while3A_346 : i32 to index
          %get3A_353 = tpu.vector_load %arg9[%get3A_352] {strides = array<i32>} : memref<16400xi32, #tpu.memory_space<vmem>>, vector<16xi32>,
          %slice3A_354 = vector.extract_strided_slice %get3A_353 {offsets = [0], sizes = [1], strides = [1]} : vector<16xi32> to vector<1xi32>
          %squeeze3A_355 = vector.extract %slice3A_354[0] : i32 from vector<1xi32>
          %get3A_356 = arith.constant 0 : i32
          %get3A_357 = arith.index_cast %get3A_356 : i32 to index
          %get3A_358 = memref.load %arg21[%get3A_357] : memref<8xi32, #tpu.memory_space<smem>>
          %add3A_359 = arith.constant 1 : i32
          %add3A_360 = arith.addi %get3A_358, %add3A_359 : i32
          %swap3A_361 = arith.constant 0 : i32
          %swap3A_362 = arith.index_cast %swap3A_361 : i32 to index
          %swap3A_363 = memref.load %arg21[%swap3A_362] : memref<8xi32, #tpu.memory_space<smem>>
          memref.store %add3A_360, %arg21[%swap3A_362] : memref<8xi32, #tpu.memory_space<smem>>
          %and3A_364 = arith.constant 31 : i32
          %and3A_365 = arith.andi %get3A_358, %and3A_364 : i32
          %mul3A_366 = arith.constant 64 : i32
          %mul3A_367 = arith.muli %and3A_365, %mul3A_366 : i32
          %multiple_of3A = tpu.assume_multiple %mul3A_367, 64 : i32
          %ge3A = arith.constant 32 : i32
          %ge3A_368 = arith.cmpi sge, %get3A_358, %ge3A : i32
          %convert_element_type3A_369 = arith.extui %ge3A_368 : i1 to i32
          %cond3A_370 = arith.constant 0 : i32
          %cond3A_371 = arith.cmpi ne, %convert_element_type3A_369, %cond3A_370 : i32
          scf.if %cond3A_371 {
            %dma_wait3A_434 = arith.constant 0 : i32
            %dma_wait3A_435 = tpu.memref_slice %arg17[%dma_wait3A_434] : memref<2048xf32, #tpu.memory_space<vmem>> -> memref<64xf32, #tpu.memory_space<vmem>>
            %dma_wait3A_436 = arith.constant 0 : i32
            %dma_wait3A_437 = tpu.memref_slice %arg5[%dma_wait3A_436] : memref<1048576xf32, #tpu.memory_space<hbm>> -> memref<64xf32, #tpu.memory_space<hbm>>
            %dma_wait3A_438 = arith.constant 0 : i32
            %dma_wait3A_439 = tpu.memref_slice %arg17[%dma_wait3A_438] : memref<2048xf32, #tpu.memory_space<vmem>> -> memref<64xf32, #tpu.memory_space<vmem>>
            %dma_wait3A_440 = arith.constant 0 : i32
            %dma_wait3A_441 = tpu.memref_slice %arg5[%dma_wait3A_440] : memref<1048576xf32, #tpu.memory_space<hbm>> -> memref<64xf32, #tpu.memory_space<hbm>>
            tpu.wait_dma2 semaphore(%arg28 : memref<!tpu.dma_semaphore, #tpu.memory_space<semaphore_mem>>) src(%dma_wait3A_441 : memref<64xf32, #tpu.memory_space<hbm>>) dst(%dma_wait3A_439 : memref<64xf32, #tpu.memory_space<vmem>>)
          } else {
          }
          %sub3A = arith.subi %squeeze3A_351, %mul3A_325 : i32
          %min3A_372 = arith.constant 127 : i32
          %min3A_373 = arith.minsi %sub3A, %min3A_372 : i32
          %ge3A_374 = arith.constant 999936 : i32
          %ge3A_375 = arith.cmpi sge, %squeeze3A_351, %ge3A_374 : i32
          %convert_element_type3A_376 = arith.extui %ge3A_375 : i1 to i32
          %add3A_377 = vector.broadcast %convert_element_type3A_376 : i32 to vector<16xi32>
          %add3A_378 = arith.addi %broadcast_in_dim3A_8, %add3A_377 : vector<16xi32>
          %ne3A = arith.constant 0 : i32
          %ne3A_379 = vector.broadcast %ne3A : i32 to vector<16xi32>
          %ne3A_380 = arith.cmpi ne, %add3A_378, %ne3A_379 : vector<16xi32>
          %add3A_381 = vector.broadcast %min3A_373 : i32 to vector<16xi32>
          %add3A_382 = arith.addi %broadcast_in_dim3A_8, %add3A_381 : vector<16xi32>
          %sub3A_383 = arith.constant 999936 : i32
          %sub3A_384 = arith.subi %squeeze3A_351, %sub3A_383 : i32
          %max3A = arith.constant 0 : i32
          %max3A_385 = arith.maxsi %sub3A_384, %max3A : i32
          %min3A_386 = arith.constant 63 : i32
          %min3A_387 = arith.minsi %max3A_385, %min3A_386 : i32
          %add3A_388 = vector.broadcast %min3A_387 : i32 to vector<16xi32>
          %add3A_389 = arith.addi %broadcast_in_dim3A_8, %add3A_388 : vector<16xi32>
          %add3A_390 = arith.constant 0 : i32
          %add3A_391 = vector.broadcast %add3A_390 : i32 to vector<16xi32>
          %add3A_392 = arith.addi %iota3A, %add3A_391 : vector<16xi32>
          %gather3A = tpu.vector_load_idx %arg12[%add3A_392, %add3A_382] : memref<64x128xf32, #tpu.memory_space<vmem>>[vector<16xi32>, vector<16xi32>], vector<16xf32>,
          %gather3A_393 = tpu.vector_load_idx %arg16[%add3A_389, %add3A_392] : memref<64x64xf32, #tpu.memory_space<vmem>>[vector<16xi32>, vector<16xi32>], vector<16xf32>,
          %select_n3A = arith.select %ne3A_380, %gather3A_393, %gather3A : vector<16xi1>, vector<16xf32>
          %add3A_394 = arith.constant 0 : i32
          %add3A_395 = arith.addi %multiple_of3A, %add3A_394 : i32
          %swap3A_396 = arith.index_cast %add3A_395 : i32 to index
          %swap3A_397 = tpu.vector_load %arg17[%swap3A_396] {strides = array<i32>} : memref<2048xf32, #tpu.memory_space<vmem>>, vector<16xf32>,
          tpu.vector_store %arg17[%swap3A_396], %select_n3A {strides = array<i32>} : memref<2048xf32, #tpu.memory_space<vmem>>, vector<16xf32>,
          %add3A_398 = arith.constant 16 : i32
          %add3A_399 = vector.broadcast %add3A_398 : i32 to vector<16xi32>
          %add3A_400 = arith.addi %iota3A, %add3A_399 : vector<16xi32>
          %gather3A_401 = tpu.vector_load_idx %arg12[%add3A_400, %add3A_382] : memref<64x128xf32, #tpu.memory_space<vmem>>[vector<16xi32>, vector<16xi32>], vector<16xf32>,
          %gather3A_402 = tpu.vector_load_idx %arg16[%add3A_389, %add3A_400] : memref<64x64xf32, #tpu.memory_space<vmem>>[vector<16xi32>, vector<16xi32>], vector<16xf32>,
          %select_n3A_403 = arith.select %ne3A_380, %gather3A_402, %gather3A_401 : vector<16xi1>, vector<16xf32>
          %add3A_404 = arith.constant 16 : i32
          %add3A_405 = arith.addi %multiple_of3A, %add3A_404 : i32
          %swap3A_406 = arith.index_cast %add3A_405 : i32 to index
          %swap3A_407 = tpu.vector_load %arg17[%swap3A_406] {strides = array<i32>} : memref<2048xf32, #tpu.memory_space<vmem>>, vector<16xf32>,
          tpu.vector_store %arg17[%swap3A_406], %select_n3A_403 {strides = array<i32>} : memref<2048xf32, #tpu.memory_space<vmem>>, vector<16xf32>,
          %add3A_408 = arith.constant 32 : i32
          %add3A_409 = vector.broadcast %add3A_408 : i32 to vector<16xi32>
          %add3A_410 = arith.addi %iota3A, %add3A_409 : vector<16xi32>
          %gather3A_411 = tpu.vector_load_idx %arg12[%add3A_410, %add3A_382] : memref<64x128xf32, #tpu.memory_space<vmem>>[vector<16xi32>, vector<16xi32>], vector<16xf32>,
          %gather3A_412 = tpu.vector_load_idx %arg16[%add3A_389, %add3A_410] : memref<64x64xf32, #tpu.memory_space<vmem>>[vector<16xi32>, vector<16xi32>], vector<16xf32>,
          %select_n3A_413 = arith.select %ne3A_380, %gather3A_412, %gather3A_411 : vector<16xi1>, vector<16xf32>
          %add3A_414 = arith.constant 32 : i32
          %add3A_415 = arith.addi %multiple_of3A, %add3A_414 : i32
          %swap3A_416 = arith.index_cast %add3A_415 : i32 to index
          %swap3A_417 = tpu.vector_load %arg17[%swap3A_416] {strides = array<i32>} : memref<2048xf32, #tpu.memory_space<vmem>>, vector<16xf32>,
          tpu.vector_store %arg17[%swap3A_416], %select_n3A_413 {strides = array<i32>} : memref<2048xf32, #tpu.memory_space<vmem>>, vector<16xf32>,
          %add3A_418 = arith.constant 48 : i32
          %add3A_419 = vector.broadcast %add3A_418 : i32 to vector<16xi32>
          %add3A_420 = arith.addi %iota3A, %add3A_419 : vector<16xi32>
          %gather3A_421 = tpu.vector_load_idx %arg12[%add3A_420, %add3A_382] : memref<64x128xf32, #tpu.memory_space<vmem>>[vector<16xi32>, vector<16xi32>], vector<16xf32>,
          %gather3A_422 = tpu.vector_load_idx %arg16[%add3A_389, %add3A_420] : memref<64x64xf32, #tpu.memory_space<vmem>>[vector<16xi32>, vector<16xi32>], vector<16xf32>,
          %select_n3A_423 = arith.select %ne3A_380, %gather3A_422, %gather3A_421 : vector<16xi1>, vector<16xf32>
          %add3A_424 = arith.constant 48 : i32
          %add3A_425 = arith.addi %multiple_of3A, %add3A_424 : i32
          %swap3A_426 = arith.index_cast %add3A_425 : i32 to index
          %swap3A_427 = tpu.vector_load %arg17[%swap3A_426] {strides = array<i32>} : memref<2048xf32, #tpu.memory_space<vmem>>, vector<16xf32>,
          tpu.vector_store %arg17[%swap3A_426], %select_n3A_423 {strides = array<i32>} : memref<2048xf32, #tpu.memory_space<vmem>>, vector<16xf32>,
          %mul3A_428 = arith.constant 64 : i32
          %mul3A_429 = arith.muli %squeeze3A_355, %mul3A_428 : i32
          %dma_start3A = tpu.memref_slice %arg17[%multiple_of3A] : memref<2048xf32, #tpu.memory_space<vmem>> -> memref<64xf32, #tpu.memory_space<vmem>>
          %dma_start3A_430 = tpu.memref_slice %arg5[%mul3A_429] : memref<1048576xf32, #tpu.memory_space<hbm>> -> memref<64xf32, #tpu.memory_space<hbm>>
          %dma_start3A_431 = tpu.memref_slice %arg5[%mul3A_429] : memref<1048576xf32, #tpu.memory_space<hbm>> -> memref<64xf32, #tpu.memory_space<hbm>>
          %dma_start3A_432 = tpu.memref_slice %arg17[%multiple_of3A] : memref<2048xf32, #tpu.memory_space<vmem>> -> memref<64xf32, #tpu.memory_space<vmem>>
          tpu.enqueue_dma source(%dma_start3A_432 : memref<64xf32, #tpu.memory_space<vmem>>) target(%dma_start3A_431 : memref<64xf32, #tpu.memory_space<hbm>>) target_semaphore(%arg28 : memref<!tpu.dma_semaphore, #tpu.memory_space<semaphore_mem>>)
          %while3A_433 = arith.constant 0 : i32
          scf.yield %while3A_433 : i32
        }
        %while3A_344 = arith.constant 1 : i32
        %while3A_345 = scf.for %while3A_346 = %while3A_341 to %while3A_337 step %while3A_344 iter_args(%while3A_347 = %while3A_343) -> (i32)  : i32 {
          %get3A_348 = arith.index_cast %while3A_346 : i32 to index
          %get3A_349 = tpu.vector_load %arg6[%get3A_348] {strides = array<i32>} : memref<16400xi32, #tpu.memory_space<vmem>>, vector<16xi32>,
          %slice3A_350 = vector.extract_strided_slice %get3A_349 {offsets = [0], sizes = [1], strides = [1]} : vector<16xi32> to vector<1xi32>
          %squeeze3A_351 = vector.extract %slice3A_350[0] : i32 from vector<1xi32>
          %get3A_352 = arith.index_cast %while3A_346 : i32 to index
          %get3A_353 = tpu.vector_load %arg9[%get3A_352] {strides = array<i32>} : memref<16400xi32, #tpu.memory_space<vmem>>, vector<16xi32>,
          %slice3A_354 = vector.extract_strided_slice %get3A_353 {offsets = [0], sizes = [1], strides = [1]} : vector<16xi32> to vector<1xi32>
          %squeeze3A_355 = vector.extract %slice3A_354[0] : i32 from vector<1xi32>
          %get3A_356 = arith.constant 0 : i32
          %get3A_357 = arith.index_cast %get3A_356 : i32 to index
          %get3A_358 = memref.load %arg21[%get3A_357] : memref<8xi32, #tpu.memory_space<smem>>
          %add3A_359 = arith.constant 1 : i32
          %add3A_360 = arith.addi %get3A_358, %add3A_359 : i32
          %swap3A_361 = arith.constant 0 : i32
          %swap3A_362 = arith.index_cast %swap3A_361 : i32 to index
          %swap3A_363 = memref.load %arg21[%swap3A_362] : memref<8xi32, #tpu.memory_space<smem>>
          memref.store %add3A_360, %arg21[%swap3A_362] : memref<8xi32, #tpu.memory_space<smem>>
          %and3A_364 = arith.constant 31 : i32
          %and3A_365 = arith.andi %get3A_358, %and3A_364 : i32
          %mul3A_366 = arith.constant 64 : i32
          %mul3A_367 = arith.muli %and3A_365, %mul3A_366 : i32
          %multiple_of3A = tpu.assume_multiple %mul3A_367, 64 : i32
          %ge3A = arith.constant 32 : i32
          %ge3A_368 = arith.cmpi sge, %get3A_358, %ge3A : i32
          %convert_element_type3A_369 = arith.extui %ge3A_368 : i1 to i32
          %cond3A_370 = arith.constant 0 : i32
          %cond3A_371 = arith.cmpi ne, %convert_element_type3A_369, %cond3A_370 : i32
          scf.if %cond3A_371 {
            %dma_wait3A_434 = arith.constant 0 : i32
            %dma_wait3A_435 = tpu.memref_slice %arg17[%dma_wait3A_434] : memref<2048xf32, #tpu.memory_space<vmem>> -> memref<64xf32, #tpu.memory_space<vmem>>
            %dma_wait3A_436 = arith.constant 0 : i32
            %dma_wait3A_437 = tpu.memref_slice %arg5[%dma_wait3A_436] : memref<1048576xf32, #tpu.memory_space<hbm>> -> memref<64xf32, #tpu.memory_space<hbm>>
            %dma_wait3A_438 = arith.constant 0 : i32
            %dma_wait3A_439 = tpu.memref_slice %arg17[%dma_wait3A_438] : memref<2048xf32, #tpu.memory_space<vmem>> -> memref<64xf32, #tpu.memory_space<vmem>>
            %dma_wait3A_440 = arith.constant 0 : i32
            %dma_wait3A_441 = tpu.memref_slice %arg5[%dma_wait3A_440] : memref<1048576xf32, #tpu.memory_space<hbm>> -> memref<64xf32, #tpu.memory_space<hbm>>
            tpu.wait_dma2 semaphore(%arg28 : memref<!tpu.dma_semaphore, #tpu.memory_space<semaphore_mem>>) src(%dma_wait3A_441 : memref<64xf32, #tpu.memory_space<hbm>>) dst(%dma_wait3A_439 : memref<64xf32, #tpu.memory_space<vmem>>)
          } else {
          }
          %sub3A = arith.subi %squeeze3A_351, %mul3A_325 : i32
          %min3A_372 = arith.constant 127 : i32
          %min3A_373 = arith.minsi %sub3A, %min3A_372 : i32
          %ge3A_374 = arith.constant 999936 : i32
          %ge3A_375 = arith.cmpi sge, %squeeze3A_351, %ge3A_374 : i32
          %convert_element_type3A_376 = arith.extui %ge3A_375 : i1 to i32
          %add3A_377 = vector.broadcast %convert_element_type3A_376 : i32 to vector<16xi32>
          %add3A_378 = arith.addi %broadcast_in_dim3A_8, %add3A_377 : vector<16xi32>
          %ne3A = arith.constant 0 : i32
          %ne3A_379 = vector.broadcast %ne3A : i32 to vector<16xi32>
          %ne3A_380 = arith.cmpi ne, %add3A_378, %ne3A_379 : vector<16xi32>
          %add3A_381 = vector.broadcast %min3A_373 : i32 to vector<16xi32>
          %add3A_382 = arith.addi %broadcast_in_dim3A_8, %add3A_381 : vector<16xi32>
          %sub3A_383 = arith.constant 999936 : i32
          %sub3A_384 = arith.subi %squeeze3A_351, %sub3A_383 : i32
          %max3A = arith.constant 0 : i32
          %max3A_385 = arith.maxsi %sub3A_384, %max3A : i32
          %min3A_386 = arith.constant 63 : i32
          %min3A_387 = arith.minsi %max3A_385, %min3A_386 : i32
          %add3A_388 = vector.broadcast %min3A_387 : i32 to vector<16xi32>
          %add3A_389 = arith.addi %broadcast_in_dim3A_8, %add3A_388 : vector<16xi32>
          %add3A_390 = arith.constant 0 : i32
          %add3A_391 = vector.broadcast %add3A_390 : i32 to vector<16xi32>
          %add3A_392 = arith.addi %iota3A, %add3A_391 : vector<16xi32>
          %gather3A = tpu.vector_load_idx %arg12[%add3A_392, %add3A_382] : memref<64x128xf32, #tpu.memory_space<vmem>>[vector<16xi32>, vector<16xi32>], vector<16xf32>,
          %gather3A_393 = tpu.vector_load_idx %arg16[%add3A_389, %add3A_392] : memref<64x64xf32, #tpu.memory_space<vmem>>[vector<16xi32>, vector<16xi32>], vector<16xf32>,
          %select_n3A = arith.select %ne3A_380, %gather3A_393, %gather3A : vector<16xi1>, vector<16xf32>
          %add3A_394 = arith.constant 0 : i32
          %add3A_395 = arith.addi %multiple_of3A, %add3A_394 : i32
          %swap3A_396 = arith.index_cast %add3A_395 : i32 to index
          %swap3A_397 = tpu.vector_load %arg17[%swap3A_396] {strides = array<i32>} : memref<2048xf32, #tpu.memory_space<vmem>>, vector<16xf32>,
          tpu.vector_store %arg17[%swap3A_396], %select_n3A {strides = array<i32>} : memref<2048xf32, #tpu.memory_space<vmem>>, vector<16xf32>,
          %add3A_398 = arith.constant 16 : i32
          %add3A_399 = vector.broadcast %add3A_398 : i32 to vector<16xi32>
          %add3A_400 = arith.addi %iota3A, %add3A_399 : vector<16xi32>
          %gather3A_401 = tpu.vector_load_idx %arg12[%add3A_400, %add3A_382] : memref<64x128xf32, #tpu.memory_space<vmem>>[vector<16xi32>, vector<16xi32>], vector<16xf32>,
          %gather3A_402 = tpu.vector_load_idx %arg16[%add3A_389, %add3A_400] : memref<64x64xf32, #tpu.memory_space<vmem>>[vector<16xi32>, vector<16xi32>], vector<16xf32>,
          %select_n3A_403 = arith.select %ne3A_380, %gather3A_402, %gather3A_401 : vector<16xi1>, vector<16xf32>
          %add3A_404 = arith.constant 16 : i32
          %add3A_405 = arith.addi %multiple_of3A, %add3A_404 : i32
          %swap3A_406 = arith.index_cast %add3A_405 : i32 to index
          %swap3A_407 = tpu.vector_load %arg17[%swap3A_406] {strides = array<i32>} : memref<2048xf32, #tpu.memory_space<vmem>>, vector<16xf32>,
          tpu.vector_store %arg17[%swap3A_406], %select_n3A_403 {strides = array<i32>} : memref<2048xf32, #tpu.memory_space<vmem>>, vector<16xf32>,
          %add3A_408 = arith.constant 32 : i32
          %add3A_409 = vector.broadcast %add3A_408 : i32 to vector<16xi32>
          %add3A_410 = arith.addi %iota3A, %add3A_409 : vector<16xi32>
          %gather3A_411 = tpu.vector_load_idx %arg12[%add3A_410, %add3A_382] : memref<64x128xf32, #tpu.memory_space<vmem>>[vector<16xi32>, vector<16xi32>], vector<16xf32>,
          %gather3A_412 = tpu.vector_load_idx %arg16[%add3A_389, %add3A_410] : memref<64x64xf32, #tpu.memory_space<vmem>>[vector<16xi32>, vector<16xi32>], vector<16xf32>,
          %select_n3A_413 = arith.select %ne3A_380, %gather3A_412, %gather3A_411 : vector<16xi1>, vector<16xf32>
          %add3A_414 = arith.constant 32 : i32
          %add3A_415 = arith.addi %multiple_of3A, %add3A_414 : i32
          %swap3A_416 = arith.index_cast %add3A_415 : i32 to index
          %swap3A_417 = tpu.vector_load %arg17[%swap3A_416] {strides = array<i32>} : memref<2048xf32, #tpu.memory_space<vmem>>, vector<16xf32>,
          tpu.vector_store %arg17[%swap3A_416], %select_n3A_413 {strides = array<i32>} : memref<2048xf32, #tpu.memory_space<vmem>>, vector<16xf32>,
          %add3A_418 = arith.constant 48 : i32
          %add3A_419 = vector.broadcast %add3A_418 : i32 to vector<16xi32>
          %add3A_420 = arith.addi %iota3A, %add3A_419 : vector<16xi32>
          %gather3A_421 = tpu.vector_load_idx %arg12[%add3A_420, %add3A_382] : memref<64x128xf32, #tpu.memory_space<vmem>>[vector<16xi32>, vector<16xi32>], vector<16xf32>,
          %gather3A_422 = tpu.vector_load_idx %arg16[%add3A_389, %add3A_420] : memref<64x64xf32, #tpu.memory_space<vmem>>[vector<16xi32>, vector<16xi32>], vector<16xf32>,
          %select_n3A_423 = arith.select %ne3A_380, %gather3A_422, %gather3A_421 : vector<16xi1>, vector<16xf32>
          %add3A_424 = arith.constant 48 : i32
          %add3A_425 = arith.addi %multiple_of3A, %add3A_424 : i32
          %swap3A_426 = arith.index_cast %add3A_425 : i32 to index
          %swap3A_427 = tpu.vector_load %arg17[%swap3A_426] {strides = array<i32>} : memref<2048xf32, #tpu.memory_space<vmem>>, vector<16xf32>,
          tpu.vector_store %arg17[%swap3A_426], %select_n3A_423 {strides = array<i32>} : memref<2048xf32, #tpu.memory_space<vmem>>, vector<16xf32>,
          %mul3A_428 = arith.constant 64 : i32
          %mul3A_429 = arith.muli %squeeze3A_355, %mul3A_428 : i32
          %dma_start3A = tpu.memref_slice %arg17[%multiple_of3A] : memref<2048xf32, #tpu.memory_space<vmem>> -> memref<64xf32, #tpu.memory_space<vmem>>
          %dma_start3A_430 = tpu.memref_slice %arg5[%mul3A_429] : memref<1048576xf32, #tpu.memory_space<hbm>> -> memref<64xf32, #tpu.memory_space<hbm>>
          %dma_start3A_431 = tpu.memref_slice %arg5[%mul3A_429] : memref<1048576xf32, #tpu.memory_space<hbm>> -> memref<64xf32, #tpu.memory_space<hbm>>
          %dma_start3A_432 = tpu.memref_slice %arg17[%multiple_of3A] : memref<2048xf32, #tpu.memory_space<vmem>> -> memref<64xf32, #tpu.memory_space<vmem>>
          tpu.enqueue_dma source(%dma_start3A_432 : memref<64xf32, #tpu.memory_space<vmem>>) target(%dma_start3A_431 : memref<64xf32, #tpu.memory_space<hbm>>) target_semaphore(%arg28 : memref<!tpu.dma_semaphore, #tpu.memory_space<semaphore_mem>>)
          %while3A_433 = arith.constant 0 : i32
          scf.yield %while3A_433 : i32
        }
      } else {
      }
      %add3A_220 = arith.constant 6 : i32
      %add3A_221 = arith.addi %add3A_208, %add3A_220 : i32
      %lt3A_222 = arith.cmpi slt, %add3A_221, %add3A_7 : i32
      %get3A_223 = arith.index_cast %add3A_221 : i32 to index
      %get3A_224 = tpu.vector_load %arg18[%get3A_223] {strides = array<i32>} : memref<272xi32, #tpu.memory_space<vmem>>, vector<16xi32>,
      %slice3A_225 = vector.extract_strided_slice %get3A_224 {offsets = [0], sizes = [1], strides = [1]} : vector<16xi32> to vector<1xi32>
      %squeeze3A_226 = vector.extract %slice3A_225[0] : i32 from vector<1xi32>
      %gt3A_227 = arith.constant 0 : i32
      %gt3A_228 = arith.cmpi sgt, %squeeze3A_226, %gt3A_227 : i32
      %and3A_229 = arith.andi %lt3A_222, %gt3A_228 : i1
      %convert_element_type3A_230 = arith.extui %and3A_229 : i1 to i32
      %cond3A_231 = arith.constant 0 : i32
      %cond3A_232 = arith.cmpi ne, %convert_element_type3A_230, %cond3A_231 : i32
      scf.if %cond3A_232 {
        %add3A_318 = arith.constant 6 : i32
        %add3A_319 = arith.addi %add3A_208, %add3A_318 : i32
        %add3A_320 = arith.addi %add3A_4, %add3A_319 : i32
        %mul3A_321 = arith.constant 128 : i32
        %mul3A_322 = arith.muli %add3A_320, %mul3A_321 : i32
        %multiple_of3A = tpu.assume_multiple %mul3A_322, 128 : i32
        %dma_start3A = arith.constant 0 : i32
        %dma_start3A_323 = tpu.memref_slice %arg3[%dma_start3A, %multiple_of3A] : memref<64x1000000xf32, #tpu.memory_space<hbm>> -> memref<64x128xf32, #tpu.memory_space<hbm>>
        %dma_start3A_324 = arith.constant 0 : i32
        %dma_start3A_325 = tpu.memref_slice %arg3[%dma_start3A_324, %multiple_of3A] : memref<64x1000000xf32, #tpu.memory_space<hbm>> -> memref<64x128xf32, #tpu.memory_space<hbm>>
        tpu.enqueue_dma source(%dma_start3A_325 : memref<64x128xf32, #tpu.memory_space<hbm>>) target(%arg12 : memref<64x128xf32, #tpu.memory_space<vmem>>) target_semaphore(%arg24 : memref<!tpu.dma_semaphore, #tpu.memory_space<semaphore_mem>>)
      } else {
      }
      %mul3A_233 = arith.constant 6 : i32
      %mul3A_234 = arith.muli %scan3A_147, %mul3A_233 : i32
      %add3A_235 = arith.constant 3 : i32
      %add3A_236 = arith.addi %mul3A_234, %add3A_235 : i32
      %lt3A_237 = arith.cmpi slt, %add3A_236, %add3A_7 : i32
      %get3A_238 = arith.index_cast %add3A_236 : i32 to index
      %get3A_239 = tpu.vector_load %arg18[%get3A_238] {strides = array<i32>} : memref<272xi32, #tpu.memory_space<vmem>>, vector<16xi32>,
      %slice3A_240 = vector.extract_strided_slice %get3A_239 {offsets = [0], sizes = [1], strides = [1]} : vector<16xi32> to vector<1xi32>
      %squeeze3A_241 = vector.extract %slice3A_240[0] : i32 from vector<1xi32>
      %gt3A_242 = arith.constant 0 : i32
      %gt3A_243 = arith.cmpi sgt, %squeeze3A_241, %gt3A_242 : i32
      %and3A_244 = arith.andi %lt3A_237, %gt3A_243 : i1
      %convert_element_type3A_245 = arith.extui %and3A_244 : i1 to i32
      %cond3A_246 = arith.constant 0 : i32
      %cond3A_247 = arith.cmpi ne, %convert_element_type3A_245, %cond3A_246 : i32
      scf.if %cond3A_247 {
        %dma_wait3A = arith.constant 0 : i32
        %dma_wait3A_318 = arith.constant 0 : i32
        %dma_wait3A_319 = tpu.memref_slice %arg3[%dma_wait3A, %dma_wait3A_318] : memref<64x1000000xf32, #tpu.memory_space<hbm>> -> memref<64x128xf32, #tpu.memory_space<hbm>>
        %dma_wait3A_320 = arith.constant 0 : i32
        %dma_wait3A_321 = arith.constant 0 : i32
        %dma_wait3A_322 = tpu.memref_slice %arg3[%dma_wait3A_320, %dma_wait3A_321] : memref<64x1000000xf32, #tpu.memory_space<hbm>> -> memref<64x128xf32, #tpu.memory_space<hbm>>
        tpu.wait_dma2 semaphore(%arg25 : memref<!tpu.dma_semaphore, #tpu.memory_space<semaphore_mem>>) src(%dma_wait3A_322 : memref<64x128xf32, #tpu.memory_space<hbm>>) dst(%arg13 : memref<64x128xf32, #tpu.memory_space<vmem>>)
        %add3A_323 = arith.addi %add3A_4, %add3A_236 : i32
        %mul3A_324 = arith.constant 128 : i32
        %mul3A_325 = arith.muli %add3A_323, %mul3A_324 : i32
        %get3A_326 = arith.index_cast %add3A_236 : i32 to index
        %get3A_327 = tpu.vector_load %arg19[%get3A_326] {strides = array<i32>} : memref<272xi32, #tpu.memory_space<vmem>>, vector<16xi32>,
        %slice3A_328 = vector.extract_strided_slice %get3A_327 {offsets = [0], sizes = [1], strides = [1]} : vector<16xi32> to vector<1xi32>
        %squeeze3A_329 = vector.extract %slice3A_328[0] : i32 from vector<1xi32>
        %get3A_330 = arith.index_cast %add3A_236 : i32 to index
        %get3A_331 = tpu.vector_load %arg18[%get3A_330] {strides = array<i32>} : memref<272xi32, #tpu.memory_space<vmem>>, vector<16xi32>,
        %slice3A_332 = vector.extract_strided_slice %get3A_331 {offsets = [0], sizes = [1], strides = [1]} : vector<16xi32> to vector<1xi32>
        %squeeze3A_333 = vector.extract %slice3A_332[0] : i32 from vector<1xi32>
        %add3A_334 = arith.addi %squeeze3A_329, %squeeze3A_333 : i32
        %while3A_335 = arith.constant 0 : i32
        %while3A_336 = arith.subi %add3A_334, %squeeze3A_329 : i32
        %while3A_337 = arith.addi %squeeze3A_329, %while3A_336 : i32
        %while3A_338 = arith.constant 1 : i32
        %while3A_339 = arith.divsi %while3A_336, %while3A_338 : i32
        %while3A_340 = arith.muli %while3A_339, %while3A_338 : i32
        %while3A_341 = arith.addi %squeeze3A_329, %while3A_340 : i32
        %while3A_342 = arith.constant 1 : i32
        %while3A_343 = scf.for %while3A_346 = %squeeze3A_329 to %while3A_341 step %while3A_342 iter_args(%while3A_347 = %while3A_335) -> (i32)  : i32 {
          %get3A_348 = arith.index_cast %while3A_346 : i32 to index
          %get3A_349 = tpu.vector_load %arg6[%get3A_348] {strides = array<i32>} : memref<16400xi32, #tpu.memory_space<vmem>>, vector<16xi32>,
          %slice3A_350 = vector.extract_strided_slice %get3A_349 {offsets = [0], sizes = [1], strides = [1]} : vector<16xi32> to vector<1xi32>
          %squeeze3A_351 = vector.extract %slice3A_350[0] : i32 from vector<1xi32>
          %get3A_352 = arith.index_cast %while3A_346 : i32 to index
          %get3A_353 = tpu.vector_load %arg9[%get3A_352] {strides = array<i32>} : memref<16400xi32, #tpu.memory_space<vmem>>, vector<16xi32>,
          %slice3A_354 = vector.extract_strided_slice %get3A_353 {offsets = [0], sizes = [1], strides = [1]} : vector<16xi32> to vector<1xi32>
          %squeeze3A_355 = vector.extract %slice3A_354[0] : i32 from vector<1xi32>
          %get3A_356 = arith.constant 0 : i32
          %get3A_357 = arith.index_cast %get3A_356 : i32 to index
          %get3A_358 = memref.load %arg21[%get3A_357] : memref<8xi32, #tpu.memory_space<smem>>
          %add3A_359 = arith.constant 1 : i32
          %add3A_360 = arith.addi %get3A_358, %add3A_359 : i32
          %swap3A_361 = arith.constant 0 : i32
          %swap3A_362 = arith.index_cast %swap3A_361 : i32 to index
          %swap3A_363 = memref.load %arg21[%swap3A_362] : memref<8xi32, #tpu.memory_space<smem>>
          memref.store %add3A_360, %arg21[%swap3A_362] : memref<8xi32, #tpu.memory_space<smem>>
          %and3A_364 = arith.constant 31 : i32
          %and3A_365 = arith.andi %get3A_358, %and3A_364 : i32
          %mul3A_366 = arith.constant 64 : i32
          %mul3A_367 = arith.muli %and3A_365, %mul3A_366 : i32
          %multiple_of3A = tpu.assume_multiple %mul3A_367, 64 : i32
          %ge3A = arith.constant 32 : i32
          %ge3A_368 = arith.cmpi sge, %get3A_358, %ge3A : i32
          %convert_element_type3A_369 = arith.extui %ge3A_368 : i1 to i32
          %cond3A_370 = arith.constant 0 : i32
          %cond3A_371 = arith.cmpi ne, %convert_element_type3A_369, %cond3A_370 : i32
          scf.if %cond3A_371 {
            %dma_wait3A_434 = arith.constant 0 : i32
            %dma_wait3A_435 = tpu.memref_slice %arg17[%dma_wait3A_434] : memref<2048xf32, #tpu.memory_space<vmem>> -> memref<64xf32, #tpu.memory_space<vmem>>
            %dma_wait3A_436 = arith.constant 0 : i32
            %dma_wait3A_437 = tpu.memref_slice %arg5[%dma_wait3A_436] : memref<1048576xf32, #tpu.memory_space<hbm>> -> memref<64xf32, #tpu.memory_space<hbm>>
            %dma_wait3A_438 = arith.constant 0 : i32
            %dma_wait3A_439 = tpu.memref_slice %arg17[%dma_wait3A_438] : memref<2048xf32, #tpu.memory_space<vmem>> -> memref<64xf32, #tpu.memory_space<vmem>>
            %dma_wait3A_440 = arith.constant 0 : i32
            %dma_wait3A_441 = tpu.memref_slice %arg5[%dma_wait3A_440] : memref<1048576xf32, #tpu.memory_space<hbm>> -> memref<64xf32, #tpu.memory_space<hbm>>
            tpu.wait_dma2 semaphore(%arg28 : memref<!tpu.dma_semaphore, #tpu.memory_space<semaphore_mem>>) src(%dma_wait3A_441 : memref<64xf32, #tpu.memory_space<hbm>>) dst(%dma_wait3A_439 : memref<64xf32, #tpu.memory_space<vmem>>)
          } else {
          }
          %sub3A = arith.subi %squeeze3A_351, %mul3A_325 : i32
          %min3A_372 = arith.constant 127 : i32
          %min3A_373 = arith.minsi %sub3A, %min3A_372 : i32
          %ge3A_374 = arith.constant 999936 : i32
          %ge3A_375 = arith.cmpi sge, %squeeze3A_351, %ge3A_374 : i32
          %convert_element_type3A_376 = arith.extui %ge3A_375 : i1 to i32
          %add3A_377 = vector.broadcast %convert_element_type3A_376 : i32 to vector<16xi32>
          %add3A_378 = arith.addi %broadcast_in_dim3A_8, %add3A_377 : vector<16xi32>
          %ne3A = arith.constant 0 : i32
          %ne3A_379 = vector.broadcast %ne3A : i32 to vector<16xi32>
          %ne3A_380 = arith.cmpi ne, %add3A_378, %ne3A_379 : vector<16xi32>
          %add3A_381 = vector.broadcast %min3A_373 : i32 to vector<16xi32>
          %add3A_382 = arith.addi %broadcast_in_dim3A_8, %add3A_381 : vector<16xi32>
          %sub3A_383 = arith.constant 999936 : i32
          %sub3A_384 = arith.subi %squeeze3A_351, %sub3A_383 : i32
          %max3A = arith.constant 0 : i32
          %max3A_385 = arith.maxsi %sub3A_384, %max3A : i32
          %min3A_386 = arith.constant 63 : i32
          %min3A_387 = arith.minsi %max3A_385, %min3A_386 : i32
          %add3A_388 = vector.broadcast %min3A_387 : i32 to vector<16xi32>
          %add3A_389 = arith.addi %broadcast_in_dim3A_8, %add3A_388 : vector<16xi32>
          %add3A_390 = arith.constant 0 : i32
          %add3A_391 = vector.broadcast %add3A_390 : i32 to vector<16xi32>
          %add3A_392 = arith.addi %iota3A, %add3A_391 : vector<16xi32>
          %gather3A = tpu.vector_load_idx %arg13[%add3A_392, %add3A_382] : memref<64x128xf32, #tpu.memory_space<vmem>>[vector<16xi32>, vector<16xi32>], vector<16xf32>,
          %gather3A_393 = tpu.vector_load_idx %arg16[%add3A_389, %add3A_392] : memref<64x64xf32, #tpu.memory_space<vmem>>[vector<16xi32>, vector<16xi32>], vector<16xf32>,
          %select_n3A = arith.select %ne3A_380, %gather3A_393, %gather3A : vector<16xi1>, vector<16xf32>
          %add3A_394 = arith.constant 0 : i32
          %add3A_395 = arith.addi %multiple_of3A, %add3A_394 : i32
          %swap3A_396 = arith.index_cast %add3A_395 : i32 to index
          %swap3A_397 = tpu.vector_load %arg17[%swap3A_396] {strides = array<i32>} : memref<2048xf32, #tpu.memory_space<vmem>>, vector<16xf32>,
          tpu.vector_store %arg17[%swap3A_396], %select_n3A {strides = array<i32>} : memref<2048xf32, #tpu.memory_space<vmem>>, vector<16xf32>,
          %add3A_398 = arith.constant 16 : i32
          %add3A_399 = vector.broadcast %add3A_398 : i32 to vector<16xi32>
          %add3A_400 = arith.addi %iota3A, %add3A_399 : vector<16xi32>
          %gather3A_401 = tpu.vector_load_idx %arg13[%add3A_400, %add3A_382] : memref<64x128xf32, #tpu.memory_space<vmem>>[vector<16xi32>, vector<16xi32>], vector<16xf32>,
          %gather3A_402 = tpu.vector_load_idx %arg16[%add3A_389, %add3A_400] : memref<64x64xf32, #tpu.memory_space<vmem>>[vector<16xi32>, vector<16xi32>], vector<16xf32>,
          %select_n3A_403 = arith.select %ne3A_380, %gather3A_402, %gather3A_401 : vector<16xi1>, vector<16xf32>
          %add3A_404 = arith.constant 16 : i32
          %add3A_405 = arith.addi %multiple_of3A, %add3A_404 : i32
          %swap3A_406 = arith.index_cast %add3A_405 : i32 to index
          %swap3A_407 = tpu.vector_load %arg17[%swap3A_406] {strides = array<i32>} : memref<2048xf32, #tpu.memory_space<vmem>>, vector<16xf32>,
          tpu.vector_store %arg17[%swap3A_406], %select_n3A_403 {strides = array<i32>} : memref<2048xf32, #tpu.memory_space<vmem>>, vector<16xf32>,
          %add3A_408 = arith.constant 32 : i32
          %add3A_409 = vector.broadcast %add3A_408 : i32 to vector<16xi32>
          %add3A_410 = arith.addi %iota3A, %add3A_409 : vector<16xi32>
          %gather3A_411 = tpu.vector_load_idx %arg13[%add3A_410, %add3A_382] : memref<64x128xf32, #tpu.memory_space<vmem>>[vector<16xi32>, vector<16xi32>], vector<16xf32>,
          %gather3A_412 = tpu.vector_load_idx %arg16[%add3A_389, %add3A_410] : memref<64x64xf32, #tpu.memory_space<vmem>>[vector<16xi32>, vector<16xi32>], vector<16xf32>,
          %select_n3A_413 = arith.select %ne3A_380, %gather3A_412, %gather3A_411 : vector<16xi1>, vector<16xf32>
          %add3A_414 = arith.constant 32 : i32
          %add3A_415 = arith.addi %multiple_of3A, %add3A_414 : i32
          %swap3A_416 = arith.index_cast %add3A_415 : i32 to index
          %swap3A_417 = tpu.vector_load %arg17[%swap3A_416] {strides = array<i32>} : memref<2048xf32, #tpu.memory_space<vmem>>, vector<16xf32>,
          tpu.vector_store %arg17[%swap3A_416], %select_n3A_413 {strides = array<i32>} : memref<2048xf32, #tpu.memory_space<vmem>>, vector<16xf32>,
          %add3A_418 = arith.constant 48 : i32
          %add3A_419 = vector.broadcast %add3A_418 : i32 to vector<16xi32>
          %add3A_420 = arith.addi %iota3A, %add3A_419 : vector<16xi32>
          %gather3A_421 = tpu.vector_load_idx %arg13[%add3A_420, %add3A_382] : memref<64x128xf32, #tpu.memory_space<vmem>>[vector<16xi32>, vector<16xi32>], vector<16xf32>,
          %gather3A_422 = tpu.vector_load_idx %arg16[%add3A_389, %add3A_420] : memref<64x64xf32, #tpu.memory_space<vmem>>[vector<16xi32>, vector<16xi32>], vector<16xf32>,
          %select_n3A_423 = arith.select %ne3A_380, %gather3A_422, %gather3A_421 : vector<16xi1>, vector<16xf32>
          %add3A_424 = arith.constant 48 : i32
          %add3A_425 = arith.addi %multiple_of3A, %add3A_424 : i32
          %swap3A_426 = arith.index_cast %add3A_425 : i32 to index
          %swap3A_427 = tpu.vector_load %arg17[%swap3A_426] {strides = array<i32>} : memref<2048xf32, #tpu.memory_space<vmem>>, vector<16xf32>,
          tpu.vector_store %arg17[%swap3A_426], %select_n3A_423 {strides = array<i32>} : memref<2048xf32, #tpu.memory_space<vmem>>, vector<16xf32>,
          %mul3A_428 = arith.constant 64 : i32
          %mul3A_429 = arith.muli %squeeze3A_355, %mul3A_428 : i32
          %dma_start3A = tpu.memref_slice %arg17[%multiple_of3A] : memref<2048xf32, #tpu.memory_space<vmem>> -> memref<64xf32, #tpu.memory_space<vmem>>
          %dma_start3A_430 = tpu.memref_slice %arg5[%mul3A_429] : memref<1048576xf32, #tpu.memory_space<hbm>> -> memref<64xf32, #tpu.memory_space<hbm>>
          %dma_start3A_431 = tpu.memref_slice %arg5[%mul3A_429] : memref<1048576xf32, #tpu.memory_space<hbm>> -> memref<64xf32, #tpu.memory_space<hbm>>
          %dma_start3A_432 = tpu.memref_slice %arg17[%multiple_of3A] : memref<2048xf32, #tpu.memory_space<vmem>> -> memref<64xf32, #tpu.memory_space<vmem>>
          tpu.enqueue_dma source(%dma_start3A_432 : memref<64xf32, #tpu.memory_space<vmem>>) target(%dma_start3A_431 : memref<64xf32, #tpu.memory_space<hbm>>) target_semaphore(%arg28 : memref<!tpu.dma_semaphore, #tpu.memory_space<semaphore_mem>>)
          %while3A_433 = arith.constant 0 : i32
          scf.yield %while3A_433 : i32
        }
        %while3A_344 = arith.constant 1 : i32
        %while3A_345 = scf.for %while3A_346 = %while3A_341 to %while3A_337 step %while3A_344 iter_args(%while3A_347 = %while3A_343) -> (i32)  : i32 {
          %get3A_348 = arith.index_cast %while3A_346 : i32 to index
          %get3A_349 = tpu.vector_load %arg6[%get3A_348] {strides = array<i32>} : memref<16400xi32, #tpu.memory_space<vmem>>, vector<16xi32>,
          %slice3A_350 = vector.extract_strided_slice %get3A_349 {offsets = [0], sizes = [1], strides = [1]} : vector<16xi32> to vector<1xi32>
          %squeeze3A_351 = vector.extract %slice3A_350[0] : i32 from vector<1xi32>
          %get3A_352 = arith.index_cast %while3A_346 : i32 to index
          %get3A_353 = tpu.vector_load %arg9[%get3A_352] {strides = array<i32>} : memref<16400xi32, #tpu.memory_space<vmem>>, vector<16xi32>,
          %slice3A_354 = vector.extract_strided_slice %get3A_353 {offsets = [0], sizes = [1], strides = [1]} : vector<16xi32> to vector<1xi32>
          %squeeze3A_355 = vector.extract %slice3A_354[0] : i32 from vector<1xi32>
          %get3A_356 = arith.constant 0 : i32
          %get3A_357 = arith.index_cast %get3A_356 : i32 to index
          %get3A_358 = memref.load %arg21[%get3A_357] : memref<8xi32, #tpu.memory_space<smem>>
          %add3A_359 = arith.constant 1 : i32
          %add3A_360 = arith.addi %get3A_358, %add3A_359 : i32
          %swap3A_361 = arith.constant 0 : i32
          %swap3A_362 = arith.index_cast %swap3A_361 : i32 to index
          %swap3A_363 = memref.load %arg21[%swap3A_362] : memref<8xi32, #tpu.memory_space<smem>>
          memref.store %add3A_360, %arg21[%swap3A_362] : memref<8xi32, #tpu.memory_space<smem>>
          %and3A_364 = arith.constant 31 : i32
          %and3A_365 = arith.andi %get3A_358, %and3A_364 : i32
          %mul3A_366 = arith.constant 64 : i32
          %mul3A_367 = arith.muli %and3A_365, %mul3A_366 : i32
          %multiple_of3A = tpu.assume_multiple %mul3A_367, 64 : i32
          %ge3A = arith.constant 32 : i32
          %ge3A_368 = arith.cmpi sge, %get3A_358, %ge3A : i32
          %convert_element_type3A_369 = arith.extui %ge3A_368 : i1 to i32
          %cond3A_370 = arith.constant 0 : i32
          %cond3A_371 = arith.cmpi ne, %convert_element_type3A_369, %cond3A_370 : i32
          scf.if %cond3A_371 {
            %dma_wait3A_434 = arith.constant 0 : i32
            %dma_wait3A_435 = tpu.memref_slice %arg17[%dma_wait3A_434] : memref<2048xf32, #tpu.memory_space<vmem>> -> memref<64xf32, #tpu.memory_space<vmem>>
            %dma_wait3A_436 = arith.constant 0 : i32
            %dma_wait3A_437 = tpu.memref_slice %arg5[%dma_wait3A_436] : memref<1048576xf32, #tpu.memory_space<hbm>> -> memref<64xf32, #tpu.memory_space<hbm>>
            %dma_wait3A_438 = arith.constant 0 : i32
            %dma_wait3A_439 = tpu.memref_slice %arg17[%dma_wait3A_438] : memref<2048xf32, #tpu.memory_space<vmem>> -> memref<64xf32, #tpu.memory_space<vmem>>
            %dma_wait3A_440 = arith.constant 0 : i32
            %dma_wait3A_441 = tpu.memref_slice %arg5[%dma_wait3A_440] : memref<1048576xf32, #tpu.memory_space<hbm>> -> memref<64xf32, #tpu.memory_space<hbm>>
            tpu.wait_dma2 semaphore(%arg28 : memref<!tpu.dma_semaphore, #tpu.memory_space<semaphore_mem>>) src(%dma_wait3A_441 : memref<64xf32, #tpu.memory_space<hbm>>) dst(%dma_wait3A_439 : memref<64xf32, #tpu.memory_space<vmem>>)
          } else {
          }
          %sub3A = arith.subi %squeeze3A_351, %mul3A_325 : i32
          %min3A_372 = arith.constant 127 : i32
          %min3A_373 = arith.minsi %sub3A, %min3A_372 : i32
          %ge3A_374 = arith.constant 999936 : i32
          %ge3A_375 = arith.cmpi sge, %squeeze3A_351, %ge3A_374 : i32
          %convert_element_type3A_376 = arith.extui %ge3A_375 : i1 to i32
          %add3A_377 = vector.broadcast %convert_element_type3A_376 : i32 to vector<16xi32>
          %add3A_378 = arith.addi %broadcast_in_dim3A_8, %add3A_377 : vector<16xi32>
          %ne3A = arith.constant 0 : i32
          %ne3A_379 = vector.broadcast %ne3A : i32 to vector<16xi32>
          %ne3A_380 = arith.cmpi ne, %add3A_378, %ne3A_379 : vector<16xi32>
          %add3A_381 = vector.broadcast %min3A_373 : i32 to vector<16xi32>
          %add3A_382 = arith.addi %broadcast_in_dim3A_8, %add3A_381 : vector<16xi32>
          %sub3A_383 = arith.constant 999936 : i32
          %sub3A_384 = arith.subi %squeeze3A_351, %sub3A_383 : i32
          %max3A = arith.constant 0 : i32
          %max3A_385 = arith.maxsi %sub3A_384, %max3A : i32
          %min3A_386 = arith.constant 63 : i32
          %min3A_387 = arith.minsi %max3A_385, %min3A_386 : i32
          %add3A_388 = vector.broadcast %min3A_387 : i32 to vector<16xi32>
          %add3A_389 = arith.addi %broadcast_in_dim3A_8, %add3A_388 : vector<16xi32>
          %add3A_390 = arith.constant 0 : i32
          %add3A_391 = vector.broadcast %add3A_390 : i32 to vector<16xi32>
          %add3A_392 = arith.addi %iota3A, %add3A_391 : vector<16xi32>
          %gather3A = tpu.vector_load_idx %arg13[%add3A_392, %add3A_382] : memref<64x128xf32, #tpu.memory_space<vmem>>[vector<16xi32>, vector<16xi32>], vector<16xf32>,
          %gather3A_393 = tpu.vector_load_idx %arg16[%add3A_389, %add3A_392] : memref<64x64xf32, #tpu.memory_space<vmem>>[vector<16xi32>, vector<16xi32>], vector<16xf32>,
          %select_n3A = arith.select %ne3A_380, %gather3A_393, %gather3A : vector<16xi1>, vector<16xf32>
          %add3A_394 = arith.constant 0 : i32
          %add3A_395 = arith.addi %multiple_of3A, %add3A_394 : i32
          %swap3A_396 = arith.index_cast %add3A_395 : i32 to index
          %swap3A_397 = tpu.vector_load %arg17[%swap3A_396] {strides = array<i32>} : memref<2048xf32, #tpu.memory_space<vmem>>, vector<16xf32>,
          tpu.vector_store %arg17[%swap3A_396], %select_n3A {strides = array<i32>} : memref<2048xf32, #tpu.memory_space<vmem>>, vector<16xf32>,
          %add3A_398 = arith.constant 16 : i32
          %add3A_399 = vector.broadcast %add3A_398 : i32 to vector<16xi32>
          %add3A_400 = arith.addi %iota3A, %add3A_399 : vector<16xi32>
          %gather3A_401 = tpu.vector_load_idx %arg13[%add3A_400, %add3A_382] : memref<64x128xf32, #tpu.memory_space<vmem>>[vector<16xi32>, vector<16xi32>], vector<16xf32>,
          %gather3A_402 = tpu.vector_load_idx %arg16[%add3A_389, %add3A_400] : memref<64x64xf32, #tpu.memory_space<vmem>>[vector<16xi32>, vector<16xi32>], vector<16xf32>,
          %select_n3A_403 = arith.select %ne3A_380, %gather3A_402, %gather3A_401 : vector<16xi1>, vector<16xf32>
          %add3A_404 = arith.constant 16 : i32
          %add3A_405 = arith.addi %multiple_of3A, %add3A_404 : i32
          %swap3A_406 = arith.index_cast %add3A_405 : i32 to index
          %swap3A_407 = tpu.vector_load %arg17[%swap3A_406] {strides = array<i32>} : memref<2048xf32, #tpu.memory_space<vmem>>, vector<16xf32>,
          tpu.vector_store %arg17[%swap3A_406], %select_n3A_403 {strides = array<i32>} : memref<2048xf32, #tpu.memory_space<vmem>>, vector<16xf32>,
          %add3A_408 = arith.constant 32 : i32
          %add3A_409 = vector.broadcast %add3A_408 : i32 to vector<16xi32>
          %add3A_410 = arith.addi %iota3A, %add3A_409 : vector<16xi32>
          %gather3A_411 = tpu.vector_load_idx %arg13[%add3A_410, %add3A_382] : memref<64x128xf32, #tpu.memory_space<vmem>>[vector<16xi32>, vector<16xi32>], vector<16xf32>,
          %gather3A_412 = tpu.vector_load_idx %arg16[%add3A_389, %add3A_410] : memref<64x64xf32, #tpu.memory_space<vmem>>[vector<16xi32>, vector<16xi32>], vector<16xf32>,
          %select_n3A_413 = arith.select %ne3A_380, %gather3A_412, %gather3A_411 : vector<16xi1>, vector<16xf32>
          %add3A_414 = arith.constant 32 : i32
          %add3A_415 = arith.addi %multiple_of3A, %add3A_414 : i32
          %swap3A_416 = arith.index_cast %add3A_415 : i32 to index
          %swap3A_417 = tpu.vector_load %arg17[%swap3A_416] {strides = array<i32>} : memref<2048xf32, #tpu.memory_space<vmem>>, vector<16xf32>,
          tpu.vector_store %arg17[%swap3A_416], %select_n3A_413 {strides = array<i32>} : memref<2048xf32, #tpu.memory_space<vmem>>, vector<16xf32>,
          %add3A_418 = arith.constant 48 : i32
          %add3A_419 = vector.broadcast %add3A_418 : i32 to vector<16xi32>
          %add3A_420 = arith.addi %iota3A, %add3A_419 : vector<16xi32>
          %gather3A_421 = tpu.vector_load_idx %arg13[%add3A_420, %add3A_382] : memref<64x128xf32, #tpu.memory_space<vmem>>[vector<16xi32>, vector<16xi32>], vector<16xf32>,
          %gather3A_422 = tpu.vector_load_idx %arg16[%add3A_389, %add3A_420] : memref<64x64xf32, #tpu.memory_space<vmem>>[vector<16xi32>, vector<16xi32>], vector<16xf32>,
          %select_n3A_423 = arith.select %ne3A_380, %gather3A_422, %gather3A_421 : vector<16xi1>, vector<16xf32>
          %add3A_424 = arith.constant 48 : i32
          %add3A_425 = arith.addi %multiple_of3A, %add3A_424 : i32
          %swap3A_426 = arith.index_cast %add3A_425 : i32 to index
          %swap3A_427 = tpu.vector_load %arg17[%swap3A_426] {strides = array<i32>} : memref<2048xf32, #tpu.memory_space<vmem>>, vector<16xf32>,
          tpu.vector_store %arg17[%swap3A_426], %select_n3A_423 {strides = array<i32>} : memref<2048xf32, #tpu.memory_space<vmem>>, vector<16xf32>,
          %mul3A_428 = arith.constant 64 : i32
          %mul3A_429 = arith.muli %squeeze3A_355, %mul3A_428 : i32
          %dma_start3A = tpu.memref_slice %arg17[%multiple_of3A] : memref<2048xf32, #tpu.memory_space<vmem>> -> memref<64xf32, #tpu.memory_space<vmem>>
          %dma_start3A_430 = tpu.memref_slice %arg5[%mul3A_429] : memref<1048576xf32, #tpu.memory_space<hbm>> -> memref<64xf32, #tpu.memory_space<hbm>>
          %dma_start3A_431 = tpu.memref_slice %arg5[%mul3A_429] : memref<1048576xf32, #tpu.memory_space<hbm>> -> memref<64xf32, #tpu.memory_space<hbm>>
          %dma_start3A_432 = tpu.memref_slice %arg17[%multiple_of3A] : memref<2048xf32, #tpu.memory_space<vmem>> -> memref<64xf32, #tpu.memory_space<vmem>>
          tpu.enqueue_dma source(%dma_start3A_432 : memref<64xf32, #tpu.memory_space<vmem>>) target(%dma_start3A_431 : memref<64xf32, #tpu.memory_space<hbm>>) target_semaphore(%arg28 : memref<!tpu.dma_semaphore, #tpu.memory_space<semaphore_mem>>)
          %while3A_433 = arith.constant 0 : i32
          scf.yield %while3A_433 : i32
        }
      } else {
      }
      %add3A_248 = arith.constant 6 : i32
      %add3A_249 = arith.addi %add3A_236, %add3A_248 : i32
      %lt3A_250 = arith.cmpi slt, %add3A_249, %add3A_7 : i32
      %get3A_251 = arith.index_cast %add3A_249 : i32 to index
      %get3A_252 = tpu.vector_load %arg18[%get3A_251] {strides = array<i32>} : memref<272xi32, #tpu.memory_space<vmem>>, vector<16xi32>,
      %slice3A_253 = vector.extract_strided_slice %get3A_252 {offsets = [0], sizes = [1], strides = [1]} : vector<16xi32> to vector<1xi32>
      %squeeze3A_254 = vector.extract %slice3A_253[0] : i32 from vector<1xi32>
      %gt3A_255 = arith.constant 0 : i32
      %gt3A_256 = arith.cmpi sgt, %squeeze3A_254, %gt3A_255 : i32
      %and3A_257 = arith.andi %lt3A_250, %gt3A_256 : i1
      %convert_element_type3A_258 = arith.extui %and3A_257 : i1 to i32
      %cond3A_259 = arith.constant 0 : i32
      %cond3A_260 = arith.cmpi ne, %convert_element_type3A_258, %cond3A_259 : i32
      scf.if %cond3A_260 {
        %add3A_318 = arith.constant 6 : i32
        %add3A_319 = arith.addi %add3A_236, %add3A_318 : i32
        %add3A_320 = arith.addi %add3A_4, %add3A_319 : i32
        %mul3A_321 = arith.constant 128 : i32
        %mul3A_322 = arith.muli %add3A_320, %mul3A_321 : i32
        %multiple_of3A = tpu.assume_multiple %mul3A_322, 128 : i32
        %dma_start3A = arith.constant 0 : i32
        %dma_start3A_323 = tpu.memref_slice %arg3[%dma_start3A, %multiple_of3A] : memref<64x1000000xf32, #tpu.memory_space<hbm>> -> memref<64x128xf32, #tpu.memory_space<hbm>>
        %dma_start3A_324 = arith.constant 0 : i32
        %dma_start3A_325 = tpu.memref_slice %arg3[%dma_start3A_324, %multiple_of3A] : memref<64x1000000xf32, #tpu.memory_space<hbm>> -> memref<64x128xf32, #tpu.memory_space<hbm>>
        tpu.enqueue_dma source(%dma_start3A_325 : memref<64x128xf32, #tpu.memory_space<hbm>>) target(%arg13 : memref<64x128xf32, #tpu.memory_space<vmem>>) target_semaphore(%arg25 : memref<!tpu.dma_semaphore, #tpu.memory_space<semaphore_mem>>)
      } else {
      }
      %mul3A_261 = arith.constant 6 : i32
      %mul3A_262 = arith.muli %scan3A_147, %mul3A_261 : i32
      %add3A_263 = arith.constant 4 : i32
      %add3A_264 = arith.addi %mul3A_262, %add3A_263 : i32
      %lt3A_265 = arith.cmpi slt, %add3A_264, %add3A_7 : i32
      %get3A_266 = arith.index_cast %add3A_264 : i32 to index
      %get3A_267 = tpu.vector_load %arg18[%get3A_266] {strides = array<i32>} : memref<272xi32, #tpu.memory_space<vmem>>, vector<16xi32>,
      %slice3A_268 = vector.extract_strided_slice %get3A_267 {offsets = [0], sizes = [1], strides = [1]} : vector<16xi32> to vector<1xi32>
      %squeeze3A_269 = vector.extract %slice3A_268[0] : i32 from vector<1xi32>
      %gt3A_270 = arith.constant 0 : i32
      %gt3A_271 = arith.cmpi sgt, %squeeze3A_269, %gt3A_270 : i32
      %and3A_272 = arith.andi %lt3A_265, %gt3A_271 : i1
      %convert_element_type3A_273 = arith.extui %and3A_272 : i1 to i32
      %cond3A_274 = arith.constant 0 : i32
      %cond3A_275 = arith.cmpi ne, %convert_element_type3A_273, %cond3A_274 : i32
      scf.if %cond3A_275 {
        %dma_wait3A = arith.constant 0 : i32
        %dma_wait3A_318 = arith.constant 0 : i32
        %dma_wait3A_319 = tpu.memref_slice %arg3[%dma_wait3A, %dma_wait3A_318] : memref<64x1000000xf32, #tpu.memory_space<hbm>> -> memref<64x128xf32, #tpu.memory_space<hbm>>
        %dma_wait3A_320 = arith.constant 0 : i32
        %dma_wait3A_321 = arith.constant 0 : i32
        %dma_wait3A_322 = tpu.memref_slice %arg3[%dma_wait3A_320, %dma_wait3A_321] : memref<64x1000000xf32, #tpu.memory_space<hbm>> -> memref<64x128xf32, #tpu.memory_space<hbm>>
        tpu.wait_dma2 semaphore(%arg26 : memref<!tpu.dma_semaphore, #tpu.memory_space<semaphore_mem>>) src(%dma_wait3A_322 : memref<64x128xf32, #tpu.memory_space<hbm>>) dst(%arg14 : memref<64x128xf32, #tpu.memory_space<vmem>>)
        %add3A_323 = arith.addi %add3A_4, %add3A_264 : i32
        %mul3A_324 = arith.constant 128 : i32
        %mul3A_325 = arith.muli %add3A_323, %mul3A_324 : i32
        %get3A_326 = arith.index_cast %add3A_264 : i32 to index
        %get3A_327 = tpu.vector_load %arg19[%get3A_326] {strides = array<i32>} : memref<272xi32, #tpu.memory_space<vmem>>, vector<16xi32>,
        %slice3A_328 = vector.extract_strided_slice %get3A_327 {offsets = [0], sizes = [1], strides = [1]} : vector<16xi32> to vector<1xi32>
        %squeeze3A_329 = vector.extract %slice3A_328[0] : i32 from vector<1xi32>
        %get3A_330 = arith.index_cast %add3A_264 : i32 to index
        %get3A_331 = tpu.vector_load %arg18[%get3A_330] {strides = array<i32>} : memref<272xi32, #tpu.memory_space<vmem>>, vector<16xi32>,
        %slice3A_332 = vector.extract_strided_slice %get3A_331 {offsets = [0], sizes = [1], strides = [1]} : vector<16xi32> to vector<1xi32>
        %squeeze3A_333 = vector.extract %slice3A_332[0] : i32 from vector<1xi32>
        %add3A_334 = arith.addi %squeeze3A_329, %squeeze3A_333 : i32
        %while3A_335 = arith.constant 0 : i32
        %while3A_336 = arith.subi %add3A_334, %squeeze3A_329 : i32
        %while3A_337 = arith.addi %squeeze3A_329, %while3A_336 : i32
        %while3A_338 = arith.constant 1 : i32
        %while3A_339 = arith.divsi %while3A_336, %while3A_338 : i32
        %while3A_340 = arith.muli %while3A_339, %while3A_338 : i32
        %while3A_341 = arith.addi %squeeze3A_329, %while3A_340 : i32
        %while3A_342 = arith.constant 1 : i32
        %while3A_343 = scf.for %while3A_346 = %squeeze3A_329 to %while3A_341 step %while3A_342 iter_args(%while3A_347 = %while3A_335) -> (i32)  : i32 {
          %get3A_348 = arith.index_cast %while3A_346 : i32 to index
          %get3A_349 = tpu.vector_load %arg6[%get3A_348] {strides = array<i32>} : memref<16400xi32, #tpu.memory_space<vmem>>, vector<16xi32>,
          %slice3A_350 = vector.extract_strided_slice %get3A_349 {offsets = [0], sizes = [1], strides = [1]} : vector<16xi32> to vector<1xi32>
          %squeeze3A_351 = vector.extract %slice3A_350[0] : i32 from vector<1xi32>
          %get3A_352 = arith.index_cast %while3A_346 : i32 to index
          %get3A_353 = tpu.vector_load %arg9[%get3A_352] {strides = array<i32>} : memref<16400xi32, #tpu.memory_space<vmem>>, vector<16xi32>,
          %slice3A_354 = vector.extract_strided_slice %get3A_353 {offsets = [0], sizes = [1], strides = [1]} : vector<16xi32> to vector<1xi32>
          %squeeze3A_355 = vector.extract %slice3A_354[0] : i32 from vector<1xi32>
          %get3A_356 = arith.constant 0 : i32
          %get3A_357 = arith.index_cast %get3A_356 : i32 to index
          %get3A_358 = memref.load %arg21[%get3A_357] : memref<8xi32, #tpu.memory_space<smem>>
          %add3A_359 = arith.constant 1 : i32
          %add3A_360 = arith.addi %get3A_358, %add3A_359 : i32
          %swap3A_361 = arith.constant 0 : i32
          %swap3A_362 = arith.index_cast %swap3A_361 : i32 to index
          %swap3A_363 = memref.load %arg21[%swap3A_362] : memref<8xi32, #tpu.memory_space<smem>>
          memref.store %add3A_360, %arg21[%swap3A_362] : memref<8xi32, #tpu.memory_space<smem>>
          %and3A_364 = arith.constant 31 : i32
          %and3A_365 = arith.andi %get3A_358, %and3A_364 : i32
          %mul3A_366 = arith.constant 64 : i32
          %mul3A_367 = arith.muli %and3A_365, %mul3A_366 : i32
          %multiple_of3A = tpu.assume_multiple %mul3A_367, 64 : i32
          %ge3A = arith.constant 32 : i32
          %ge3A_368 = arith.cmpi sge, %get3A_358, %ge3A : i32
          %convert_element_type3A_369 = arith.extui %ge3A_368 : i1 to i32
          %cond3A_370 = arith.constant 0 : i32
          %cond3A_371 = arith.cmpi ne, %convert_element_type3A_369, %cond3A_370 : i32
          scf.if %cond3A_371 {
            %dma_wait3A_434 = arith.constant 0 : i32
            %dma_wait3A_435 = tpu.memref_slice %arg17[%dma_wait3A_434] : memref<2048xf32, #tpu.memory_space<vmem>> -> memref<64xf32, #tpu.memory_space<vmem>>
            %dma_wait3A_436 = arith.constant 0 : i32
            %dma_wait3A_437 = tpu.memref_slice %arg5[%dma_wait3A_436] : memref<1048576xf32, #tpu.memory_space<hbm>> -> memref<64xf32, #tpu.memory_space<hbm>>
            %dma_wait3A_438 = arith.constant 0 : i32
            %dma_wait3A_439 = tpu.memref_slice %arg17[%dma_wait3A_438] : memref<2048xf32, #tpu.memory_space<vmem>> -> memref<64xf32, #tpu.memory_space<vmem>>
            %dma_wait3A_440 = arith.constant 0 : i32
            %dma_wait3A_441 = tpu.memref_slice %arg5[%dma_wait3A_440] : memref<1048576xf32, #tpu.memory_space<hbm>> -> memref<64xf32, #tpu.memory_space<hbm>>
            tpu.wait_dma2 semaphore(%arg28 : memref<!tpu.dma_semaphore, #tpu.memory_space<semaphore_mem>>) src(%dma_wait3A_441 : memref<64xf32, #tpu.memory_space<hbm>>) dst(%dma_wait3A_439 : memref<64xf32, #tpu.memory_space<vmem>>)
          } else {
          }
          %sub3A = arith.subi %squeeze3A_351, %mul3A_325 : i32
          %min3A_372 = arith.constant 127 : i32
          %min3A_373 = arith.minsi %sub3A, %min3A_372 : i32
          %ge3A_374 = arith.constant 999936 : i32
          %ge3A_375 = arith.cmpi sge, %squeeze3A_351, %ge3A_374 : i32
          %convert_element_type3A_376 = arith.extui %ge3A_375 : i1 to i32
          %add3A_377 = vector.broadcast %convert_element_type3A_376 : i32 to vector<16xi32>
          %add3A_378 = arith.addi %broadcast_in_dim3A_8, %add3A_377 : vector<16xi32>
          %ne3A = arith.constant 0 : i32
          %ne3A_379 = vector.broadcast %ne3A : i32 to vector<16xi32>
          %ne3A_380 = arith.cmpi ne, %add3A_378, %ne3A_379 : vector<16xi32>
          %add3A_381 = vector.broadcast %min3A_373 : i32 to vector<16xi32>
          %add3A_382 = arith.addi %broadcast_in_dim3A_8, %add3A_381 : vector<16xi32>
          %sub3A_383 = arith.constant 999936 : i32
          %sub3A_384 = arith.subi %squeeze3A_351, %sub3A_383 : i32
          %max3A = arith.constant 0 : i32
          %max3A_385 = arith.maxsi %sub3A_384, %max3A : i32
          %min3A_386 = arith.constant 63 : i32
          %min3A_387 = arith.minsi %max3A_385, %min3A_386 : i32
          %add3A_388 = vector.broadcast %min3A_387 : i32 to vector<16xi32>
          %add3A_389 = arith.addi %broadcast_in_dim3A_8, %add3A_388 : vector<16xi32>
          %add3A_390 = arith.constant 0 : i32
          %add3A_391 = vector.broadcast %add3A_390 : i32 to vector<16xi32>
          %add3A_392 = arith.addi %iota3A, %add3A_391 : vector<16xi32>
          %gather3A = tpu.vector_load_idx %arg14[%add3A_392, %add3A_382] : memref<64x128xf32, #tpu.memory_space<vmem>>[vector<16xi32>, vector<16xi32>], vector<16xf32>,
          %gather3A_393 = tpu.vector_load_idx %arg16[%add3A_389, %add3A_392] : memref<64x64xf32, #tpu.memory_space<vmem>>[vector<16xi32>, vector<16xi32>], vector<16xf32>,
          %select_n3A = arith.select %ne3A_380, %gather3A_393, %gather3A : vector<16xi1>, vector<16xf32>
          %add3A_394 = arith.constant 0 : i32
          %add3A_395 = arith.addi %multiple_of3A, %add3A_394 : i32
          %swap3A_396 = arith.index_cast %add3A_395 : i32 to index
          %swap3A_397 = tpu.vector_load %arg17[%swap3A_396] {strides = array<i32>} : memref<2048xf32, #tpu.memory_space<vmem>>, vector<16xf32>,
          tpu.vector_store %arg17[%swap3A_396], %select_n3A {strides = array<i32>} : memref<2048xf32, #tpu.memory_space<vmem>>, vector<16xf32>,
          %add3A_398 = arith.constant 16 : i32
          %add3A_399 = vector.broadcast %add3A_398 : i32 to vector<16xi32>
          %add3A_400 = arith.addi %iota3A, %add3A_399 : vector<16xi32>
          %gather3A_401 = tpu.vector_load_idx %arg14[%add3A_400, %add3A_382] : memref<64x128xf32, #tpu.memory_space<vmem>>[vector<16xi32>, vector<16xi32>], vector<16xf32>,
          %gather3A_402 = tpu.vector_load_idx %arg16[%add3A_389, %add3A_400] : memref<64x64xf32, #tpu.memory_space<vmem>>[vector<16xi32>, vector<16xi32>], vector<16xf32>,
          %select_n3A_403 = arith.select %ne3A_380, %gather3A_402, %gather3A_401 : vector<16xi1>, vector<16xf32>
          %add3A_404 = arith.constant 16 : i32
          %add3A_405 = arith.addi %multiple_of3A, %add3A_404 : i32
          %swap3A_406 = arith.index_cast %add3A_405 : i32 to index
          %swap3A_407 = tpu.vector_load %arg17[%swap3A_406] {strides = array<i32>} : memref<2048xf32, #tpu.memory_space<vmem>>, vector<16xf32>,
          tpu.vector_store %arg17[%swap3A_406], %select_n3A_403 {strides = array<i32>} : memref<2048xf32, #tpu.memory_space<vmem>>, vector<16xf32>,
          %add3A_408 = arith.constant 32 : i32
          %add3A_409 = vector.broadcast %add3A_408 : i32 to vector<16xi32>
          %add3A_410 = arith.addi %iota3A, %add3A_409 : vector<16xi32>
          %gather3A_411 = tpu.vector_load_idx %arg14[%add3A_410, %add3A_382] : memref<64x128xf32, #tpu.memory_space<vmem>>[vector<16xi32>, vector<16xi32>], vector<16xf32>,
          %gather3A_412 = tpu.vector_load_idx %arg16[%add3A_389, %add3A_410] : memref<64x64xf32, #tpu.memory_space<vmem>>[vector<16xi32>, vector<16xi32>], vector<16xf32>,
          %select_n3A_413 = arith.select %ne3A_380, %gather3A_412, %gather3A_411 : vector<16xi1>, vector<16xf32>
          %add3A_414 = arith.constant 32 : i32
          %add3A_415 = arith.addi %multiple_of3A, %add3A_414 : i32
          %swap3A_416 = arith.index_cast %add3A_415 : i32 to index
          %swap3A_417 = tpu.vector_load %arg17[%swap3A_416] {strides = array<i32>} : memref<2048xf32, #tpu.memory_space<vmem>>, vector<16xf32>,
          tpu.vector_store %arg17[%swap3A_416], %select_n3A_413 {strides = array<i32>} : memref<2048xf32, #tpu.memory_space<vmem>>, vector<16xf32>,
          %add3A_418 = arith.constant 48 : i32
          %add3A_419 = vector.broadcast %add3A_418 : i32 to vector<16xi32>
          %add3A_420 = arith.addi %iota3A, %add3A_419 : vector<16xi32>
          %gather3A_421 = tpu.vector_load_idx %arg14[%add3A_420, %add3A_382] : memref<64x128xf32, #tpu.memory_space<vmem>>[vector<16xi32>, vector<16xi32>], vector<16xf32>,
          %gather3A_422 = tpu.vector_load_idx %arg16[%add3A_389, %add3A_420] : memref<64x64xf32, #tpu.memory_space<vmem>>[vector<16xi32>, vector<16xi32>], vector<16xf32>,
          %select_n3A_423 = arith.select %ne3A_380, %gather3A_422, %gather3A_421 : vector<16xi1>, vector<16xf32>
          %add3A_424 = arith.constant 48 : i32
          %add3A_425 = arith.addi %multiple_of3A, %add3A_424 : i32
          %swap3A_426 = arith.index_cast %add3A_425 : i32 to index
          %swap3A_427 = tpu.vector_load %arg17[%swap3A_426] {strides = array<i32>} : memref<2048xf32, #tpu.memory_space<vmem>>, vector<16xf32>,
          tpu.vector_store %arg17[%swap3A_426], %select_n3A_423 {strides = array<i32>} : memref<2048xf32, #tpu.memory_space<vmem>>, vector<16xf32>,
          %mul3A_428 = arith.constant 64 : i32
          %mul3A_429 = arith.muli %squeeze3A_355, %mul3A_428 : i32
          %dma_start3A = tpu.memref_slice %arg17[%multiple_of3A] : memref<2048xf32, #tpu.memory_space<vmem>> -> memref<64xf32, #tpu.memory_space<vmem>>
          %dma_start3A_430 = tpu.memref_slice %arg5[%mul3A_429] : memref<1048576xf32, #tpu.memory_space<hbm>> -> memref<64xf32, #tpu.memory_space<hbm>>
          %dma_start3A_431 = tpu.memref_slice %arg5[%mul3A_429] : memref<1048576xf32, #tpu.memory_space<hbm>> -> memref<64xf32, #tpu.memory_space<hbm>>
          %dma_start3A_432 = tpu.memref_slice %arg17[%multiple_of3A] : memref<2048xf32, #tpu.memory_space<vmem>> -> memref<64xf32, #tpu.memory_space<vmem>>
          tpu.enqueue_dma source(%dma_start3A_432 : memref<64xf32, #tpu.memory_space<vmem>>) target(%dma_start3A_431 : memref<64xf32, #tpu.memory_space<hbm>>) target_semaphore(%arg28 : memref<!tpu.dma_semaphore, #tpu.memory_space<semaphore_mem>>)
          %while3A_433 = arith.constant 0 : i32
          scf.yield %while3A_433 : i32
        }
        %while3A_344 = arith.constant 1 : i32
        %while3A_345 = scf.for %while3A_346 = %while3A_341 to %while3A_337 step %while3A_344 iter_args(%while3A_347 = %while3A_343) -> (i32)  : i32 {
          %get3A_348 = arith.index_cast %while3A_346 : i32 to index
          %get3A_349 = tpu.vector_load %arg6[%get3A_348] {strides = array<i32>} : memref<16400xi32, #tpu.memory_space<vmem>>, vector<16xi32>,
          %slice3A_350 = vector.extract_strided_slice %get3A_349 {offsets = [0], sizes = [1], strides = [1]} : vector<16xi32> to vector<1xi32>
          %squeeze3A_351 = vector.extract %slice3A_350[0] : i32 from vector<1xi32>
          %get3A_352 = arith.index_cast %while3A_346 : i32 to index
          %get3A_353 = tpu.vector_load %arg9[%get3A_352] {strides = array<i32>} : memref<16400xi32, #tpu.memory_space<vmem>>, vector<16xi32>,
          %slice3A_354 = vector.extract_strided_slice %get3A_353 {offsets = [0], sizes = [1], strides = [1]} : vector<16xi32> to vector<1xi32>
          %squeeze3A_355 = vector.extract %slice3A_354[0] : i32 from vector<1xi32>
          %get3A_356 = arith.constant 0 : i32
          %get3A_357 = arith.index_cast %get3A_356 : i32 to index
          %get3A_358 = memref.load %arg21[%get3A_357] : memref<8xi32, #tpu.memory_space<smem>>
          %add3A_359 = arith.constant 1 : i32
          %add3A_360 = arith.addi %get3A_358, %add3A_359 : i32
          %swap3A_361 = arith.constant 0 : i32
          %swap3A_362 = arith.index_cast %swap3A_361 : i32 to index
          %swap3A_363 = memref.load %arg21[%swap3A_362] : memref<8xi32, #tpu.memory_space<smem>>
          memref.store %add3A_360, %arg21[%swap3A_362] : memref<8xi32, #tpu.memory_space<smem>>
          %and3A_364 = arith.constant 31 : i32
          %and3A_365 = arith.andi %get3A_358, %and3A_364 : i32
          %mul3A_366 = arith.constant 64 : i32
          %mul3A_367 = arith.muli %and3A_365, %mul3A_366 : i32
          %multiple_of3A = tpu.assume_multiple %mul3A_367, 64 : i32
          %ge3A = arith.constant 32 : i32
          %ge3A_368 = arith.cmpi sge, %get3A_358, %ge3A : i32
          %convert_element_type3A_369 = arith.extui %ge3A_368 : i1 to i32
          %cond3A_370 = arith.constant 0 : i32
          %cond3A_371 = arith.cmpi ne, %convert_element_type3A_369, %cond3A_370 : i32
          scf.if %cond3A_371 {
            %dma_wait3A_434 = arith.constant 0 : i32
            %dma_wait3A_435 = tpu.memref_slice %arg17[%dma_wait3A_434] : memref<2048xf32, #tpu.memory_space<vmem>> -> memref<64xf32, #tpu.memory_space<vmem>>
            %dma_wait3A_436 = arith.constant 0 : i32
            %dma_wait3A_437 = tpu.memref_slice %arg5[%dma_wait3A_436] : memref<1048576xf32, #tpu.memory_space<hbm>> -> memref<64xf32, #tpu.memory_space<hbm>>
            %dma_wait3A_438 = arith.constant 0 : i32
            %dma_wait3A_439 = tpu.memref_slice %arg17[%dma_wait3A_438] : memref<2048xf32, #tpu.memory_space<vmem>> -> memref<64xf32, #tpu.memory_space<vmem>>
            %dma_wait3A_440 = arith.constant 0 : i32
            %dma_wait3A_441 = tpu.memref_slice %arg5[%dma_wait3A_440] : memref<1048576xf32, #tpu.memory_space<hbm>> -> memref<64xf32, #tpu.memory_space<hbm>>
            tpu.wait_dma2 semaphore(%arg28 : memref<!tpu.dma_semaphore, #tpu.memory_space<semaphore_mem>>) src(%dma_wait3A_441 : memref<64xf32, #tpu.memory_space<hbm>>) dst(%dma_wait3A_439 : memref<64xf32, #tpu.memory_space<vmem>>)
          } else {
          }
          %sub3A = arith.subi %squeeze3A_351, %mul3A_325 : i32
          %min3A_372 = arith.constant 127 : i32
          %min3A_373 = arith.minsi %sub3A, %min3A_372 : i32
          %ge3A_374 = arith.constant 999936 : i32
          %ge3A_375 = arith.cmpi sge, %squeeze3A_351, %ge3A_374 : i32
          %convert_element_type3A_376 = arith.extui %ge3A_375 : i1 to i32
          %add3A_377 = vector.broadcast %convert_element_type3A_376 : i32 to vector<16xi32>
          %add3A_378 = arith.addi %broadcast_in_dim3A_8, %add3A_377 : vector<16xi32>
          %ne3A = arith.constant 0 : i32
          %ne3A_379 = vector.broadcast %ne3A : i32 to vector<16xi32>
          %ne3A_380 = arith.cmpi ne, %add3A_378, %ne3A_379 : vector<16xi32>
          %add3A_381 = vector.broadcast %min3A_373 : i32 to vector<16xi32>
          %add3A_382 = arith.addi %broadcast_in_dim3A_8, %add3A_381 : vector<16xi32>
          %sub3A_383 = arith.constant 999936 : i32
          %sub3A_384 = arith.subi %squeeze3A_351, %sub3A_383 : i32
          %max3A = arith.constant 0 : i32
          %max3A_385 = arith.maxsi %sub3A_384, %max3A : i32
          %min3A_386 = arith.constant 63 : i32
          %min3A_387 = arith.minsi %max3A_385, %min3A_386 : i32
          %add3A_388 = vector.broadcast %min3A_387 : i32 to vector<16xi32>
          %add3A_389 = arith.addi %broadcast_in_dim3A_8, %add3A_388 : vector<16xi32>
          %add3A_390 = arith.constant 0 : i32
          %add3A_391 = vector.broadcast %add3A_390 : i32 to vector<16xi32>
          %add3A_392 = arith.addi %iota3A, %add3A_391 : vector<16xi32>
          %gather3A = tpu.vector_load_idx %arg14[%add3A_392, %add3A_382] : memref<64x128xf32, #tpu.memory_space<vmem>>[vector<16xi32>, vector<16xi32>], vector<16xf32>,
          %gather3A_393 = tpu.vector_load_idx %arg16[%add3A_389, %add3A_392] : memref<64x64xf32, #tpu.memory_space<vmem>>[vector<16xi32>, vector<16xi32>], vector<16xf32>,
          %select_n3A = arith.select %ne3A_380, %gather3A_393, %gather3A : vector<16xi1>, vector<16xf32>
          %add3A_394 = arith.constant 0 : i32
          %add3A_395 = arith.addi %multiple_of3A, %add3A_394 : i32
          %swap3A_396 = arith.index_cast %add3A_395 : i32 to index
          %swap3A_397 = tpu.vector_load %arg17[%swap3A_396] {strides = array<i32>} : memref<2048xf32, #tpu.memory_space<vmem>>, vector<16xf32>,
          tpu.vector_store %arg17[%swap3A_396], %select_n3A {strides = array<i32>} : memref<2048xf32, #tpu.memory_space<vmem>>, vector<16xf32>,
          %add3A_398 = arith.constant 16 : i32
          %add3A_399 = vector.broadcast %add3A_398 : i32 to vector<16xi32>
          %add3A_400 = arith.addi %iota3A, %add3A_399 : vector<16xi32>
          %gather3A_401 = tpu.vector_load_idx %arg14[%add3A_400, %add3A_382] : memref<64x128xf32, #tpu.memory_space<vmem>>[vector<16xi32>, vector<16xi32>], vector<16xf32>,
          %gather3A_402 = tpu.vector_load_idx %arg16[%add3A_389, %add3A_400] : memref<64x64xf32, #tpu.memory_space<vmem>>[vector<16xi32>, vector<16xi32>], vector<16xf32>,
          %select_n3A_403 = arith.select %ne3A_380, %gather3A_402, %gather3A_401 : vector<16xi1>, vector<16xf32>
          %add3A_404 = arith.constant 16 : i32
          %add3A_405 = arith.addi %multiple_of3A, %add3A_404 : i32
          %swap3A_406 = arith.index_cast %add3A_405 : i32 to index
          %swap3A_407 = tpu.vector_load %arg17[%swap3A_406] {strides = array<i32>} : memref<2048xf32, #tpu.memory_space<vmem>>, vector<16xf32>,
          tpu.vector_store %arg17[%swap3A_406], %select_n3A_403 {strides = array<i32>} : memref<2048xf32, #tpu.memory_space<vmem>>, vector<16xf32>,
          %add3A_408 = arith.constant 32 : i32
          %add3A_409 = vector.broadcast %add3A_408 : i32 to vector<16xi32>
          %add3A_410 = arith.addi %iota3A, %add3A_409 : vector<16xi32>
          %gather3A_411 = tpu.vector_load_idx %arg14[%add3A_410, %add3A_382] : memref<64x128xf32, #tpu.memory_space<vmem>>[vector<16xi32>, vector<16xi32>], vector<16xf32>,
          %gather3A_412 = tpu.vector_load_idx %arg16[%add3A_389, %add3A_410] : memref<64x64xf32, #tpu.memory_space<vmem>>[vector<16xi32>, vector<16xi32>], vector<16xf32>,
          %select_n3A_413 = arith.select %ne3A_380, %gather3A_412, %gather3A_411 : vector<16xi1>, vector<16xf32>
          %add3A_414 = arith.constant 32 : i32
          %add3A_415 = arith.addi %multiple_of3A, %add3A_414 : i32
          %swap3A_416 = arith.index_cast %add3A_415 : i32 to index
          %swap3A_417 = tpu.vector_load %arg17[%swap3A_416] {strides = array<i32>} : memref<2048xf32, #tpu.memory_space<vmem>>, vector<16xf32>,
          tpu.vector_store %arg17[%swap3A_416], %select_n3A_413 {strides = array<i32>} : memref<2048xf32, #tpu.memory_space<vmem>>, vector<16xf32>,
          %add3A_418 = arith.constant 48 : i32
          %add3A_419 = vector.broadcast %add3A_418 : i32 to vector<16xi32>
          %add3A_420 = arith.addi %iota3A, %add3A_419 : vector<16xi32>
          %gather3A_421 = tpu.vector_load_idx %arg14[%add3A_420, %add3A_382] : memref<64x128xf32, #tpu.memory_space<vmem>>[vector<16xi32>, vector<16xi32>], vector<16xf32>,
          %gather3A_422 = tpu.vector_load_idx %arg16[%add3A_389, %add3A_420] : memref<64x64xf32, #tpu.memory_space<vmem>>[vector<16xi32>, vector<16xi32>], vector<16xf32>,
          %select_n3A_423 = arith.select %ne3A_380, %gather3A_422, %gather3A_421 : vector<16xi1>, vector<16xf32>
          %add3A_424 = arith.constant 48 : i32
          %add3A_425 = arith.addi %multiple_of3A, %add3A_424 : i32
          %swap3A_426 = arith.index_cast %add3A_425 : i32 to index
          %swap3A_427 = tpu.vector_load %arg17[%swap3A_426] {strides = array<i32>} : memref<2048xf32, #tpu.memory_space<vmem>>, vector<16xf32>,
          tpu.vector_store %arg17[%swap3A_426], %select_n3A_423 {strides = array<i32>} : memref<2048xf32, #tpu.memory_space<vmem>>, vector<16xf32>,
          %mul3A_428 = arith.constant 64 : i32
          %mul3A_429 = arith.muli %squeeze3A_355, %mul3A_428 : i32
          %dma_start3A = tpu.memref_slice %arg17[%multiple_of3A] : memref<2048xf32, #tpu.memory_space<vmem>> -> memref<64xf32, #tpu.memory_space<vmem>>
          %dma_start3A_430 = tpu.memref_slice %arg5[%mul3A_429] : memref<1048576xf32, #tpu.memory_space<hbm>> -> memref<64xf32, #tpu.memory_space<hbm>>
          %dma_start3A_431 = tpu.memref_slice %arg5[%mul3A_429] : memref<1048576xf32, #tpu.memory_space<hbm>> -> memref<64xf32, #tpu.memory_space<hbm>>
          %dma_start3A_432 = tpu.memref_slice %arg17[%multiple_of3A] : memref<2048xf32, #tpu.memory_space<vmem>> -> memref<64xf32, #tpu.memory_space<vmem>>
          tpu.enqueue_dma source(%dma_start3A_432 : memref<64xf32, #tpu.memory_space<vmem>>) target(%dma_start3A_431 : memref<64xf32, #tpu.memory_space<hbm>>) target_semaphore(%arg28 : memref<!tpu.dma_semaphore, #tpu.memory_space<semaphore_mem>>)
          %while3A_433 = arith.constant 0 : i32
          scf.yield %while3A_433 : i32
        }
      } else {
      }
      %add3A_276 = arith.constant 6 : i32
      %add3A_277 = arith.addi %add3A_264, %add3A_276 : i32
      %lt3A_278 = arith.cmpi slt, %add3A_277, %add3A_7 : i32
      %get3A_279 = arith.index_cast %add3A_277 : i32 to index
      %get3A_280 = tpu.vector_load %arg18[%get3A_279] {strides = array<i32>} : memref<272xi32, #tpu.memory_space<vmem>>, vector<16xi32>,
      %slice3A_281 = vector.extract_strided_slice %get3A_280 {offsets = [0], sizes = [1], strides = [1]} : vector<16xi32> to vector<1xi32>
      %squeeze3A_282 = vector.extract %slice3A_281[0] : i32 from vector<1xi32>
      %gt3A_283 = arith.constant 0 : i32
      %gt3A_284 = arith.cmpi sgt, %squeeze3A_282, %gt3A_283 : i32
      %and3A_285 = arith.andi %lt3A_278, %gt3A_284 : i1
      %convert_element_type3A_286 = arith.extui %and3A_285 : i1 to i32
      %cond3A_287 = arith.constant 0 : i32
      %cond3A_288 = arith.cmpi ne, %convert_element_type3A_286, %cond3A_287 : i32
      scf.if %cond3A_288 {
        %add3A_318 = arith.constant 6 : i32
        %add3A_319 = arith.addi %add3A_264, %add3A_318 : i32
        %add3A_320 = arith.addi %add3A_4, %add3A_319 : i32
        %mul3A_321 = arith.constant 128 : i32
        %mul3A_322 = arith.muli %add3A_320, %mul3A_321 : i32
        %multiple_of3A = tpu.assume_multiple %mul3A_322, 128 : i32
        %dma_start3A = arith.constant 0 : i32
        %dma_start3A_323 = tpu.memref_slice %arg3[%dma_start3A, %multiple_of3A] : memref<64x1000000xf32, #tpu.memory_space<hbm>> -> memref<64x128xf32, #tpu.memory_space<hbm>>
        %dma_start3A_324 = arith.constant 0 : i32
        %dma_start3A_325 = tpu.memref_slice %arg3[%dma_start3A_324, %multiple_of3A] : memref<64x1000000xf32, #tpu.memory_space<hbm>> -> memref<64x128xf32, #tpu.memory_space<hbm>>
        tpu.enqueue_dma source(%dma_start3A_325 : memref<64x128xf32, #tpu.memory_space<hbm>>) target(%arg14 : memref<64x128xf32, #tpu.memory_space<vmem>>) target_semaphore(%arg26 : memref<!tpu.dma_semaphore, #tpu.memory_space<semaphore_mem>>)
      } else {
      }
      %mul3A_289 = arith.constant 6 : i32
      %mul3A_290 = arith.muli %scan3A_147, %mul3A_289 : i32
      %add3A_291 = arith.constant 5 : i32
      %add3A_292 = arith.addi %mul3A_290, %add3A_291 : i32
      %lt3A_293 = arith.cmpi slt, %add3A_292, %add3A_7 : i32
      %get3A_294 = arith.index_cast %add3A_292 : i32 to index
      %get3A_295 = tpu.vector_load %arg18[%get3A_294] {strides = array<i32>} : memref<272xi32, #tpu.memory_space<vmem>>, vector<16xi32>,
      %slice3A_296 = vector.extract_strided_slice %get3A_295 {offsets = [0], sizes = [1], strides = [1]} : vector<16xi32> to vector<1xi32>
      %squeeze3A_297 = vector.extract %slice3A_296[0] : i32 from vector<1xi32>
      %gt3A_298 = arith.constant 0 : i32
      %gt3A_299 = arith.cmpi sgt, %squeeze3A_297, %gt3A_298 : i32
      %and3A_300 = arith.andi %lt3A_293, %gt3A_299 : i1
      %convert_element_type3A_301 = arith.extui %and3A_300 : i1 to i32
      %cond3A_302 = arith.constant 0 : i32
      %cond3A_303 = arith.cmpi ne, %convert_element_type3A_301, %cond3A_302 : i32
      scf.if %cond3A_303 {
        %dma_wait3A = arith.constant 0 : i32
        %dma_wait3A_318 = arith.constant 0 : i32
        %dma_wait3A_319 = tpu.memref_slice %arg3[%dma_wait3A, %dma_wait3A_318] : memref<64x1000000xf32, #tpu.memory_space<hbm>> -> memref<64x128xf32, #tpu.memory_space<hbm>>
        %dma_wait3A_320 = arith.constant 0 : i32
        %dma_wait3A_321 = arith.constant 0 : i32
        %dma_wait3A_322 = tpu.memref_slice %arg3[%dma_wait3A_320, %dma_wait3A_321] : memref<64x1000000xf32, #tpu.memory_space<hbm>> -> memref<64x128xf32, #tpu.memory_space<hbm>>
        tpu.wait_dma2 semaphore(%arg27 : memref<!tpu.dma_semaphore, #tpu.memory_space<semaphore_mem>>) src(%dma_wait3A_322 : memref<64x128xf32, #tpu.memory_space<hbm>>) dst(%arg15 : memref<64x128xf32, #tpu.memory_space<vmem>>)
        %add3A_323 = arith.addi %add3A_4, %add3A_292 : i32
        %mul3A_324 = arith.constant 128 : i32
        %mul3A_325 = arith.muli %add3A_323, %mul3A_324 : i32
        %get3A_326 = arith.index_cast %add3A_292 : i32 to index
        %get3A_327 = tpu.vector_load %arg19[%get3A_326] {strides = array<i32>} : memref<272xi32, #tpu.memory_space<vmem>>, vector<16xi32>,
        %slice3A_328 = vector.extract_strided_slice %get3A_327 {offsets = [0], sizes = [1], strides = [1]} : vector<16xi32> to vector<1xi32>
        %squeeze3A_329 = vector.extract %slice3A_328[0] : i32 from vector<1xi32>
        %get3A_330 = arith.index_cast %add3A_292 : i32 to index
        %get3A_331 = tpu.vector_load %arg18[%get3A_330] {strides = array<i32>} : memref<272xi32, #tpu.memory_space<vmem>>, vector<16xi32>,
        %slice3A_332 = vector.extract_strided_slice %get3A_331 {offsets = [0], sizes = [1], strides = [1]} : vector<16xi32> to vector<1xi32>
        %squeeze3A_333 = vector.extract %slice3A_332[0] : i32 from vector<1xi32>
        %add3A_334 = arith.addi %squeeze3A_329, %squeeze3A_333 : i32
        %while3A_335 = arith.constant 0 : i32
        %while3A_336 = arith.subi %add3A_334, %squeeze3A_329 : i32
        %while3A_337 = arith.addi %squeeze3A_329, %while3A_336 : i32
        %while3A_338 = arith.constant 1 : i32
        %while3A_339 = arith.divsi %while3A_336, %while3A_338 : i32
        %while3A_340 = arith.muli %while3A_339, %while3A_338 : i32
        %while3A_341 = arith.addi %squeeze3A_329, %while3A_340 : i32
        %while3A_342 = arith.constant 1 : i32
        %while3A_343 = scf.for %while3A_346 = %squeeze3A_329 to %while3A_341 step %while3A_342 iter_args(%while3A_347 = %while3A_335) -> (i32)  : i32 {
          %get3A_348 = arith.index_cast %while3A_346 : i32 to index
          %get3A_349 = tpu.vector_load %arg6[%get3A_348] {strides = array<i32>} : memref<16400xi32, #tpu.memory_space<vmem>>, vector<16xi32>,
          %slice3A_350 = vector.extract_strided_slice %get3A_349 {offsets = [0], sizes = [1], strides = [1]} : vector<16xi32> to vector<1xi32>
          %squeeze3A_351 = vector.extract %slice3A_350[0] : i32 from vector<1xi32>
          %get3A_352 = arith.index_cast %while3A_346 : i32 to index
          %get3A_353 = tpu.vector_load %arg9[%get3A_352] {strides = array<i32>} : memref<16400xi32, #tpu.memory_space<vmem>>, vector<16xi32>,
          %slice3A_354 = vector.extract_strided_slice %get3A_353 {offsets = [0], sizes = [1], strides = [1]} : vector<16xi32> to vector<1xi32>
          %squeeze3A_355 = vector.extract %slice3A_354[0] : i32 from vector<1xi32>
          %get3A_356 = arith.constant 0 : i32
          %get3A_357 = arith.index_cast %get3A_356 : i32 to index
          %get3A_358 = memref.load %arg21[%get3A_357] : memref<8xi32, #tpu.memory_space<smem>>
          %add3A_359 = arith.constant 1 : i32
          %add3A_360 = arith.addi %get3A_358, %add3A_359 : i32
          %swap3A_361 = arith.constant 0 : i32
          %swap3A_362 = arith.index_cast %swap3A_361 : i32 to index
          %swap3A_363 = memref.load %arg21[%swap3A_362] : memref<8xi32, #tpu.memory_space<smem>>
          memref.store %add3A_360, %arg21[%swap3A_362] : memref<8xi32, #tpu.memory_space<smem>>
          %and3A_364 = arith.constant 31 : i32
          %and3A_365 = arith.andi %get3A_358, %and3A_364 : i32
          %mul3A_366 = arith.constant 64 : i32
          %mul3A_367 = arith.muli %and3A_365, %mul3A_366 : i32
          %multiple_of3A = tpu.assume_multiple %mul3A_367, 64 : i32
          %ge3A = arith.constant 32 : i32
          %ge3A_368 = arith.cmpi sge, %get3A_358, %ge3A : i32
          %convert_element_type3A_369 = arith.extui %ge3A_368 : i1 to i32
          %cond3A_370 = arith.constant 0 : i32
          %cond3A_371 = arith.cmpi ne, %convert_element_type3A_369, %cond3A_370 : i32
          scf.if %cond3A_371 {
            %dma_wait3A_434 = arith.constant 0 : i32
            %dma_wait3A_435 = tpu.memref_slice %arg17[%dma_wait3A_434] : memref<2048xf32, #tpu.memory_space<vmem>> -> memref<64xf32, #tpu.memory_space<vmem>>
            %dma_wait3A_436 = arith.constant 0 : i32
            %dma_wait3A_437 = tpu.memref_slice %arg5[%dma_wait3A_436] : memref<1048576xf32, #tpu.memory_space<hbm>> -> memref<64xf32, #tpu.memory_space<hbm>>
            %dma_wait3A_438 = arith.constant 0 : i32
            %dma_wait3A_439 = tpu.memref_slice %arg17[%dma_wait3A_438] : memref<2048xf32, #tpu.memory_space<vmem>> -> memref<64xf32, #tpu.memory_space<vmem>>
            %dma_wait3A_440 = arith.constant 0 : i32
            %dma_wait3A_441 = tpu.memref_slice %arg5[%dma_wait3A_440] : memref<1048576xf32, #tpu.memory_space<hbm>> -> memref<64xf32, #tpu.memory_space<hbm>>
            tpu.wait_dma2 semaphore(%arg28 : memref<!tpu.dma_semaphore, #tpu.memory_space<semaphore_mem>>) src(%dma_wait3A_441 : memref<64xf32, #tpu.memory_space<hbm>>) dst(%dma_wait3A_439 : memref<64xf32, #tpu.memory_space<vmem>>)
          } else {
          }
          %sub3A = arith.subi %squeeze3A_351, %mul3A_325 : i32
          %min3A_372 = arith.constant 127 : i32
          %min3A_373 = arith.minsi %sub3A, %min3A_372 : i32
          %ge3A_374 = arith.constant 999936 : i32
          %ge3A_375 = arith.cmpi sge, %squeeze3A_351, %ge3A_374 : i32
          %convert_element_type3A_376 = arith.extui %ge3A_375 : i1 to i32
          %add3A_377 = vector.broadcast %convert_element_type3A_376 : i32 to vector<16xi32>
          %add3A_378 = arith.addi %broadcast_in_dim3A_8, %add3A_377 : vector<16xi32>
          %ne3A = arith.constant 0 : i32
          %ne3A_379 = vector.broadcast %ne3A : i32 to vector<16xi32>
          %ne3A_380 = arith.cmpi ne, %add3A_378, %ne3A_379 : vector<16xi32>
          %add3A_381 = vector.broadcast %min3A_373 : i32 to vector<16xi32>
          %add3A_382 = arith.addi %broadcast_in_dim3A_8, %add3A_381 : vector<16xi32>
          %sub3A_383 = arith.constant 999936 : i32
          %sub3A_384 = arith.subi %squeeze3A_351, %sub3A_383 : i32
          %max3A = arith.constant 0 : i32
          %max3A_385 = arith.maxsi %sub3A_384, %max3A : i32
          %min3A_386 = arith.constant 63 : i32
          %min3A_387 = arith.minsi %max3A_385, %min3A_386 : i32
          %add3A_388 = vector.broadcast %min3A_387 : i32 to vector<16xi32>
          %add3A_389 = arith.addi %broadcast_in_dim3A_8, %add3A_388 : vector<16xi32>
          %add3A_390 = arith.constant 0 : i32
          %add3A_391 = vector.broadcast %add3A_390 : i32 to vector<16xi32>
          %add3A_392 = arith.addi %iota3A, %add3A_391 : vector<16xi32>
          %gather3A = tpu.vector_load_idx %arg15[%add3A_392, %add3A_382] : memref<64x128xf32, #tpu.memory_space<vmem>>[vector<16xi32>, vector<16xi32>], vector<16xf32>,
          %gather3A_393 = tpu.vector_load_idx %arg16[%add3A_389, %add3A_392] : memref<64x64xf32, #tpu.memory_space<vmem>>[vector<16xi32>, vector<16xi32>], vector<16xf32>,
          %select_n3A = arith.select %ne3A_380, %gather3A_393, %gather3A : vector<16xi1>, vector<16xf32>
          %add3A_394 = arith.constant 0 : i32
          %add3A_395 = arith.addi %multiple_of3A, %add3A_394 : i32
          %swap3A_396 = arith.index_cast %add3A_395 : i32 to index
          %swap3A_397 = tpu.vector_load %arg17[%swap3A_396] {strides = array<i32>} : memref<2048xf32, #tpu.memory_space<vmem>>, vector<16xf32>,
          tpu.vector_store %arg17[%swap3A_396], %select_n3A {strides = array<i32>} : memref<2048xf32, #tpu.memory_space<vmem>>, vector<16xf32>,
          %add3A_398 = arith.constant 16 : i32
          %add3A_399 = vector.broadcast %add3A_398 : i32 to vector<16xi32>
          %add3A_400 = arith.addi %iota3A, %add3A_399 : vector<16xi32>
          %gather3A_401 = tpu.vector_load_idx %arg15[%add3A_400, %add3A_382] : memref<64x128xf32, #tpu.memory_space<vmem>>[vector<16xi32>, vector<16xi32>], vector<16xf32>,
          %gather3A_402 = tpu.vector_load_idx %arg16[%add3A_389, %add3A_400] : memref<64x64xf32, #tpu.memory_space<vmem>>[vector<16xi32>, vector<16xi32>], vector<16xf32>,
          %select_n3A_403 = arith.select %ne3A_380, %gather3A_402, %gather3A_401 : vector<16xi1>, vector<16xf32>
          %add3A_404 = arith.constant 16 : i32
          %add3A_405 = arith.addi %multiple_of3A, %add3A_404 : i32
          %swap3A_406 = arith.index_cast %add3A_405 : i32 to index
          %swap3A_407 = tpu.vector_load %arg17[%swap3A_406] {strides = array<i32>} : memref<2048xf32, #tpu.memory_space<vmem>>, vector<16xf32>,
          tpu.vector_store %arg17[%swap3A_406], %select_n3A_403 {strides = array<i32>} : memref<2048xf32, #tpu.memory_space<vmem>>, vector<16xf32>,
          %add3A_408 = arith.constant 32 : i32
          %add3A_409 = vector.broadcast %add3A_408 : i32 to vector<16xi32>
          %add3A_410 = arith.addi %iota3A, %add3A_409 : vector<16xi32>
          %gather3A_411 = tpu.vector_load_idx %arg15[%add3A_410, %add3A_382] : memref<64x128xf32, #tpu.memory_space<vmem>>[vector<16xi32>, vector<16xi32>], vector<16xf32>,
          %gather3A_412 = tpu.vector_load_idx %arg16[%add3A_389, %add3A_410] : memref<64x64xf32, #tpu.memory_space<vmem>>[vector<16xi32>, vector<16xi32>], vector<16xf32>,
          %select_n3A_413 = arith.select %ne3A_380, %gather3A_412, %gather3A_411 : vector<16xi1>, vector<16xf32>
          %add3A_414 = arith.constant 32 : i32
          %add3A_415 = arith.addi %multiple_of3A, %add3A_414 : i32
          %swap3A_416 = arith.index_cast %add3A_415 : i32 to index
          %swap3A_417 = tpu.vector_load %arg17[%swap3A_416] {strides = array<i32>} : memref<2048xf32, #tpu.memory_space<vmem>>, vector<16xf32>,
          tpu.vector_store %arg17[%swap3A_416], %select_n3A_413 {strides = array<i32>} : memref<2048xf32, #tpu.memory_space<vmem>>, vector<16xf32>,
          %add3A_418 = arith.constant 48 : i32
          %add3A_419 = vector.broadcast %add3A_418 : i32 to vector<16xi32>
          %add3A_420 = arith.addi %iota3A, %add3A_419 : vector<16xi32>
          %gather3A_421 = tpu.vector_load_idx %arg15[%add3A_420, %add3A_382] : memref<64x128xf32, #tpu.memory_space<vmem>>[vector<16xi32>, vector<16xi32>], vector<16xf32>,
          %gather3A_422 = tpu.vector_load_idx %arg16[%add3A_389, %add3A_420] : memref<64x64xf32, #tpu.memory_space<vmem>>[vector<16xi32>, vector<16xi32>], vector<16xf32>,
          %select_n3A_423 = arith.select %ne3A_380, %gather3A_422, %gather3A_421 : vector<16xi1>, vector<16xf32>
          %add3A_424 = arith.constant 48 : i32
          %add3A_425 = arith.addi %multiple_of3A, %add3A_424 : i32
          %swap3A_426 = arith.index_cast %add3A_425 : i32 to index
          %swap3A_427 = tpu.vector_load %arg17[%swap3A_426] {strides = array<i32>} : memref<2048xf32, #tpu.memory_space<vmem>>, vector<16xf32>,
          tpu.vector_store %arg17[%swap3A_426], %select_n3A_423 {strides = array<i32>} : memref<2048xf32, #tpu.memory_space<vmem>>, vector<16xf32>,
          %mul3A_428 = arith.constant 64 : i32
          %mul3A_429 = arith.muli %squeeze3A_355, %mul3A_428 : i32
          %dma_start3A = tpu.memref_slice %arg17[%multiple_of3A] : memref<2048xf32, #tpu.memory_space<vmem>> -> memref<64xf32, #tpu.memory_space<vmem>>
          %dma_start3A_430 = tpu.memref_slice %arg5[%mul3A_429] : memref<1048576xf32, #tpu.memory_space<hbm>> -> memref<64xf32, #tpu.memory_space<hbm>>
          %dma_start3A_431 = tpu.memref_slice %arg5[%mul3A_429] : memref<1048576xf32, #tpu.memory_space<hbm>> -> memref<64xf32, #tpu.memory_space<hbm>>
          %dma_start3A_432 = tpu.memref_slice %arg17[%multiple_of3A] : memref<2048xf32, #tpu.memory_space<vmem>> -> memref<64xf32, #tpu.memory_space<vmem>>
          tpu.enqueue_dma source(%dma_start3A_432 : memref<64xf32, #tpu.memory_space<vmem>>) target(%dma_start3A_431 : memref<64xf32, #tpu.memory_space<hbm>>) target_semaphore(%arg28 : memref<!tpu.dma_semaphore, #tpu.memory_space<semaphore_mem>>)
          %while3A_433 = arith.constant 0 : i32
          scf.yield %while3A_433 : i32
        }
        %while3A_344 = arith.constant 1 : i32
        %while3A_345 = scf.for %while3A_346 = %while3A_341 to %while3A_337 step %while3A_344 iter_args(%while3A_347 = %while3A_343) -> (i32)  : i32 {
          %get3A_348 = arith.index_cast %while3A_346 : i32 to index
          %get3A_349 = tpu.vector_load %arg6[%get3A_348] {strides = array<i32>} : memref<16400xi32, #tpu.memory_space<vmem>>, vector<16xi32>,
          %slice3A_350 = vector.extract_strided_slice %get3A_349 {offsets = [0], sizes = [1], strides = [1]} : vector<16xi32> to vector<1xi32>
          %squeeze3A_351 = vector.extract %slice3A_350[0] : i32 from vector<1xi32>
          %get3A_352 = arith.index_cast %while3A_346 : i32 to index
          %get3A_353 = tpu.vector_load %arg9[%get3A_352] {strides = array<i32>} : memref<16400xi32, #tpu.memory_space<vmem>>, vector<16xi32>,
          %slice3A_354 = vector.extract_strided_slice %get3A_353 {offsets = [0], sizes = [1], strides = [1]} : vector<16xi32> to vector<1xi32>
          %squeeze3A_355 = vector.extract %slice3A_354[0] : i32 from vector<1xi32>
          %get3A_356 = arith.constant 0 : i32
          %get3A_357 = arith.index_cast %get3A_356 : i32 to index
          %get3A_358 = memref.load %arg21[%get3A_357] : memref<8xi32, #tpu.memory_space<smem>>
          %add3A_359 = arith.constant 1 : i32
          %add3A_360 = arith.addi %get3A_358, %add3A_359 : i32
          %swap3A_361 = arith.constant 0 : i32
          %swap3A_362 = arith.index_cast %swap3A_361 : i32 to index
          %swap3A_363 = memref.load %arg21[%swap3A_362] : memref<8xi32, #tpu.memory_space<smem>>
          memref.store %add3A_360, %arg21[%swap3A_362] : memref<8xi32, #tpu.memory_space<smem>>
          %and3A_364 = arith.constant 31 : i32
          %and3A_365 = arith.andi %get3A_358, %and3A_364 : i32
          %mul3A_366 = arith.constant 64 : i32
          %mul3A_367 = arith.muli %and3A_365, %mul3A_366 : i32
          %multiple_of3A = tpu.assume_multiple %mul3A_367, 64 : i32
          %ge3A = arith.constant 32 : i32
          %ge3A_368 = arith.cmpi sge, %get3A_358, %ge3A : i32
          %convert_element_type3A_369 = arith.extui %ge3A_368 : i1 to i32
          %cond3A_370 = arith.constant 0 : i32
          %cond3A_371 = arith.cmpi ne, %convert_element_type3A_369, %cond3A_370 : i32
          scf.if %cond3A_371 {
            %dma_wait3A_434 = arith.constant 0 : i32
            %dma_wait3A_435 = tpu.memref_slice %arg17[%dma_wait3A_434] : memref<2048xf32, #tpu.memory_space<vmem>> -> memref<64xf32, #tpu.memory_space<vmem>>
            %dma_wait3A_436 = arith.constant 0 : i32
            %dma_wait3A_437 = tpu.memref_slice %arg5[%dma_wait3A_436] : memref<1048576xf32, #tpu.memory_space<hbm>> -> memref<64xf32, #tpu.memory_space<hbm>>
            %dma_wait3A_438 = arith.constant 0 : i32
            %dma_wait3A_439 = tpu.memref_slice %arg17[%dma_wait3A_438] : memref<2048xf32, #tpu.memory_space<vmem>> -> memref<64xf32, #tpu.memory_space<vmem>>
            %dma_wait3A_440 = arith.constant 0 : i32
            %dma_wait3A_441 = tpu.memref_slice %arg5[%dma_wait3A_440] : memref<1048576xf32, #tpu.memory_space<hbm>> -> memref<64xf32, #tpu.memory_space<hbm>>
            tpu.wait_dma2 semaphore(%arg28 : memref<!tpu.dma_semaphore, #tpu.memory_space<semaphore_mem>>) src(%dma_wait3A_441 : memref<64xf32, #tpu.memory_space<hbm>>) dst(%dma_wait3A_439 : memref<64xf32, #tpu.memory_space<vmem>>)
          } else {
          }
          %sub3A = arith.subi %squeeze3A_351, %mul3A_325 : i32
          %min3A_372 = arith.constant 127 : i32
          %min3A_373 = arith.minsi %sub3A, %min3A_372 : i32
          %ge3A_374 = arith.constant 999936 : i32
          %ge3A_375 = arith.cmpi sge, %squeeze3A_351, %ge3A_374 : i32
          %convert_element_type3A_376 = arith.extui %ge3A_375 : i1 to i32
          %add3A_377 = vector.broadcast %convert_element_type3A_376 : i32 to vector<16xi32>
          %add3A_378 = arith.addi %broadcast_in_dim3A_8, %add3A_377 : vector<16xi32>
          %ne3A = arith.constant 0 : i32
          %ne3A_379 = vector.broadcast %ne3A : i32 to vector<16xi32>
          %ne3A_380 = arith.cmpi ne, %add3A_378, %ne3A_379 : vector<16xi32>
          %add3A_381 = vector.broadcast %min3A_373 : i32 to vector<16xi32>
          %add3A_382 = arith.addi %broadcast_in_dim3A_8, %add3A_381 : vector<16xi32>
          %sub3A_383 = arith.constant 999936 : i32
          %sub3A_384 = arith.subi %squeeze3A_351, %sub3A_383 : i32
          %max3A = arith.constant 0 : i32
          %max3A_385 = arith.maxsi %sub3A_384, %max3A : i32
          %min3A_386 = arith.constant 63 : i32
          %min3A_387 = arith.minsi %max3A_385, %min3A_386 : i32
          %add3A_388 = vector.broadcast %min3A_387 : i32 to vector<16xi32>
          %add3A_389 = arith.addi %broadcast_in_dim3A_8, %add3A_388 : vector<16xi32>
          %add3A_390 = arith.constant 0 : i32
          %add3A_391 = vector.broadcast %add3A_390 : i32 to vector<16xi32>
          %add3A_392 = arith.addi %iota3A, %add3A_391 : vector<16xi32>
          %gather3A = tpu.vector_load_idx %arg15[%add3A_392, %add3A_382] : memref<64x128xf32, #tpu.memory_space<vmem>>[vector<16xi32>, vector<16xi32>], vector<16xf32>,
          %gather3A_393 = tpu.vector_load_idx %arg16[%add3A_389, %add3A_392] : memref<64x64xf32, #tpu.memory_space<vmem>>[vector<16xi32>, vector<16xi32>], vector<16xf32>,
          %select_n3A = arith.select %ne3A_380, %gather3A_393, %gather3A : vector<16xi1>, vector<16xf32>
          %add3A_394 = arith.constant 0 : i32
          %add3A_395 = arith.addi %multiple_of3A, %add3A_394 : i32
          %swap3A_396 = arith.index_cast %add3A_395 : i32 to index
          %swap3A_397 = tpu.vector_load %arg17[%swap3A_396] {strides = array<i32>} : memref<2048xf32, #tpu.memory_space<vmem>>, vector<16xf32>,
          tpu.vector_store %arg17[%swap3A_396], %select_n3A {strides = array<i32>} : memref<2048xf32, #tpu.memory_space<vmem>>, vector<16xf32>,
          %add3A_398 = arith.constant 16 : i32
          %add3A_399 = vector.broadcast %add3A_398 : i32 to vector<16xi32>
          %add3A_400 = arith.addi %iota3A, %add3A_399 : vector<16xi32>
          %gather3A_401 = tpu.vector_load_idx %arg15[%add3A_400, %add3A_382] : memref<64x128xf32, #tpu.memory_space<vmem>>[vector<16xi32>, vector<16xi32>], vector<16xf32>,
          %gather3A_402 = tpu.vector_load_idx %arg16[%add3A_389, %add3A_400] : memref<64x64xf32, #tpu.memory_space<vmem>>[vector<16xi32>, vector<16xi32>], vector<16xf32>,
          %select_n3A_403 = arith.select %ne3A_380, %gather3A_402, %gather3A_401 : vector<16xi1>, vector<16xf32>
          %add3A_404 = arith.constant 16 : i32
          %add3A_405 = arith.addi %multiple_of3A, %add3A_404 : i32
          %swap3A_406 = arith.index_cast %add3A_405 : i32 to index
          %swap3A_407 = tpu.vector_load %arg17[%swap3A_406] {strides = array<i32>} : memref<2048xf32, #tpu.memory_space<vmem>>, vector<16xf32>,
          tpu.vector_store %arg17[%swap3A_406], %select_n3A_403 {strides = array<i32>} : memref<2048xf32, #tpu.memory_space<vmem>>, vector<16xf32>,
          %add3A_408 = arith.constant 32 : i32
          %add3A_409 = vector.broadcast %add3A_408 : i32 to vector<16xi32>
          %add3A_410 = arith.addi %iota3A, %add3A_409 : vector<16xi32>
          %gather3A_411 = tpu.vector_load_idx %arg15[%add3A_410, %add3A_382] : memref<64x128xf32, #tpu.memory_space<vmem>>[vector<16xi32>, vector<16xi32>], vector<16xf32>,
          %gather3A_412 = tpu.vector_load_idx %arg16[%add3A_389, %add3A_410] : memref<64x64xf32, #tpu.memory_space<vmem>>[vector<16xi32>, vector<16xi32>], vector<16xf32>,
          %select_n3A_413 = arith.select %ne3A_380, %gather3A_412, %gather3A_411 : vector<16xi1>, vector<16xf32>
          %add3A_414 = arith.constant 32 : i32
          %add3A_415 = arith.addi %multiple_of3A, %add3A_414 : i32
          %swap3A_416 = arith.index_cast %add3A_415 : i32 to index
          %swap3A_417 = tpu.vector_load %arg17[%swap3A_416] {strides = array<i32>} : memref<2048xf32, #tpu.memory_space<vmem>>, vector<16xf32>,
          tpu.vector_store %arg17[%swap3A_416], %select_n3A_413 {strides = array<i32>} : memref<2048xf32, #tpu.memory_space<vmem>>, vector<16xf32>,
          %add3A_418 = arith.constant 48 : i32
          %add3A_419 = vector.broadcast %add3A_418 : i32 to vector<16xi32>
          %add3A_420 = arith.addi %iota3A, %add3A_419 : vector<16xi32>
          %gather3A_421 = tpu.vector_load_idx %arg15[%add3A_420, %add3A_382] : memref<64x128xf32, #tpu.memory_space<vmem>>[vector<16xi32>, vector<16xi32>], vector<16xf32>,
          %gather3A_422 = tpu.vector_load_idx %arg16[%add3A_389, %add3A_420] : memref<64x64xf32, #tpu.memory_space<vmem>>[vector<16xi32>, vector<16xi32>], vector<16xf32>,
          %select_n3A_423 = arith.select %ne3A_380, %gather3A_422, %gather3A_421 : vector<16xi1>, vector<16xf32>
          %add3A_424 = arith.constant 48 : i32
          %add3A_425 = arith.addi %multiple_of3A, %add3A_424 : i32
          %swap3A_426 = arith.index_cast %add3A_425 : i32 to index
          %swap3A_427 = tpu.vector_load %arg17[%swap3A_426] {strides = array<i32>} : memref<2048xf32, #tpu.memory_space<vmem>>, vector<16xf32>,
          tpu.vector_store %arg17[%swap3A_426], %select_n3A_423 {strides = array<i32>} : memref<2048xf32, #tpu.memory_space<vmem>>, vector<16xf32>,
          %mul3A_428 = arith.constant 64 : i32
          %mul3A_429 = arith.muli %squeeze3A_355, %mul3A_428 : i32
          %dma_start3A = tpu.memref_slice %arg17[%multiple_of3A] : memref<2048xf32, #tpu.memory_space<vmem>> -> memref<64xf32, #tpu.memory_space<vmem>>
          %dma_start3A_430 = tpu.memref_slice %arg5[%mul3A_429] : memref<1048576xf32, #tpu.memory_space<hbm>> -> memref<64xf32, #tpu.memory_space<hbm>>
          %dma_start3A_431 = tpu.memref_slice %arg5[%mul3A_429] : memref<1048576xf32, #tpu.memory_space<hbm>> -> memref<64xf32, #tpu.memory_space<hbm>>
          %dma_start3A_432 = tpu.memref_slice %arg17[%multiple_of3A] : memref<2048xf32, #tpu.memory_space<vmem>> -> memref<64xf32, #tpu.memory_space<vmem>>
          tpu.enqueue_dma source(%dma_start3A_432 : memref<64xf32, #tpu.memory_space<vmem>>) target(%dma_start3A_431 : memref<64xf32, #tpu.memory_space<hbm>>) target_semaphore(%arg28 : memref<!tpu.dma_semaphore, #tpu.memory_space<semaphore_mem>>)
          %while3A_433 = arith.constant 0 : i32
          scf.yield %while3A_433 : i32
        }
      } else {
      }
      %add3A_304 = arith.constant 6 : i32
      %add3A_305 = arith.addi %add3A_292, %add3A_304 : i32
      %lt3A_306 = arith.cmpi slt, %add3A_305, %add3A_7 : i32
      %get3A_307 = arith.index_cast %add3A_305 : i32 to index
      %get3A_308 = tpu.vector_load %arg18[%get3A_307] {strides = array<i32>} : memref<272xi32, #tpu.memory_space<vmem>>, vector<16xi32>,
      %slice3A_309 = vector.extract_strided_slice %get3A_308 {offsets = [0], sizes = [1], strides = [1]} : vector<16xi32> to vector<1xi32>
      %squeeze3A_310 = vector.extract %slice3A_309[0] : i32 from vector<1xi32>
      %gt3A_311 = arith.constant 0 : i32
      %gt3A_312 = arith.cmpi sgt, %squeeze3A_310, %gt3A_311 : i32
      %and3A_313 = arith.andi %lt3A_306, %gt3A_312 : i1
      %convert_element_type3A_314 = arith.extui %and3A_313 : i1 to i32
      %cond3A_315 = arith.constant 0 : i32
      %cond3A_316 = arith.cmpi ne, %convert_element_type3A_314, %cond3A_315 : i32
      scf.if %cond3A_316 {
        %add3A_318 = arith.constant 6 : i32
        %add3A_319 = arith.addi %add3A_292, %add3A_318 : i32
        %add3A_320 = arith.addi %add3A_4, %add3A_319 : i32
        %mul3A_321 = arith.constant 128 : i32
        %mul3A_322 = arith.muli %add3A_320, %mul3A_321 : i32
        %multiple_of3A = tpu.assume_multiple %mul3A_322, 128 : i32
        %dma_start3A = arith.constant 0 : i32
        %dma_start3A_323 = tpu.memref_slice %arg3[%dma_start3A, %multiple_of3A] : memref<64x1000000xf32, #tpu.memory_space<hbm>> -> memref<64x128xf32, #tpu.memory_space<hbm>>
        %dma_start3A_324 = arith.constant 0 : i32
        %dma_start3A_325 = tpu.memref_slice %arg3[%dma_start3A_324, %multiple_of3A] : memref<64x1000000xf32, #tpu.memory_space<hbm>> -> memref<64x128xf32, #tpu.memory_space<hbm>>
        tpu.enqueue_dma source(%dma_start3A_325 : memref<64x128xf32, #tpu.memory_space<hbm>>) target(%arg15 : memref<64x128xf32, #tpu.memory_space<vmem>>) target_semaphore(%arg27 : memref<!tpu.dma_semaphore, #tpu.memory_space<semaphore_mem>>)
      } else {
      }
      %scan3A_317 = arith.constant 0 : i32
      scf.yield %scan3A_317 : i32
    }
    %scan3A_132 = arith.constant 42 : i32
    %min3A_133 = arith.constant 32 : i32
    %min3A_134 = arith.minsi %scan3A_15, %min3A_133 : i32
    %while3A_135 = arith.constant 0 : i32
    %while3A_136 = arith.constant 0 : i32
    %while3A_137 = arith.subi %min3A_134, %while3A_135 : i32
    %while3A_138 = arith.addi %while3A_135, %while3A_137 : i32
    %while3A_139 = arith.constant 1 : i32
    %while3A_140 = arith.divsi %while3A_137, %while3A_139 : i32
    %while3A_141 = arith.muli %while3A_140, %while3A_139 : i32
    %while3A_142 = arith.addi %while3A_135, %while3A_141 : i32
    %while3A_143 = arith.constant 1 : i32
    %while3A_144 = scf.for %while3A_147 = %while3A_135 to %while3A_142 step %while3A_143 iter_args(%while3A_148 = %while3A_136) -> (i32)  : i32 {
      %dma_wait3A = arith.constant 0 : i32
      %dma_wait3A_149 = tpu.memref_slice %arg17[%dma_wait3A] : memref<2048xf32, #tpu.memory_space<vmem>> -> memref<64xf32, #tpu.memory_space<vmem>>
      %dma_wait3A_150 = arith.constant 0 : i32
      %dma_wait3A_151 = tpu.memref_slice %arg5[%dma_wait3A_150] : memref<1048576xf32, #tpu.memory_space<hbm>> -> memref<64xf32, #tpu.memory_space<hbm>>
      %dma_wait3A_152 = arith.constant 0 : i32
      %dma_wait3A_153 = tpu.memref_slice %arg17[%dma_wait3A_152] : memref<2048xf32, #tpu.memory_space<vmem>> -> memref<64xf32, #tpu.memory_space<vmem>>
      %dma_wait3A_154 = arith.constant 0 : i32
      %dma_wait3A_155 = tpu.memref_slice %arg5[%dma_wait3A_154] : memref<1048576xf32, #tpu.memory_space<hbm>> -> memref<64xf32, #tpu.memory_space<hbm>>
      tpu.wait_dma2 semaphore(%arg28 : memref<!tpu.dma_semaphore, #tpu.memory_space<semaphore_mem>>) src(%dma_wait3A_155 : memref<64xf32, #tpu.memory_space<hbm>>) dst(%dma_wait3A_153 : memref<64xf32, #tpu.memory_space<vmem>>)
      %while3A_156 = arith.constant 0 : i32
      scf.yield %while3A_156 : i32
    }
    %while3A_145 = arith.constant 1 : i32
    %while3A_146 = scf.for %while3A_147 = %while3A_142 to %while3A_138 step %while3A_145 iter_args(%while3A_148 = %while3A_144) -> (i32)  : i32 {
      %dma_wait3A = arith.constant 0 : i32
      %dma_wait3A_149 = tpu.memref_slice %arg17[%dma_wait3A] : memref<2048xf32, #tpu.memory_space<vmem>> -> memref<64xf32, #tpu.memory_space<vmem>>
      %dma_wait3A_150 = arith.constant 0 : i32
      %dma_wait3A_151 = tpu.memref_slice %arg5[%dma_wait3A_150] : memref<1048576xf32, #tpu.memory_space<hbm>> -> memref<64xf32, #tpu.memory_space<hbm>>
      %dma_wait3A_152 = arith.constant 0 : i32
      %dma_wait3A_153 = tpu.memref_slice %arg17[%dma_wait3A_152] : memref<2048xf32, #tpu.memory_space<vmem>> -> memref<64xf32, #tpu.memory_space<vmem>>
      %dma_wait3A_154 = arith.constant 0 : i32
      %dma_wait3A_155 = tpu.memref_slice %arg5[%dma_wait3A_154] : memref<1048576xf32, #tpu.memory_space<hbm>> -> memref<64xf32, #tpu.memory_space<hbm>>
      tpu.wait_dma2 semaphore(%arg28 : memref<!tpu.dma_semaphore, #tpu.memory_space<semaphore_mem>>) src(%dma_wait3A_155 : memref<64xf32, #tpu.memory_space<hbm>>) dst(%dma_wait3A_153 : memref<64xf32, #tpu.memory_space<vmem>>)
      %while3A_156 = arith.constant 0 : i32
      scf.yield %while3A_156 : i32
    }
    return
  }
}

</mosaic_0001>

<sc_bundles>
// kernel: kernel.3.cloned.1.call-start
scs
__scs_entry_jumppad:
0x0: {  	(pc) =	sbr.rel $0x88, $3  }
0x1: {  	(tag) =	ssettag $0x0;
	lr =	simm.s32 $0x1  }
0x2: {  	[smem:$0x3F9F] =	sst lr;
	_ =	strace $0xD0000000  }
0x3: {  	_ = 	snop  }
0x4: {  	_ = 	snop  }
0x5: {  	_ = 	snop  }
0x6: {  	_ = 	snop  }
0x7: {  	_ = 	snop  }
__scs_overlays_trampoline_lowered:
0x8: {  	[smem:$0x3FAE] =	sst s0  }
0x9: {  	[smem:$0x3FAF] =	sst s1  }
0xa: {  	[smem:$0x3FB0] =	sst s2  }
0xb: {  	[smem:$0x3FB1] =	sst s3  }
0xc: {  	[smem:$0x3FB2] =	sst s4  }
0xd: {  	[smem:$0x3FB3] =	sst s5  }
0xe: {  	[smem:$0x3FB4] =	sst s6  }
0xf: {  	[smem:$0x3FB5] =	sst s7  }
0x10: {  	[smem:$0x3FB6] =	sst s8  }
0x11: {  	[smem:$0x3FB7] =	sst s9;
	s0 =	simm.s32 @!p0 $0x0  }
0x12: {  	s1 =	sld [smem:$0x3F9D];
	s0 =	simm.s32 @p0 $0x1  }
0x13: {  	[smem:$0x3FB8] =	sst s0;
	s0 =	simm.s32 @!p1 $0x0  }
0x14: {  	s2 =	sld [smem:$0x3F9C];
	s0 =	simm.s32 @p1 $0x1  }
0x15: {  	[smem:$0x3FB9] =	sst s0;
	s0 =	simm.s32 @!p2 $0x0  }
0x16: {  	s3 =	sld [smem:$0x3FDB];
	s0 =	simm.s32 @p2 $0x1  }
0x17: {  	s4 =	simm.s32 $0x1BF5;
	[smem:$0x3FBB] =	sst s0  }
0x18: {  	s0 =	sld [smem:$0x3F9E];
	_ =	swait.ge [sflag:s4], $0x0  }
0x19: {  	s7 =	sld [smem:$0x3F9F]  }
0x1a: {  	s8 =	sadd.s32 $0xFFFFE003, lr  }
0x1b: {  	s9 =	sadd.s32 $0xFFFFFEF7, lr;
	s5 =	simm.s32 $0xFFFFFFFF;
	p2 =	slt.u32 s8, $0xFFFFF086  }
0x1c: {  	p1 =	slt.u32 s9, $0xF7A;
	s5 =	simm.s32 @!p2 $0x0  }
0x1d: {  	s5 =	simm.s32 @p1 $0x1;
	p0 =	seq.s32 s7, s2  }
0x1e: {  	s7 =	smul.u32 @!p0 $0xF7A, s2;
	p2 =	seq.s32 @!p0 s5, $0x0  }
0x1f: {  	s9 =	smul.u32 $0xF7A, s1;
	s8 =	simm.s32 @!p0 $0x1BF5;
	p2 =	por !p2, p0  }
0x20: {  	[sflag:s8] =	ssyncset.s32 @!p0 $0xFFFFF086;
	s6 =	sadd.s32 @!p0 s3, s7;
	s7 =	simm.s32 @!p0 $0x108  }
0x21: {  	s3 =	sadd.s32 s3, s9;
	s6 =	sadd.s32 @!p0 $0x88, s6;
	s7 =	simm.s32 @p2 $0x1082  }
0x22: {  	[simem:s7], [sflag:s8] =	dma.local @!p0 [hbm:s6], $0xF7A  }
0x23: {  	s9 =	sor.u32 $0xD0000000, s2;
	s6 =	simm.s32 $0x108;
	_ =	swait.ge @!p0 [sflag:s8], $0x0  }
0x24: {  	s3 =	sadd.s32 $0x88, s3;
	s6 =	simm.s32 @!p1 $0x1082;
	[sflag:s4] =	ssyncset.s32 $0xFFFFF086  }
0x25: {  	[simem:s6], [sflag:s4] =	dma.local [hbm:s3], $0xF7A  }
0x26: {  	[smem:$0x3F9F] =	sst s1;
	(tag) =	ssettag s2;
	_ =	strace s9  }
0x27: {  	s1 =	sld [smem:$0x3FAF]  }
0x28: {  	s2 =	sld [smem:$0x3FB0]  }
0x29: {  	s4 =	sld [smem:$0x3FB2]  }
0x2a: {  	p0 =	seq.s32 s5, $0x0;
	s5 =	sld [smem:$0x3FB3]  }
0x2b: {  	s6 =	sld [smem:$0x3FB4]  }
0x2c: {  	s7 =	sld [smem:$0x3FB5]  }
0x2d: {  	s3 =	simm.s32 $0x108;
	s8 =	sld [smem:$0x3FB6]  }
0x2e: {  	s3 =	simm.s32 @!p0 $0x1082;
	s9 =	sld [smem:$0x3FB7]  }
0x2f: {  	lr =	sadd.s32 s0, s3;
	s0 =	sld [smem:$0x3FAE]  }
0x30: {  	s3 =	sld [smem:$0x3FB1]  }
0x31: {  	[smem:$0x3FBA] =	sst s10  }
0x32: {  	s10 =	sld [smem:$0x3FB8];
	_ =	sdelay $0x3  }
0x33: {  	p0 =	seq.s32 s10, $0x1;
	s10 =	sld [smem:$0x3FBA];
	_ =	sdelay $0x3  }
0x34: {  	[smem:$0x3FBA] =	sst s10  }
0x35: {  	s10 =	sld [smem:$0x3FB9];
	_ =	sdelay $0x3  }
0x36: {  	p1 =	seq.s32 s10, $0x1;
	s10 =	sld [smem:$0x3FBA];
	_ =	sdelay $0x3  }
0x37: {  	[smem:$0x3FBA] =	sst s10  }
0x38: {  	s10 =	sld [smem:$0x3FBB]  }
0x39: {  	_ = 	snop;
	(pc) =	sbr.ind lr, $3  }
0x3a: {  	_ = 	snop  }
0x3b: {  	_ = 	snop  }
0x3c: {  	p2 =	seq.s32 s10, $0x1;
	s10 =	sld [smem:$0x3FBA]  }
0x3d: {  	_ =	shalt  }
0x3e: {  	_ =	shalt  }
0x3f: {  	_ =	shalt  }
0x40: {  	_ =	shalt  }
0x41: {  	_ =	shalt  }
0x42: {  	_ =	shalt  }
0x43: {  	_ =	shalt  }
0x44: {  	_ =	shalt  }
0x45: {  	_ =	shalt  }
0x46: {  	_ =	shalt  }
0x47: {  	_ =	shalt  }
0x48: {  	_ =	shalt  }
0x49: {  	_ =	shalt  }
0x4a: {  	_ =	shalt  }
0x4b: {  	_ =	shalt  }
0x4c: {  	_ =	shalt  }
0x4d: {  	_ =	shalt  }
0x4e: {  	_ =	shalt  }
0x4f: {  	_ =	shalt  }
0x50: {  	_ =	shalt  }
0x51: {  	_ =	shalt  }
0x52: {  	_ =	shalt  }
0x53: {  	_ =	shalt  }
0x54: {  	_ =	shalt  }
0x55: {  	_ =	shalt  }
0x56: {  	_ =	shalt  }
0x57: {  	_ =	shalt  }
0x58: {  	_ =	shalt  }
0x59: {  	_ =	shalt  }
0x5a: {  	_ =	shalt  }
0x5b: {  	_ =	shalt  }
0x5c: {  	_ =	shalt  }
0x5d: {  	_ =	shalt  }
0x5e: {  	_ =	shalt  }
0x5f: {  	_ =	shalt  }
0x60: {  	_ =	shalt  }
0x61: {  	_ =	shalt  }
0x62: {  	_ =	shalt  }
0x63: {  	_ =	shalt  }
0x64: {  	_ =	shalt  }
0x65: {  	_ =	shalt  }
0x66: {  	_ =	shalt  }
0x67: {  	_ =	shalt  }
0x68: {  	_ =	shalt  }
0x69: {  	_ =	shalt  }
0x6a: {  	_ =	shalt  }
0x6b: {  	_ =	shalt  }
0x6c: {  	_ =	shalt  }
0x6d: {  	_ =	shalt  }
0x6e: {  	_ =	shalt  }
0x6f: {  	_ =	shalt  }
0x70: {  	_ =	shalt  }
0x71: {  	_ =	shalt  }
0x72: {  	_ =	shalt  }
0x73: {  	_ =	shalt  }
0x74: {  	_ =	shalt  }
0x75: {  	_ =	shalt  }
0x76: {  	_ =	shalt  }
0x77: {  	_ =	shalt  }
0x78: {  	_ =	shalt  }
0x79: {  	_ =	shalt  }
0x7a: {  	_ =	shalt  }
0x7b: {  	_ =	shalt  }
0x7c: {  	_ =	shalt  }
0x7d: {  	_ =	shalt  }
0x7e: {  	_ =	shalt  }
0x7f: {  	_ =	shalt  }
0x80: {  	_ =	shalt  }
0x81: {  	_ =	shalt  }
0x82: {  	_ =	shalt  }
0x83: {  	_ =	shalt  }
0x84: {  	_ =	shalt  }
0x85: {  	_ =	shalt  }
0x86: {  	_ =	shalt  }
0x87: {  	_ =	shalt  }
.Lfunc_end0:
.L_simem_size_0:
called_computation_lowered:
.L_overlay_start_0:
0x88: {  	s2 =	sld [smem:$0x3FD9]  }
0x89: {  	s3 =	sld [smem:$0x3FFE];
	_ =	sdelay $0x1  }
0x8a: {  	s1 =	srdreg.scid  }
0x8b: {  	s0 =	sand.u32 $0x1, s1  }
0x8c: {  	s17 =	sshll.u32 s0, $0xA;
	s2 =	sadd.s32 s3, s2  }
0x8d: {  	s2 =	sadd.s32 s2, s17  }
0x8e: {  	[smem:$0x3FC6] =	sst s2  }
0x8f: {  	_ = 	snop  }
0x90: {  	s2 =	sld [smem:$0x3FC9]  }
0x91: {  	s18 =	sld [smem:$0x3FC8]  }
0x92: {  	s4 =	sld [smem:$0x3FD0];
	(tm) =	ssettm $0x1  }
0x93: {  	s5 =	sld [smem:$0x3FFB];
	_ =	sdelay $0x3  }
0x94: {  	_ =	strace s5  }
0x95: {  	s5 =	sld [smem:$0x3FFC];
	_ =	sdelay $0x3  }
0x96: {  	_ =	strace s5  }
0x97: {  	s5 =	sld [smem:$0x3FFD];
	_ =	sdelay $0x3  }
0x98: {  	_ =	strace s5  }
0x99: {  	_ =	strace $0x8FFFFFFF  }
0x9a: {  	s19 =	sld [smem:$0x3FDB];
	_ =	sdelay $0x1  }
0x9b: {  	s6 =	simm.s32 $_scs_section_size  }
0x9c: {  	s7 =	simm.s32 $_size__tile_overlayer_lowered;
	s8 =	simm.s32 $_tile_overlayer_lowered  }
0x9d: {  	s22 =	simm.s32 $0x1BFF;
	s21 =	sshll.u32 s8, $0x1;
	s5 =	sadd.s32 s6, s19  }
0x9e: {  	s9 =	simm.s32 $0x0;
	s20 =	sshll.u32 s7, $0x1;
	s7 =	sadd.s32 s21, s5  }
0x9f: {  	[timem:s9], [sflag:s22] =	dma.local [hbm:s7], s20  }
0xa0: {  	_ =	swait.ge [sflag:s22], s20  }
0xa1: {  	s6 =	ssub.s32 $0x0, s20;
	[sflag:s22] =	ssyncset.done $0x0  }
0xa2: {  	[sflag:s22] =	ssyncadd.s32 s6;
	_ =	sdelay $0x1  }
0xa3: {  	s23 =	simm.s32 $0x1B8B  }
0xa4: {  	_ =	swait.ge [sflag:s23], $0x1  }
0xa5: {  	[sflag:s23] =	ssyncset.done $0x0  }
0xa6: {  	s25 =	simm.s32 $0x1B8E;
	s24 =	sld [smem:$0x3FFE];
	[sflag:s23] =	ssyncadd.s32 $0xFFFFFFFF  }
0xa7: {  	s26 =	simm.s32 $execute0_lowered;
	[smem:$0x3FD2] =	sst s25  }
0xa8: {  	s7 =	sshll.u32 s26, $0x1;
	_ =	strace $0x80000046;
	[dreg:$0x1] =	wrdreg $0xFFFFFFFF  }
0xa9: {  	s28 =	simm.s32 $_size_execute0_lowered;
	s5 =	sadd.s32 s5, s7;
	[dreg:$0x0] =	wrdreg $0x0  }
0xaa: {  	s7 =	sshll.u32 s28, $0x1;
	[dreg:$0x2] =	wrdreg s5  }
0xab: {  	[dreg:$0x3] =	wrdreg s7  }
0xac: {  	[dreg:$0x4] =	wrdreg $0xC0  }
0xad: {  	_ =	task [dreg:s9], $0x5FFFF  }
0xae: {  	[dreg:$0x1] =	wrdreg $0xFFFFFFFF  }
0xaf: {  	[dreg:$0x0] =	wrdreg $0x60  }
0xb0: {  	[dreg:$0x2] =	wrdreg s2  }
0xb1: {  	[dreg:$0x3] =	wrdreg s18  }
0xb2: {  	[dreg:$0x4] =	wrdreg s24  }
0xb3: {  	[dreg:$0x5] =	wrdreg s4  }
0xb4: {  	[dreg:$0x6] =	wrdreg $0x9  }
0xb5: {  	_ =	task.clear_ibuf [dreg:s9], $0x7FFFF;
	_ =	strace $0x90000046  }
0xb6: {  	s29 =	simm.s32 $0x9;
	_ =	strace $0x80000048  }
0xb7: {  	_ =	swait.ge [sflag:s29], $0x1  }
0xb8: {  	[sflag:s29] =	ssyncadd.s32 $0xFFFFFFFF  }
0xb9: {  	_ =	strace $0x90000048  }
0xba: {  	_ =	sfence  }
0xbb: {  	s30 =	sld [smem:$0x0];
	_ =	sdelay $0x2  }
0xbc: {  	s31 =	sshll.u32 s1, $0xD;
	s1 =	sshrl.u32 s1, $0x2  }
0xbd: {  	s3 =	sand.u32 $0x4000, s31;
	s1 =	sadd.s32 s1, s30  }
0xbe: {  	s0 =	sor.u32 s3, s0;
	s1 =	sshll.u32 s1, $0x11  }
0xbf: {  	s0 =	sor.u32 s1, s0  }
0xc0: {  	s0 =	sadd.s32 $0x8F2B, s0  }
0xc1: {  	[sflag:s0] =	ssyncadd.remote.s32 $0x1  }
0xc2: {  	_ =	sfence.sel $0xFFFF  }
0xc3: {  	[dreg:$0x0] =	wrdreg $0xFFFFFFFF;
	(pc) =	sbr.abs _section_cstart, $3  }
0xc4: {  	[dreg:$0x1] =	wrdreg $0xFFFFFFFF  }
0xc5: {  	_ =	task.clear_ibuf [dreg:s9], $0x2FFFF;
	_ =	strace $0x9FFFFFFF  }
0xc6: {  	(tm) =	ssettm $0x7FFFFFFF  }
0xc7: {  	_ =	shalt  }
tec
execute0_lowered:
.L_overlay_start_1:
0x0: {  	(tag) =	ssettag $0x1  }
0x1: {  	s2 =	rddreg [dreg:$0x1]  }
0x2: {  	s0 =	rddreg [dreg:$0x2];
	s1 =	srdreg.scid  }
0x3: {  	s8 =	stileid.u32;
	s4 =	rddreg [dreg:$0x3];
	s5 =	simm.s32 $0x0  }
0x4: {  	s17 =	simm.s32 $0x1C200;
	s18 =	simm.s32 $0x1EA00;
	s28 =	simm.s32 $0x7  }
0x5: {  	s29 =	simm.s32 $0x0;
	s1 =	sand.u32 $0x1, s1;
	s3 =	sshll.u32 s8, $0x1  }
0x6: {  	[smem:$0x7FF] =	sst s5;
	s0 =	sadd.s32 $0x400, s0;
	s3 =	sor.u32 s1, s3  }
0x7: {  	p0 =	slt.u32 s8, $0x2;
	s19 =	ssub.s32 $0x2, s1;
	s6 =	smul.u32 $0xF4, s3  }
0x8: {  	_ =	strace $0x80000047;
	s3 =	smin.u32 s3, $0x4;
	s21 =	sshrl.u32 s19, $0x1  }
0x9: {  	[dreg:$0x5] =	wrdreg s0;
	s0 =	ssub.s32 s19, s21;
	s7 =	sadd.s32 s3, s6  }
0xa: {  	s8 =	simm.s32 $0xF5;
	s0 =	smax.u32 s0, $0x1;
	s20 =	sshll.u32 s7, $0x7  }
0xb: {  	s8 =	simm.s32 @!p0 $0xF4;
	[dreg:$0xc] =	wrdreg s0;
	s22 =	sadd.s32 s2, s20  }
0xc: {  	s19 =	simm.s32 $0x1ED00;
	s24 =	sadd.s32 $0x80, s22;
	[dreg:$0x6] =	wrdreg s22  }
0xd: {  	s21 =	simm.s32 $0x10200;
	s25 =	sadd.s32 $0x100, s22;
	[dreg:$0x7] =	wrdreg s24  }
.Ltmp0:
0xe: {  	v0 =	vlaneseq.u32;
	s26 =	sadd.s32 $0x180, s22;
	[dreg:$0x8] =	wrdreg s25;
	(pc) =	sbr.rel .LBB2_1-.Ltmp0, $4  }
0xf: {  	v1 =	vmul.u32 $0x80, v0;
	s23 =	sadd.s32 s8, s7;
	s30 =	sadd.s32 $0x200, s22;
	[dreg:$0x9] =	wrdreg s26  }
0x10: {  	v4 =	vimm.s32 $0x0;
	v6 =	vor.u32 $0x10, v0;
	v8 =	vor.u32 $0x20, v0;
	s20 =	simm.s32 $0xC180;
	s31 =	sadd.s32 $0x280, s22;
	[dreg:$0xa] =	wrdreg s30  }
0x11: {  	v10 =	vor.u32 $0x30, v0;
	v5 =	vor.u32 $0x800, v1;
	v3 =	vmov s23;
	s23 =	simm.s32 $0x14200;
	s22 =	simm.s32 $0x12200;
	[dreg:$0xb] =	wrdreg s31  }
0x12: {  	v7 =	vor.u32 $0x1000, v1;
	v9 =	vor.u32 $0x1800, v1;
	v2 =	vmov s7;
	s24 =	simm.s32 $0x16200;
	s25 =	simm.s32 $0x18200;
	s26 =	simm.s32 $0x1A200  }
.LBB2_54:
0x13: {  	[sflag:s28] =	ssyncadd.s32 $0xFFFFFFC0  }
.LBB2_55:
0x14: {  	s29 =	sadd.s32 $0x1, s29;
	s0 =	rddreg [dreg:$0xc]  }
0x15: {  	p0 =	sne.s32 s29, s0  }
.Ltmp1:
0x16: {  	_ = 	snop;
	(pc) =	sbr.rel @!p0 .LBB2_56-.Ltmp1, $1  }
0x17: {  	_ =	sdelay $0x3  }
.LBB2_1:
0x18: {  	s0 =	rddreg [dreg:$0x0];
	s1 =	simm.s32 $0x8  }
0x19: {  	[tilespmem:s5], [sflag:$0x8] =	stream.linear.gather [hbm4b:s0+s5], $0x4000, $0x38;
	[tilespmem:$0x1EE80] =	vst v63  }
0x1a: {  	_ =	swait.ge [sflag:s1], $0x4000  }
0x1b: {  	[sflag:s1] =	ssyncset.done $0x0  }
0x1c: {  	s31 =	rddreg [dreg:$0x5];
	[sflag:s1] =	ssyncadd.s32 $0xFFFFC000  }
0x1d: {  	[tilespmem:s17], [sflag:$0x8] =	stream.linear.gather [hbm4b:s31+s5], $0x2000, $0x38;
	[tilespmem:$0x1EE80] =	vst v63  }
0x1e: {  	_ =	swait.ge [sflag:s1], $0x2000  }
0x1f: {  	s30 =	simm.s32 $0x0;
	[sflag:s1] =	ssyncset.done $0x0  }
0x20: {  	s0 =	simm.s32 $0x10;
	[sflag:s1] =	ssyncadd.s32 $0xFFFFE000;
	s1 =	simm.s32 $0x0  }
.LBB2_2:
0x21: {  	v11 =	vld [tilespmem:s0+$0xFFFFFFF0];
	_ =	sdelay $0x4  }
0x22: {  	vm0 =	vlt.s32 v11, $0xF41FF  }
0x23: {  	v12 =	vnsel vm0, $0xF41FF, v11  }
0x24: {  	v12 =	vshra.s32 v12, $0x7  }
0x25: {  	vm12 =	vge.s32 v12, v2;
	vm1 =	vlt.s32 v12, v3  }
0x26: {  	vm0 =	vmand vm12, vm1  }
0x27: {  	v61 =	vmpcnt.ones.xlane vm0;
	_ =	sdelay $0x1  }
0x28: {  	(v2sf) =	vpush v61, $0x0;
	_ =	sdelay $0xe  }
0x29: {  	s3 =	spop (v2sf)  }
0x2a: {  	p0 =	slt.s32 s3, $0x1  }
0x2b: {  	v12 =	vimm.s32 @!p0 $0x0  }
0x2c: {  	v12 =	vsel @!p0 vm0, $0x1, v12  }
0x2d: {  	(xrf0) =	vadd.scan.msk.s32 @!p0 $0xffff, v12;
	_ =	sdelay $0x2  }
0x2e: {  	v12 =	vmov @!p0 s30  }
0x2f: {  	v12 =	vadd.s32 @!p0 $0xFFFFFFFF, v12  }
0x30: {  	v12 =	vbroadcast @!p0 v12, $0x0  }
0x31: {  	v13, _, _ =	vpop @!p0 (xrf0)  }
0x32: {  	v12 =	vadd.s32 @!p0 v13, v12  }
0x33: {  	vm1 =	vlt.s32 @!p0 v12, $0x3FFF  }
0x34: {  	v12 =	vnsel @!p0 vm1, $0x3FFF, v12;
	_ =	sdelay $0x3  }
0x35: {  	s6 =	simm.s32 @!p0 $0x4080;
	v13 =	vlaneseq.u32 @!p0  }
0x36: {  	[tilespmem:v12+s6+$0x0] =	vst.idx.msk @!p0 vm0, v11;
	v11 =	vor.u32 @!p0 s1, v13;
	s6 =	simm.s32 @!p0 $0x8100  }
0x37: {  	[tilespmem:v12+s6+$0x0] =	vst.idx.msk @!p0 vm0, v11  }
0x38: {  	v11 =	vld [tilespmem:s0+$0x0];
	_ =	sdelay $0x4  }
0x39: {  	vm13 =	vlt.s32 v11, $0xF41FF  }
0x3a: {  	v62 =	vnsel vm13, $0xF41FF, v11  }
0x3b: {  	v12 =	vshra.s32 v62, $0x7  }
0x3c: {  	vm14 =	vge.s32 v12, v2;
	vm15 =	vlt.s32 v12, v3  }
0x3d: {  	vm0 =	vmand vm14, vm15  }
0x3e: {  	v63 =	vmpcnt.ones.xlane vm0;
	_ =	sdelay $0x1  }
0x3f: {  	(v2sf) =	vpush v63, $0x0;
	_ =	sdelay $0xe  }
0x40: {  	s31 =	spop (v2sf)  }
0x41: {  	p0 =	slt.s32 s31, $0x1  }
0x42: {  	v12 =	vimm.s32 @!p0 $0x0  }
0x43: {  	v12 =	vsel @!p0 vm0, $0x1, v12  }
0x44: {  	(xrf0) =	vadd.scan.msk.s32 @!p0 $0xffff, v12;
	_ =	sdelay $0x1  }
0x45: {  	s3 =	sadd.s32 s30, s3  }
0x46: {  	v12 =	vmov @!p0 s3  }
0x47: {  	v12 =	vadd.s32 @!p0 $0xFFFFFFFF, v12  }
0x48: {  	v12 =	vbroadcast @!p0 v12, $0x0  }
0x49: {  	v13, _, _ =	vpop @!p0 (xrf0)  }
0x4a: {  	v12 =	vadd.s32 @!p0 v13, v12  }
0x4b: {  	vm1 =	vlt.s32 @!p0 v12, $0x3FFF  }
0x4c: {  	s10 =	sadd.s32 $0x10, s1;
	s1 =	sadd.s32 $0x20, s1;
	v12 =	vnsel @!p0 vm1, $0x3FFF, v12  }
0x4d: {  	p1 =	seq.s32 s1, $0x4000  }
.Ltmp2:
0x4e: {  	_ = 	snop;
	(pc) =	sbr.rel @!p1 .LBB2_2-.Ltmp2, $4  }
0x4f: {  	_ = 	snop  }
0x50: {  	s11 =	simm.s32 @!p0 $0x4080;
	v13 =	vlaneseq.u32 @!p0  }
0x51: {  	[tilespmem:v12+s11+$0x0] =	vst.idx.msk @!p0 vm0, v11;
	v11 =	vor.u32 @!p0 s10, v13;
	s10 =	simm.s32 @!p0 $0x8100  }
0x52: {  	s0 =	sadd.s32 $0x20, s0;
	s30 =	sadd.s32 s3, s31;
	[tilespmem:v12+s10+$0x0] =	vst.idx.msk @!p0 vm0, v11  }
0x53: {  	[tilespmem:$0x1EA00] =	vst v4  }
0x54: {  	[tilespmem:$0x1EA10] =	vst v4  }
0x55: {  	[tilespmem:$0x1EA20] =	vst v4  }
0x56: {  	[tilespmem:$0x1EA30] =	vst v4  }
0x57: {  	[tilespmem:$0x1EA40] =	vst v4  }
0x58: {  	[tilespmem:$0x1EA50] =	vst v4  }
0x59: {  	[tilespmem:$0x1EA60] =	vst v4  }
0x5a: {  	[tilespmem:$0x1EA70] =	vst v4  }
0x5b: {  	[tilespmem:$0x1EA80] =	vst v4  }
0x5c: {  	[tilespmem:$0x1EA90] =	vst v4;
	s0 =	sadd.s32 $0xF, s30  }
0x5d: {  	[tilespmem:$0x1EAA0] =	vst v4;
	s0 =	sshra.s32 s0, $0x4  }
0x5e: {  	[tilespmem:$0x1EAB0] =	vst v4;
	p0 =	sgt.s32 s0, $0x0  }
.Ltmp3:
0x5f: {  	[tilespmem:$0x1EAC0] =	vst v4;
	(pc) =	sbr.rel @!p0 .LBB2_4-.Ltmp3, $4  }
0x60: {  	[tilespmem:$0x1EAD0] =	vst v4  }
0x61: {  	[tilespmem:$0x1EAE0] =	vst v4  }
0x62: {  	[tilespmem:$0x1EAF0] =	vst v4  }
0x63: {  	[tilespmem:$0x1EB00] =	vst v4;
	v11 =	vmov s30  }
0x64: {  	p1 =	seq.s32 s0, $0x1  }
.Ltmp4:
0x65: {  	_ = 	snop;
	(pc) =	sbr.rel @p1 .LBB2_10-.Ltmp4, $3  }
0x66: {  	_ =	sdelay $0x1  }
0x67: {  	s3 =	simm.s32 $0x4080  }
0x68: {  	s1 =	simm.s32 $0x0;
	p0 =	por $0x0, $0x0;
	v12 =	vld [tilespmem:s3+$0x0];
	s3 =	sadd.s32 $0xFFFFFFFF, s0  }
0x69: {  	_ =	sdelay $0x3  }
0x6a: {  	vm0 =	vlt.s32 v12, $0xF41FF  }
0x6b: {  	v12 =	vnsel vm0, $0xF41FF, v12  }
0x6c: {  	v12 =	vshra.s32 v12, $0x7  }
0x6d: {  	v12 =	vsub.s32 v12, v2  }
0x6e: {  	vm14 =	vgt.s32 v12, $0x0  }
0x6f: {  	v13 =	vor.u32 s1, v0;
	v12 =	vnsel vm14, $0x0, v12  }
0x70: {  	vm15 =	vlt.s32 v13, v11;
	v12 =	vmin.u32 v12, $0xFF  }
0x71: {  	(xrf1) =	vunique.msk.u32 vm15, v12;
	_ =	sdelay $0xd  }
0x72: {  	_, v13, vm1 =	vpop (xrf1)  }
0x73: {  	v14 =	vld.idx.msk [tilespmem:v12+s18+$0x0], $0xffff;
	vm0 =	vmand vm15, vm1;
	_ =	sdelay $0x1  }
0x74: {  	p1 =	seq.s32 s3, $0x1  }
.Ltmp5:
0x75: {  	_ = 	snop;
	(pc) =	sbr.rel @p1 .LBB2_12-.Ltmp5, $4  }
0x76: {  	_ = 	snop  }
0x77: {  	v13 =	vadd.s32 v14, v13  }
0x78: {  	s6 =	simm.s32 $0x4090;
	[tilespmem:v12+s18+$0x0] =	vst.idx.msk vm0, v13  }
0x79: {  	s10 =	sadd.s32 $0xFFFFFFFF, s3;
	p0 =	por $0x1, $0x1;
	s3 =	simm.s32 $0x0;
	v12 =	vld [tilespmem:s6+$0x0]  }
.LBB2_13:
0x7a: {  	p1 =	seq.s32 s10, $0x1;
	_ =	sdelay $0x3  }
0x7b: {  	vm0 =	vlt.s32 v12, $0xF41FF  }
0x7c: {  	v12 =	vnsel vm0, $0xF41FF, v12  }
0x7d: {  	v12 =	vshra.s32 v12, $0x7  }
0x7e: {  	v12 =	vsub.s32 v12, v2  }
0x7f: {  	s3 =	sadd.s32 $0x10, s3;
	vm0 =	vgt.s32 v12, $0x0  }
0x80: {  	v13 =	vor.u32 s3, v0;
	v12 =	vnsel vm0, $0x0, v12  }
0x81: {  	vm0 =	vlt.s32 v13, v11;
	v12 =	vmin.u32 v12, $0xFF  }
0x82: {  	(xrf1) =	vunique.msk.u32 vm0, v12;
	_ =	sdelay $0xd  }
0x83: {  	v13 =	vld.idx.msk [tilespmem:v12+s18+$0x0], $0xffff;
	_, v14, vm1 =	vpop (xrf1)  }
0x84: {  	vm0 =	vmand vm0, vm1;
	_ =	sdelay $0x2  }
.Ltmp6:
0x85: {  	(pc) =	sbr.rel @!p1 .LBB2_13-.Ltmp6, $4  }
0x86: {  	_ = 	snop  }
0x87: {  	v13 =	vadd.s32 v13, v14  }
0x88: {  	s6 =	sadd.s32 $0x10, s6;
	[tilespmem:v12+s18+$0x0] =	vst.idx.msk vm0, v13  }
0x89: {  	s10 =	sadd.s32 $0xFFFFFFFF, s10;
	v12 =	vld [tilespmem:s6+$0x0]  }
.LBB2_14:
0x8a: {  	_ =	sdelay $0x3  }
0x8b: {  	vm0 =	vlt.s32 v12, $0xF41FF  }
0x8c: {  	v12 =	vnsel vm0, $0xF41FF, v12  }
0x8d: {  	v12 =	vshra.s32 v12, $0x7  }
0x8e: {  	s3 =	sadd.s32 @p0 $0x10, s3;
	v12 =	vsub.s32 v12, v2  }
0x8f: {  	s1 =	smov.u32 @p0 s3;
	vm14 =	vgt.s32 v12, $0x0  }
0x90: {  	v13 =	vor.u32 s1, v0;
	v12 =	vnsel vm14, $0x0, v12  }
0x91: {  	vm15 =	vlt.s32 v13, v11;
	v12 =	vmin.u32 v12, $0xFF  }
0x92: {  	(xrf1) =	vunique.msk.u32 vm15, v12;
	_ =	sdelay $0xd  }
0x93: {  	_, v63, vm1 =	vpop (xrf1)  }
0x94: {  	v14 =	vld.idx.msk [tilespmem:v12+s18+$0x0], $0xffff;
	vm0 =	vmand vm15, vm1;
	_ =	sdelay $0x4  }
0x95: {  	v13 =	vadd.s32 v14, v63  }
0x96: {  	[tilespmem:v12+s18+$0x0] =	vst.idx.msk vm0, v13  }
.LBB2_4:
0x97: {  	s11 =	simm.s32 $0x0  }
0x98: {  	s3 =	simm.s32 $0x10;
	v13 =	vld [tilespmem:s11+$0x1EA00]  }
0x99: {  	v15 =	vld [tilespmem:s3+$0x1EA00];
	_ =	sdelay $0x3  }
0x9a: {  	(xrf0) =	vadd.scan.msk.s32 $0xffff, v13  }
0x9b: {  	(xrf0) =	vadd.scan.msk.s32 $0xffff, v15;
	_ =	sdelay $0x4  }
0x9c: {  	s1 =	simm.s32 $0x20;
	v14, _, _ =	vpop (xrf0)  }
0x9d: {  	v12 =	vld [tilespmem:s1+$0x1EA00];
	(v2sf) =	vpush v14, $0xF;
	v16, _, _ =	vpop (xrf0)  }
0x9e: {  	(v2sf) =	vpush v16, $0xF;
	_ =	sdelay $0x3  }
0x9f: {  	s6 =	simm.s32 $0x30;
	(xrf0) =	vadd.scan.msk.s32 $0xffff, v12  }
0xa0: {  	v14 =	vsub.s32 v14, v13;
	v13 =	vld [tilespmem:s6+$0x1EA00];
	_ =	sdelay $0x3  }
0xa1: {  	s10 =	simm.s32 $0x0;
	s12 =	simm.s32 $0x100;
	v15 =	vsub.s32 v16, v15  }
.LBB2_5:
0xa2: {  	s13 =	sshra.s32 s12, $0x2;
	p0 =	seq.s32 s12, $0x400;
	s12 =	sadd.s32 $0x40, s12;
	(xrf0) =	vadd.scan.msk.s32 $0xffff, v13;
	v16, _, _ =	vpop (xrf0);
	v17 =	vadd.s32 s10, v14;
	v14 =	vmov v15  }
.Ltmp7:
0xa3: {  	v15 =	vsub.s32 v16, v12;
	(v2sf) =	vpush v16, $0xF;
	[tilespmem:s11+$0x1EB80] =	vst v17;
	v12 =	vmov v13;
	v13 =	vld [tilespmem:s13+$0x1EA00];
	(pc) =	sbr.rel @!p0 .LBB2_5-.Ltmp7, $4  }
0xa4: {  	[tilespmem:s11+$0x1ED00] =	vst v17;
	s11 =	smov.u32 s3;
	s3 =	smov.u32 s1;
	s1 =	smov.u32 s6  }
0xa5: {  	s6 =	smov.u32 s13  }
0xa6: {  	s13 =	spop (v2sf)  }
0xa7: {  	s10 =	sadd.s32 s10, s13  }
0xa8: {  	(xrf0) =	vadd.scan.msk.s32 $0xffff, v13;
	_ =	sdelay $0x1  }
0xa9: {  	v16, _, _ =	vpop (xrf0)  }
0xaa: {  	(v2sf) =	vpush v16, $0xF;
	_ =	sdelay $0x2  }
0xab: {  	v17, _, _ =	vpop (xrf0)  }
0xac: {  	(v2sf) =	vpush v17, $0xF;
	_ =	sdelay $0x6  }
0xad: {  	s12 =	spop (v2sf);
	v14 =	vadd.s32 s10, v14  }
0xae: {  	s14 =	sadd.s32 s10, s12;
	[tilespmem:s11+$0x1EB80] =	vst v14  }
0xaf: {  	[tilespmem:s11+$0x1ED00] =	vst v14;
	v61 =	vadd.s32 s14, v15;
	s15 =	spop (v2sf)  }
0xb0: {  	p0 =	slt.s32 s0, $0x1;
	v12 =	vsub.s32 v16, v12;
	[tilespmem:s3+$0x1EB80] =	vst v61;
	s10 =	sadd.s32 s14, s15  }
.Ltmp8:
0xb1: {  	[tilespmem:s3+$0x1ED00] =	vst v61;
	v12 =	vadd.s32 s10, v12;
	s16 =	spop (v2sf);
	(pc) =	sbr.rel @p0 .LBB2_19-.Ltmp8, $4  }
0xb2: {  	v62 =	vsub.s32 v17, v13;
	[tilespmem:s1+$0x1EB80] =	vst v12;
	s3 =	sadd.s32 s10, s16  }
0xb3: {  	[tilespmem:s1+$0x1ED00] =	vst v12;
	v63 =	vadd.s32 s3, v62  }
0xb4: {  	[tilespmem:s6+$0x1EB80] =	vst v63  }
0xb5: {  	[tilespmem:s6+$0x1ED00] =	vst v63;
	s31 =	spop (v2sf)  }
0xb6: {  	p1 =	sne.s32 s0, $0x1  }
.Ltmp9:
0xb7: {  	_ = 	snop;
	(pc) =	sbr.rel @!p1 .LBB2_8-.Ltmp9, $4  }
0xb8: {  	_ = 	snop  }
0xb9: {  	s6 =	simm.s32 $0x4080  }
0xba: {  	s3 =	simm.s32 $0x8100;
	v12 =	vld [tilespmem:s6+$0x0]  }
0xbb: {  	s1 =	simm.s32 $0x0;
	s0 =	sadd.s32 $0xFFFFFFFF, s0;
	p0 =	por $0x0, $0x0;
	v13 =	vld [tilespmem:s3+$0x0]  }
0xbc: {  	_ =	sdelay $0x2  }
0xbd: {  	vm0 =	vlt.s32 v12, $0xF41FF  }
0xbe: {  	v14 =	vnsel vm0, $0xF41FF, v12  }
0xbf: {  	v14 =	vshra.s32 v14, $0x7  }
0xc0: {  	v14 =	vsub.s32 v14, v2  }
0xc1: {  	vm14 =	vgt.s32 v14, $0x0  }
0xc2: {  	v15 =	vor.u32 s1, v0;
	v14 =	vnsel vm14, $0x0, v14  }
0xc3: {  	vm15 =	vlt.s32 v15, v11;
	v14 =	vmin.u32 v14, $0xFF  }
0xc4: {  	(xrf1) =	vunique.msk.u32 vm15, v14;
	_ =	sdelay $0x9  }
0xc5: {  	v15 =	vld.idx.msk [tilespmem:v14+s19+$0x0], $0xffff;
	_ =	sdelay $0x3  }
0xc6: {  	_, v16, vm1 =	vpop (xrf1)  }
0xc7: {  	v15 =	vadd.s32 v15, v16  }
0xc8: {  	v16 =	vadd.s32 $0xFFFFFFFF, v15  }
0xc9: {  	vm2 =	vgt.s32 v16, $0x0  }
0xca: {  	v16 =	vnsel vm2, $0x0, v16  }
0xcb: {  	v16 =	vmin.u32 v16, $0x3FFF  }
0xcc: {  	vm1 =	vmand vm15, vm1;
	_ =	sdelay $0x3  }
0xcd: {  	p1 =	sne.s32 s0, $0x1;
	[tilespmem:v16+s5+$0x0] =	vst.idx.msk vm15, v12  }
.Ltmp10:
0xce: {  	[tilespmem:v16+s20+$0x0] =	vst.idx.msk vm15, v13;
	(pc) =	sbr.rel @!p1 .LBB2_16-.Ltmp10, $4  }
0xcf: {  	s3 =	simm.s32 $0x4090;
	[tilespmem:v14+s19+$0x0] =	vst.idx.msk vm1, v15  }
0xd0: {  	v12 =	vld [tilespmem:s3+$0x0]  }
0xd1: {  	s6 =	simm.s32 $0x8110  }
0xd2: {  	s10 =	sadd.s32 $0xFFFFFFFF, s0;
	p0 =	por $0x1, $0x1;
	s0 =	simm.s32 $0x0;
	v13 =	vld [tilespmem:s6+$0x0]  }
.LBB2_17:
0xd3: {  	p1 =	sne.s32 s10, $0x1;
	_ =	sdelay $0x1  }
0xd4: {  	vm0 =	vlt.s32 v12, $0xF41FF  }
0xd5: {  	v14 =	vnsel vm0, $0xF41FF, v12  }
0xd6: {  	v14 =	vshra.s32 v14, $0x7  }
0xd7: {  	v14 =	vsub.s32 v14, v2  }
0xd8: {  	s0 =	sadd.s32 $0x10, s0;
	vm0 =	vgt.s32 v14, $0x0  }
0xd9: {  	v15 =	vor.u32 s0, v0;
	v14 =	vnsel vm0, $0x0, v14  }
0xda: {  	vm0 =	vlt.s32 v15, v11;
	v14 =	vmin.u32 v14, $0xFF  }
0xdb: {  	(xrf1) =	vunique.msk.u32 vm0, v14;
	_ =	sdelay $0x8  }
0xdc: {  	v15 =	vld.idx.msk [tilespmem:v14+s19+$0x0], $0xffff;
	_ =	sdelay $0x4  }
0xdd: {  	_, v16, vm1 =	vpop (xrf1)  }
0xde: {  	v15 =	vadd.s32 v15, v16;
	vm1 =	vmand vm0, vm1  }
0xdf: {  	v16 =	vadd.s32 $0xFFFFFFFF, v15  }
0xe0: {  	vm2 =	vgt.s32 v16, $0x0  }
0xe1: {  	v16 =	vnsel vm2, $0x0, v16  }
0xe2: {  	v16 =	vmin.u32 v16, $0x3FFF;
	_ =	sdelay $0x4  }
0xe3: {  	[tilespmem:v16+s5+$0x0] =	vst.idx.msk vm0, v12  }
.Ltmp11:
0xe4: {  	[tilespmem:v16+s20+$0x0] =	vst.idx.msk vm0, v13;
	(pc) =	sbr.rel @p1 .LBB2_17-.Ltmp11, $4  }
0xe5: {  	s3 =	sadd.s32 $0x10, s3;
	[tilespmem:v14+s19+$0x0] =	vst.idx.msk vm1, v15  }
0xe6: {  	s6 =	sadd.s32 $0x10, s6;
	v12 =	vld [tilespmem:s3+$0x0]  }
0xe7: {  	v13 =	vld [tilespmem:s6+$0x0]  }
0xe8: {  	s10 =	sadd.s32 $0xFFFFFFFF, s10  }
.LBB2_18:
0xe9: {  	_ =	sdelay $0x1  }
0xea: {  	vm0 =	vlt.s32 v12, $0xF41FF  }
0xeb: {  	v14 =	vnsel vm0, $0xF41FF, v12  }
0xec: {  	v14 =	vshra.s32 v14, $0x7  }
0xed: {  	s0 =	sadd.s32 @p0 $0x10, s0;
	v14 =	vsub.s32 v14, v2  }
0xee: {  	s1 =	smov.u32 @p0 s0;
	vm14 =	vgt.s32 v14, $0x0  }
0xef: {  	v15 =	vor.u32 s1, v0;
	v14 =	vnsel vm14, $0x0, v14  }
0xf0: {  	vm15 =	vlt.s32 v15, v11;
	v11 =	vmin.u32 v14, $0xFF  }
0xf1: {  	(xrf1) =	vunique.msk.u32 vm15, v11;
	_ =	sdelay $0x9  }
0xf2: {  	v14 =	vld.idx.msk [tilespmem:v11+s19+$0x0], $0xffff;
	_ =	sdelay $0x3  }
0xf3: {  	_, v63, vm1 =	vpop (xrf1)  }
0xf4: {  	v14 =	vadd.s32 v14, v63  }
0xf5: {  	v15 =	vadd.s32 $0xFFFFFFFF, v14  }
0xf6: {  	vm2 =	vgt.s32 v15, $0x0  }
0xf7: {  	v15 =	vnsel vm2, $0x0, v15  }
0xf8: {  	v15 =	vmin.u32 v15, $0x3FFF  }
0xf9: {  	vm1 =	vmand vm15, vm1;
	_ =	sdelay $0x3  }
0xfa: {  	[tilespmem:v15+s5+$0x0] =	vst.idx.msk vm15, v12  }
0xfb: {  	[tilespmem:v15+s20+$0x0] =	vst.idx.msk vm15, v13  }
0xfc: {  	[tilespmem:v11+s19+$0x0] =	vst.idx.msk vm1, v14  }
.LBB2_19:
0xfd: {  	v11 =	vld [tilespmem:$0x1EA00];
	_ =	sdelay $0x4  }
0xfe: {  	(v2sf) =	vpush v11, $0x0;
	_ =	sdelay $0xe  }
0xff: {  	s0 =	spop (v2sf)  }
0x100: {  	s6 =	rddreg [dreg:$0x6];
	p0 =	slt.s32 s0, $0x1  }
0x101: {  	s0 =	simm.s32 @!p0 $0x400;
	s1 =	simm.s32 @!p0 $0x7A1400;
	s3 =	simm.s32 @!p0 $0x10200  }
0x102: {  	[tilespmem:s3], [sflag:$0x1] =	stream.strided.gather @!p0 [hbm4b:s6+s0], $0x2000, s1, s0, $0x38;
	[tilespmem:$0x1EE80] =	vst v63  }
0x103: {  	v11 =	vld [tilespmem:$0x1EA01];
	_ =	sdelay $0x4  }
0x104: {  	(v2sf) =	vpush v11, $0x0;
	_ =	sdelay $0xe  }
0x105: {  	s12 =	spop (v2sf)  }
0x106: {  	s6 =	rddreg [dreg:$0x7];
	p0 =	slt.s32 s12, $0x1  }
0x107: {  	s0 =	simm.s32 @!p0 $0x400;
	s1 =	simm.s32 @!p0 $0x7A1400;
	s3 =	simm.s32 @!p0 $0x12200  }
0x108: {  	[tilespmem:s3], [sflag:$0x2] =	stream.strided.gather @!p0 [hbm4b:s6+s0], $0x2000, s1, s0, $0x38;
	[tilespmem:$0x1EE80] =	vst v63  }
0x109: {  	v11 =	vld [tilespmem:$0x1EA02];
	_ =	sdelay $0x4  }
0x10a: {  	(v2sf) =	vpush v11, $0x0;
	_ =	sdelay $0xe  }
0x10b: {  	s13 =	spop (v2sf)  }
0x10c: {  	s6 =	rddreg [dreg:$0x8];
	p0 =	slt.s32 s13, $0x1  }
0x10d: {  	s0 =	simm.s32 @!p0 $0x400;
	s1 =	simm.s32 @!p0 $0x7A1400;
	s3 =	simm.s32 @!p0 $0x14200  }
0x10e: {  	[tilespmem:s3], [sflag:$0x3] =	stream.strided.gather @!p0 [hbm4b:s6+s0], $0x2000, s1, s0, $0x38;
	[tilespmem:$0x1EE80] =	vst v63  }
0x10f: {  	v11 =	vld [tilespmem:$0x1EA03];
	_ =	sdelay $0x4  }
0x110: {  	(v2sf) =	vpush v11, $0x0;
	_ =	sdelay $0xe  }
0x111: {  	s14 =	spop (v2sf)  }
0x112: {  	s6 =	rddreg [dreg:$0x9];
	p0 =	slt.s32 s14, $0x1  }
0x113: {  	s0 =	simm.s32 @!p0 $0x400;
	s1 =	simm.s32 @!p0 $0x7A1400;
	s3 =	simm.s32 @!p0 $0x16200  }
0x114: {  	[tilespmem:s3], [sflag:$0x4] =	stream.strided.gather @!p0 [hbm4b:s6+s0], $0x2000, s1, s0, $0x38;
	[tilespmem:$0x1EE80] =	vst v63  }
0x115: {  	v11 =	vld [tilespmem:$0x1EA04];
	_ =	sdelay $0x4  }
0x116: {  	(v2sf) =	vpush v11, $0x0;
	_ =	sdelay $0xe  }
0x117: {  	s15 =	spop (v2sf)  }
0x118: {  	s6 =	rddreg [dreg:$0xa];
	p0 =	slt.s32 s15, $0x1  }
0x119: {  	s0 =	simm.s32 @!p0 $0x400;
	s1 =	simm.s32 @!p0 $0x7A1400;
	s3 =	simm.s32 @!p0 $0x18200  }
0x11a: {  	[tilespmem:s3], [sflag:$0x5] =	stream.strided.gather @!p0 [hbm4b:s6+s0], $0x2000, s1, s0, $0x38;
	[tilespmem:$0x1EE80] =	vst v63  }
0x11b: {  	v11 =	vld [tilespmem:$0x1EA05];
	_ =	sdelay $0x4  }
0x11c: {  	(v2sf) =	vpush v11, $0x0;
	_ =	sdelay $0xe  }
.Ltmp12:
0x11d: {  	s16 =	spop (v2sf);
	(pc) =	sbr.rel .LBB2_20-.Ltmp12, $4  }
0x11e: {  	s6 =	rddreg [dreg:$0xb];
	p0 =	slt.s32 s16, $0x1  }
0x11f: {  	s0 =	simm.s32 @!p0 $0x400;
	s1 =	simm.s32 @!p0 $0x7A1400;
	s3 =	simm.s32 @!p0 $0x1A200  }
0x120: {  	[tilespmem:s3], [sflag:$0x6] =	stream.strided.gather @!p0 [hbm4b:s6+s0], $0x2000, s1, s0, $0x38;
	[tilespmem:$0x1EE80] =	vst v63  }
0x121: {  	[smem:$0x0] =	sst s5;
	s31 =	simm.s32 $0x0;
	s1 =	simm.s32 $0x0  }
.LBB2_46:
0x122: {  	s1 =	smov.u32 s0  }
0x123: {  	s1 =	smov.u32 @p1 s0  }
0x124: {  	s0 =	smov.u32 @p0 s1  }
0x125: {  	s1 =	smov.u32 s0  }
.LBB2_50:
0x126: {  	v11 =	vld [tilespmem:s3+$0x1EA0B];
	_ =	sdelay $0x4  }
0x127: {  	(v2sf) =	vpush v11, $0x0;
	_ =	sdelay $0xd  }
0x128: {  	s0 =	sadd.s32 $0xB, s3  }
0x129: {  	p0 =	sge.u32 s0, s8;
	s3 =	spop (v2sf)  }
0x12a: {  	p1 =	slt.s32 @!p0 s3, $0x1  }
0x12b: {  	p0 =	por p1, p0  }
0x12c: {  	s0 =	sadd.s32 @!p0 s7, s0  }
0x12d: {  	s0 =	sshll.u32 @!p0 s0, $0x7  }
0x12e: {  	s31 =	sadd.s32 $0x1, s31;
	s3 =	simm.s32 @!p0 $0x400;
	s0 =	sand.u32 @!p0 $0x1FFFFF80, s0  }
0x12f: {  	s6 =	simm.s32 @!p0 $0x7A1400;
	s9 =	simm.s32 @!p0 $0x1A200;
	s0 =	sadd.s32 @!p0 s2, s0  }
0x130: {  	[tilespmem:s9], [sflag:$0x6] =	stream.strided.gather @!p0 [hbm4b:s0+s3], $0x2000, s6, s3, $0x38;
	[tilespmem:$0x1EE80] =	vst v63  }
0x131: {  	p0 =	sne.s32 s31, $0x2A  }
.Ltmp13:
0x132: {  	_ = 	snop;
	(pc) =	sbr.rel @!p0 .LBB2_51-.Ltmp13, $1  }
0x133: {  	_ =	sdelay $0x3  }
.LBB2_20:
0x134: {  	s3 =	smul.u32 $0x6, s31;
	_ =	sdelay $0x1  }
0x135: {  	v11 =	vld [tilespmem:s3+$0x1EA00];
	_ =	sdelay $0x4  }
0x136: {  	(v2sf) =	vpush v11, $0x0;
	_ =	sdelay $0xe  }
0x137: {  	p1 =	sge.u32 s3, s8;
	s11 =	spop (v2sf)  }
0x138: {  	p0 =	slt.s32 @!p1 s11, $0x1  }
0x139: {  	p0 =	por p1, p0  }
0x13a: {  	s0 =	simm.s32 @!p0 $0x1  }
0x13b: {  	_ =	swait.ge @!p0 [sflag:s0], $0x2000  }
0x13c: {  	[sflag:s0] =	ssyncset.done @!p0 $0x0  }
0x13d: {  	[sflag:s0] =	ssyncadd.s32 @!p0 $0xFFFFE000  }
0x13e: {  	v11 =	vld @!p0 [tilespmem:s3+$0x1EB80];
	_ =	sdelay $0x4  }
0x13f: {  	(v2sf) =	vpush @!p0 v11, $0x0;
	_ =	sdelay $0xe  }
0x140: {  	s0 =	spop @!p0 (v2sf)  }
0x141: {  	s6 =	sadd.s32 @!p0 s11, s0  }
0x142: {  	p2 =	sge.s32 @!p0 s0, s6  }
0x143: {  	p2 =	por p0, p2  }
.Ltmp14:
0x144: {  	_ = 	snop;
	(pc) =	sbr.rel @p2 .LBB2_21-.Ltmp14, $1  }
0x145: {  	_ =	sdelay $0x3  }
0x146: {  	s0 =	sshll.u32 s0, $0x2  }
0x147: {  	s12 =	sshra.s32 s0, $0x2  }
0x148: {  	v11 =	vld [tilespmem:s12+$0x0];
	_ =	sdelay $0x4  }
0x149: {  	s6 =	sadd.s32 $0xC180, s12;
	(v2sf) =	vpush v11, $0x0  }
0x14a: {  	v11 =	vld [tilespmem:s6+$0x0];
	_ =	sdelay $0x4  }
0x14b: {  	(v2sf) =	vpush v11, $0x0;
	_ =	sdelay $0x8  }
0x14c: {  	s0 =	sadd.s32 @!p0 s7, s3;
	s13 =	spop (v2sf)  }
0x14d: {  	s10 =	sshll.u32 @!p0 s0, $0x7;
	s0 =	sadd.s32 $0xFFF0BE00, s13  }
0x14e: {  	s14 =	ssub.s32 s13, s10;
	p0 =	sgt.s32 s0, $0x0  }
0x14f: {  	p1 =	slt.s32 s14, $0x7F;
	s0 =	simm.s32 @!p0 $0x0  }
0x150: {  	s14 =	simm.s32 @!p1 $0x7F;
	s15 =	smin.u32 s0, $0x3F  }
0x151: {  	p0 =	slt.s32 s1, $0x20;
	v11 =	vadd.s32 s14, v1;
	s0 =	sadd.s32 $0x1, s1;
	s15 =	sshll.u32 s15, $0x7  }
0x152: {  	s16 =	simm.s32 @!p0 $0x7;
	s9 =	spop (v2sf);
	[smem:$0x0] =	sst s0;
	v12 =	vor.u32 s15, v0  }
0x153: {  	_ =	swait.ge @!p0 [sflag:s16], $0x40  }
0x154: {  	[sflag:s16] =	ssyncset.done @!p0 $0x0  }
0x155: {  	[sflag:s16] =	ssyncadd.s32 @!p0 $0xFFFFFFC0  }
0x156: {  	v11 =	vld.idx.msk [tilespmem:v11+s21+$0x0], $0xffff  }
0x157: {  	v12 =	vld.idx.msk [tilespmem:v12+s17+$0x0], $0xffff;
	_ =	sdelay $0x1  }
0x158: {  	v13 =	vadd.s32 s14, v5  }
0x159: {  	v14 =	vor.u32 s15, v6  }
0x15a: {  	p1 =	slt.s32 s13, $0xF4200;
	s1 =	sshll.u32 s1, $0x6  }
0x15b: {  	s13 =	sand.u32 $0x7C0, s1;
	v11 =	vpsel p1, v11, v12  }
0x15c: {  	[tilespmem:s13+$0x1E200] =	vst v11  }
0x15d: {  	v11 =	vld.idx.msk [tilespmem:v13+s21+$0x0], $0xffff  }
0x15e: {  	v12 =	vld.idx.msk [tilespmem:v14+s17+$0x0], $0xffff;
	_ =	sdelay $0x1  }
0x15f: {  	v13 =	vadd.s32 s14, v7  }
0x160: {  	v14 =	vor.u32 s15, v8;
	_ =	sdelay $0x1  }
0x161: {  	v11 =	vpsel p1, v11, v12  }
0x162: {  	[tilespmem:s13+$0x1E210] =	vst v11  }
0x163: {  	v11 =	vld.idx.msk [tilespmem:v13+s21+$0x0], $0xffff  }
0x164: {  	v12 =	vld.idx.msk [tilespmem:v14+s17+$0x0], $0xffff;
	_ =	sdelay $0x1  }
0x165: {  	v13 =	vadd.s32 s14, v9  }
0x166: {  	v14 =	vor.u32 s15, v10;
	_ =	sdelay $0x1  }
0x167: {  	s11 =	sadd.s32 $0xFFFFFFFF, s11;
	v11 =	vpsel p1, v11, v12  }
0x168: {  	p0 =	sne.s32 s11, $0x0;
	[tilespmem:s13+$0x1E220] =	vst v11  }
.Ltmp15:
0x169: {  	v11 =	vld.idx.msk [tilespmem:v13+s21+$0x0], $0xffff;
	(pc) =	sbr.rel @!p0 .LBB2_24-.Ltmp15, $4  }
0x16a: {  	v12 =	vld.idx.msk [tilespmem:v14+s17+$0x0], $0xffff  }
0x16b: {  	s9 =	sshll.u32 s9, $0x3  }
0x16c: {  	s9 =	sand.u32 $0x1FFFFFF8, s9  }
0x16d: {  	s12 =	sadd.s32 $0x1, s12;
	s15 =	sadd.s32 $0x1E200, s13;
	s14 =	sadd.s32 s4, s9  }
.LBB2_23:
0x16e: {  	s11 =	sadd.s32 $0xFFFFFFFF, s11;
	s1 =	sadd.s32 $0x40, s1;
	s6 =	sadd.s32 $0x1, s6  }
0x16f: {  	v11 =	vpsel p1, v11, v12;
	p0 =	sne.s32 s11, $0x0  }
0x170: {  	[tilespmem:s13+$0x1E230] =	vst v11  }
0x171: {  	[hbm4b:s14+s5] =	stream.linear.scatter [tilespmem:s15], [sflag:$0x7], $0x40, $0x38;
	[tilespmem:$0x1EE80] =	vst v63  }
0x172: {  	v11 =	vld [tilespmem:s12+$0x0]  }
0x173: {  	v12 =	vld [tilespmem:s6+$0x0];
	_ =	sdelay $0x3  }
0x174: {  	(v2sf) =	vpush v11, $0x0  }
0x175: {  	(v2sf) =	vpush v12, $0x0;
	_ =	sdelay $0xd  }
0x176: {  	s9 =	spop (v2sf)  }
0x177: {  	s15 =	ssub.s32 s9, s10;
	s13 =	sadd.s32 $0xFFF0BE00, s9;
	s14 =	spop (v2sf)  }
0x178: {  	p1 =	slt.s32 s15, $0x7F;
	p2 =	sgt.s32 s13, $0x0;
	s14 =	sshll.u32 s14, $0x3  }
0x179: {  	s15 =	simm.s32 @!p1 $0x7F;
	s13 =	simm.s32 @!p2 $0x0;
	s14 =	sand.u32 $0x1FFFFFF8, s14  }
0x17a: {  	s13 =	smin.u32 s13, $0x3F;
	v11 =	vadd.s32 s15, v1  }
0x17b: {  	p1 =	slt.s32 s0, $0x20;
	s0 =	sadd.s32 $0x1, s0;
	s16 =	sshll.u32 s13, $0x7  }
0x17c: {  	s13 =	simm.s32 @!p1 $0x7;
	[smem:$0x0] =	sst s0;
	v12 =	vor.u32 s16, v0  }
0x17d: {  	_ =	swait.ge @!p1 [sflag:s13], $0x40  }
0x17e: {  	[sflag:s13] =	ssyncset.done @!p1 $0x0  }
0x17f: {  	[sflag:s13] =	ssyncadd.s32 @!p1 $0xFFFFFFC0  }
0x180: {  	v11 =	vld.idx.msk [tilespmem:v11+s21+$0x0], $0xffff  }
0x181: {  	v12 =	vld.idx.msk [tilespmem:v12+s17+$0x0], $0xffff;
	_ =	sdelay $0x2  }
0x182: {  	v13 =	vadd.s32 s15, v5;
	v14 =	vor.u32 s16, v6;
	_ =	sdelay $0x1  }
0x183: {  	p1 =	slt.s32 s9, $0xF4200  }
0x184: {  	s13 =	sand.u32 $0x7C0, s1;
	v11 =	vpsel p1, v11, v12  }
0x185: {  	[tilespmem:s13+$0x1E200] =	vst v11  }
0x186: {  	v11 =	vld.idx.msk [tilespmem:v13+s21+$0x0], $0xffff  }
0x187: {  	v12 =	vld.idx.msk [tilespmem:v14+s17+$0x0], $0xffff;
	_ =	sdelay $0x2  }
0x188: {  	v13 =	vadd.s32 s15, v7;
	v14 =	vor.u32 s16, v8;
	_ =	sdelay $0x2  }
0x189: {  	v11 =	vpsel p1, v11, v12  }
0x18a: {  	[tilespmem:s13+$0x1E210] =	vst v11  }
0x18b: {  	v11 =	vld.idx.msk [tilespmem:v13+s21+$0x0], $0xffff  }
0x18c: {  	v12 =	vld.idx.msk [tilespmem:v14+s17+$0x0], $0xffff;
	_ =	sdelay $0x2  }
0x18d: {  	v13 =	vadd.s32 s15, v9;
	v14 =	vor.u32 s16, v10;
	_ =	sdelay $0x2  }
0x18e: {  	v11 =	vpsel p1, v11, v12  }
0x18f: {  	[tilespmem:s13+$0x1E220] =	vst v11  }
0x190: {  	v11 =	vld.idx.msk [tilespmem:v13+s21+$0x0], $0xffff  }
.Ltmp16:
0x191: {  	v12 =	vld.idx.msk [tilespmem:v14+s17+$0x0], $0xffff;
	(pc) =	sbr.rel @p0 .LBB2_23-.Ltmp16, $2  }
0x192: {  	_ =	sdelay $0x2  }
0x193: {  	s12 =	sadd.s32 $0x1, s12;
	s14 =	sadd.s32 s4, s14;
	s15 =	sadd.s32 $0x1E200, s13  }
.LBB2_24:
.Ltmp17:
0x194: {  	(pc) =	sbr.rel .LBB2_25-.Ltmp17, $4  }
0x195: {  	_ = 	snop  }
0x196: {  	v11 =	vpsel p1, v11, v12  }
0x197: {  	[tilespmem:s13+$0x1E230] =	vst v11  }
0x198: {  	[hbm4b:s14+s5] =	stream.linear.scatter [tilespmem:s15], [sflag:$0x7], $0x40, $0x38;
	[tilespmem:$0x1EE80] =	vst v63  }
.LBB2_21:
0x199: {  	s0 =	smov.u32 s1  }
0x19a: {  	s0 =	smov.u32 @p1 s1  }
0x19b: {  	s1 =	smov.u32 @p0 s0  }
0x19c: {  	s0 =	smov.u32 s1  }
.LBB2_25:
0x19d: {  	v11 =	vld [tilespmem:s3+$0x1EA06];
	_ =	sdelay $0x4  }
0x19e: {  	(v2sf) =	vpush v11, $0x0;
	_ =	sdelay $0xd  }
0x19f: {  	s1 =	sadd.s32 $0x6, s3  }
0x1a0: {  	p0 =	sge.u32 s1, s8;
	s6 =	spop (v2sf)  }
0x1a1: {  	p1 =	slt.s32 @!p0 s6, $0x1  }
0x1a2: {  	p0 =	por p1, p0  }
0x1a3: {  	s1 =	sadd.s32 @!p0 s7, s1  }
0x1a4: {  	s1 =	sshll.u32 @!p0 s1, $0x7  }
0x1a5: {  	s6 =	simm.s32 @!p0 $0x400;
	s1 =	sand.u32 @!p0 $0x1FFFFF80, s1  }
0x1a6: {  	s9 =	simm.s32 @!p0 $0x7A1400;
	s10 =	simm.s32 @!p0 $0x10200;
	s1 =	sadd.s32 @!p0 s2, s1  }
0x1a7: {  	[tilespmem:s10], [sflag:$0x1] =	stream.strided.gather @!p0 [hbm4b:s1+s6], $0x2000, s9, s6, $0x38;
	[tilespmem:$0x1EE80] =	vst v63  }
0x1a8: {  	v11 =	vld [tilespmem:s3+$0x1EA01];
	_ =	sdelay $0x4  }
0x1a9: {  	(v2sf) =	vpush v11, $0x0;
	_ =	sdelay $0xd  }
0x1aa: {  	s1 =	sor.u32 $0x1, s3  }
0x1ab: {  	p1 =	sge.u32 s1, s8;
	s11 =	spop (v2sf)  }
0x1ac: {  	p0 =	slt.s32 @!p1 s11, $0x1  }
0x1ad: {  	p0 =	por p1, p0  }
0x1ae: {  	s6 =	simm.s32 @!p0 $0x2  }
0x1af: {  	_ =	swait.ge @!p0 [sflag:s6], $0x2000  }
0x1b0: {  	[sflag:s6] =	ssyncset.done @!p0 $0x0  }
0x1b1: {  	[sflag:s6] =	ssyncadd.s32 @!p0 $0xFFFFE000  }
0x1b2: {  	v11 =	vld @!p0 [tilespmem:s1+$0x1EB80];
	_ =	sdelay $0x4  }
0x1b3: {  	(v2sf) =	vpush @!p0 v11, $0x0;
	_ =	sdelay $0xe  }
0x1b4: {  	s6 =	spop @!p0 (v2sf)  }
0x1b5: {  	s9 =	sadd.s32 @!p0 s11, s6  }
0x1b6: {  	p2 =	sge.s32 @!p0 s6, s9  }
0x1b7: {  	p2 =	por p0, p2  }
.Ltmp18:
0x1b8: {  	_ = 	snop;
	(pc) =	sbr.rel @p2 .LBB2_26-.Ltmp18, $1  }
0x1b9: {  	_ =	sdelay $0x3  }
0x1ba: {  	s6 =	sshll.u32 s6, $0x2  }
0x1bb: {  	s9 =	sshra.s32 s6, $0x2  }
0x1bc: {  	v11 =	vld [tilespmem:s9+$0x0];
	_ =	sdelay $0x4  }
0x1bd: {  	s6 =	sadd.s32 $0xC180, s9;
	(v2sf) =	vpush v11, $0x0  }
0x1be: {  	v11 =	vld [tilespmem:s6+$0x0];
	_ =	sdelay $0x4  }
0x1bf: {  	(v2sf) =	vpush v11, $0x0;
	_ =	sdelay $0x8  }
0x1c0: {  	s1 =	sadd.s32 @!p0 s7, s1;
	s12 =	spop (v2sf)  }
0x1c1: {  	s10 =	sshll.u32 @!p0 s1, $0x7;
	s1 =	sadd.s32 $0xFFF0BE00, s12  }
0x1c2: {  	s14 =	ssub.s32 s12, s10;
	p0 =	sgt.s32 s1, $0x0  }
0x1c3: {  	p1 =	slt.s32 s14, $0x7F;
	s1 =	simm.s32 @!p0 $0x0  }
0x1c4: {  	s14 =	simm.s32 @!p1 $0x7F;
	s13 =	smin.u32 s1, $0x3F  }
0x1c5: {  	p0 =	slt.s32 s0, $0x20;
	v11 =	vadd.s32 s14, v1;
	s1 =	sadd.s32 $0x1, s0;
	s15 =	sshll.u32 s13, $0x7  }
0x1c6: {  	s16 =	spop (v2sf);
	[smem:$0x0] =	sst s1;
	s13 =	simm.s32 @!p0 $0x7;
	v12 =	vor.u32 s15, v0  }
0x1c7: {  	_ =	swait.ge @!p0 [sflag:s13], $0x40  }
0x1c8: {  	[sflag:s13] =	ssyncset.done @!p0 $0x0  }
0x1c9: {  	[sflag:s13] =	ssyncadd.s32 @!p0 $0xFFFFFFC0  }
0x1ca: {  	v11 =	vld.idx.msk [tilespmem:v11+s22+$0x0], $0xffff  }
0x1cb: {  	v12 =	vld.idx.msk [tilespmem:v12+s17+$0x0], $0xffff;
	_ =	sdelay $0x1  }
0x1cc: {  	v13 =	vadd.s32 s14, v5  }
0x1cd: {  	v14 =	vor.u32 s15, v6  }
0x1ce: {  	p1 =	slt.s32 s12, $0xF4200;
	s0 =	sshll.u32 s0, $0x6  }
0x1cf: {  	s13 =	sand.u32 $0x7C0, s0;
	v11 =	vpsel p1, v11, v12  }
0x1d0: {  	[tilespmem:s13+$0x1E200] =	vst v11  }
0x1d1: {  	v11 =	vld.idx.msk [tilespmem:v13+s22+$0x0], $0xffff  }
0x1d2: {  	v12 =	vld.idx.msk [tilespmem:v14+s17+$0x0], $0xffff;
	_ =	sdelay $0x1  }
0x1d3: {  	v13 =	vadd.s32 s14, v7  }
0x1d4: {  	v14 =	vor.u32 s15, v8;
	_ =	sdelay $0x1  }
0x1d5: {  	v11 =	vpsel p1, v11, v12  }
0x1d6: {  	[tilespmem:s13+$0x1E210] =	vst v11  }
0x1d7: {  	v11 =	vld.idx.msk [tilespmem:v13+s22+$0x0], $0xffff  }
0x1d8: {  	v12 =	vld.idx.msk [tilespmem:v14+s17+$0x0], $0xffff;
	_ =	sdelay $0x1  }
0x1d9: {  	v13 =	vadd.s32 s14, v9  }
0x1da: {  	v14 =	vor.u32 s15, v10;
	_ =	sdelay $0x1  }
0x1db: {  	s11 =	sadd.s32 $0xFFFFFFFF, s11;
	v11 =	vpsel p1, v11, v12  }
0x1dc: {  	p0 =	sne.s32 s11, $0x0;
	[tilespmem:s13+$0x1E220] =	vst v11  }
.Ltmp19:
0x1dd: {  	v11 =	vld.idx.msk [tilespmem:v13+s22+$0x0], $0xffff;
	(pc) =	sbr.rel @!p0 .LBB2_29-.Ltmp19, $4  }
0x1de: {  	v12 =	vld.idx.msk [tilespmem:v14+s17+$0x0], $0xffff  }
0x1df: {  	s16 =	sshll.u32 s16, $0x3  }
0x1e0: {  	s12 =	sand.u32 $0x1FFFFFF8, s16  }
0x1e1: {  	s15 =	sadd.s32 $0x1E200, s13;
	s14 =	sadd.s32 s4, s12;
	s12 =	sadd.s32 $0x1, s9  }
.LBB2_28:
0x1e2: {  	s11 =	sadd.s32 $0xFFFFFFFF, s11;
	s0 =	sadd.s32 $0x40, s0;
	s6 =	sadd.s32 $0x1, s6  }
0x1e3: {  	v11 =	vpsel p1, v11, v12;
	p0 =	sne.s32 s11, $0x0  }
0x1e4: {  	[tilespmem:s13+$0x1E230] =	vst v11  }
0x1e5: {  	[hbm4b:s14+s5] =	stream.linear.scatter [tilespmem:s15], [sflag:$0x7], $0x40, $0x38;
	[tilespmem:$0x1EE80] =	vst v63  }
0x1e6: {  	v11 =	vld [tilespmem:s12+$0x0]  }
0x1e7: {  	v12 =	vld [tilespmem:s6+$0x0];
	_ =	sdelay $0x3  }
0x1e8: {  	(v2sf) =	vpush v11, $0x0  }
0x1e9: {  	(v2sf) =	vpush v12, $0x0;
	_ =	sdelay $0xd  }
0x1ea: {  	s9 =	spop (v2sf)  }
0x1eb: {  	s15 =	ssub.s32 s9, s10;
	s13 =	sadd.s32 $0xFFF0BE00, s9;
	s14 =	spop (v2sf)  }
0x1ec: {  	p1 =	slt.s32 s15, $0x7F;
	p2 =	sgt.s32 s13, $0x0;
	s14 =	sshll.u32 s14, $0x3  }
0x1ed: {  	s15 =	simm.s32 @!p1 $0x7F;
	s13 =	simm.s32 @!p2 $0x0;
	s14 =	sand.u32 $0x1FFFFFF8, s14  }
0x1ee: {  	s13 =	smin.u32 s13, $0x3F;
	v11 =	vadd.s32 s15, v1  }
0x1ef: {  	p1 =	slt.s32 s1, $0x20;
	s1 =	sadd.s32 $0x1, s1;
	s16 =	sshll.u32 s13, $0x7  }
0x1f0: {  	s13 =	simm.s32 @!p1 $0x7;
	[smem:$0x0] =	sst s1;
	v12 =	vor.u32 s16, v0  }
0x1f1: {  	_ =	swait.ge @!p1 [sflag:s13], $0x40  }
0x1f2: {  	[sflag:s13] =	ssyncset.done @!p1 $0x0  }
0x1f3: {  	[sflag:s13] =	ssyncadd.s32 @!p1 $0xFFFFFFC0  }
0x1f4: {  	v11 =	vld.idx.msk [tilespmem:v11+s22+$0x0], $0xffff  }
0x1f5: {  	v12 =	vld.idx.msk [tilespmem:v12+s17+$0x0], $0xffff;
	_ =	sdelay $0x2  }
0x1f6: {  	v13 =	vadd.s32 s15, v5;
	v14 =	vor.u32 s16, v6;
	_ =	sdelay $0x1  }
0x1f7: {  	p1 =	slt.s32 s9, $0xF4200  }
0x1f8: {  	s13 =	sand.u32 $0x7C0, s0;
	v11 =	vpsel p1, v11, v12  }
0x1f9: {  	[tilespmem:s13+$0x1E200] =	vst v11  }
0x1fa: {  	v11 =	vld.idx.msk [tilespmem:v13+s22+$0x0], $0xffff  }
0x1fb: {  	v12 =	vld.idx.msk [tilespmem:v14+s17+$0x0], $0xffff;
	_ =	sdelay $0x2  }
0x1fc: {  	v13 =	vadd.s32 s15, v7;
	v14 =	vor.u32 s16, v8;
	_ =	sdelay $0x2  }
0x1fd: {  	v11 =	vpsel p1, v11, v12  }
0x1fe: {  	[tilespmem:s13+$0x1E210] =	vst v11  }
0x1ff: {  	v11 =	vld.idx.msk [tilespmem:v13+s22+$0x0], $0xffff  }
0x200: {  	v12 =	vld.idx.msk [tilespmem:v14+s17+$0x0], $0xffff;
	_ =	sdelay $0x2  }
0x201: {  	v13 =	vadd.s32 s15, v9;
	v14 =	vor.u32 s16, v10;
	_ =	sdelay $0x2  }
0x202: {  	v11 =	vpsel p1, v11, v12  }
0x203: {  	[tilespmem:s13+$0x1E220] =	vst v11  }
0x204: {  	v11 =	vld.idx.msk [tilespmem:v13+s22+$0x0], $0xffff  }
.Ltmp20:
0x205: {  	v12 =	vld.idx.msk [tilespmem:v14+s17+$0x0], $0xffff;
	(pc) =	sbr.rel @p0 .LBB2_28-.Ltmp20, $2  }
0x206: {  	_ =	sdelay $0x2  }
0x207: {  	s12 =	sadd.s32 $0x1, s12;
	s14 =	sadd.s32 s4, s14;
	s15 =	sadd.s32 $0x1E200, s13  }
.LBB2_29:
.Ltmp21:
0x208: {  	(pc) =	sbr.rel .LBB2_30-.Ltmp21, $4  }
0x209: {  	_ = 	snop  }
0x20a: {  	v11 =	vpsel p1, v11, v12  }
0x20b: {  	[tilespmem:s13+$0x1E230] =	vst v11  }
0x20c: {  	[hbm4b:s14+s5] =	stream.linear.scatter [tilespmem:s15], [sflag:$0x7], $0x40, $0x38;
	[tilespmem:$0x1EE80] =	vst v63  }
.LBB2_26:
0x20d: {  	s1 =	smov.u32 s0  }
0x20e: {  	s1 =	smov.u32 @p1 s0  }
0x20f: {  	s0 =	smov.u32 @p0 s1  }
0x210: {  	s1 =	smov.u32 s0  }
.LBB2_30:
0x211: {  	v11 =	vld [tilespmem:s3+$0x1EA07];
	_ =	sdelay $0x4  }
0x212: {  	(v2sf) =	vpush v11, $0x0;
	_ =	sdelay $0xd  }
0x213: {  	s0 =	sadd.s32 $0x7, s3  }
0x214: {  	p0 =	sge.u32 s0, s8;
	s6 =	spop (v2sf)  }
0x215: {  	p1 =	slt.s32 @!p0 s6, $0x1  }
0x216: {  	p0 =	por p1, p0  }
0x217: {  	s0 =	sadd.s32 @!p0 s7, s0  }
0x218: {  	s0 =	sshll.u32 @!p0 s0, $0x7  }
0x219: {  	s6 =	simm.s32 @!p0 $0x400;
	s0 =	sand.u32 @!p0 $0x1FFFFF80, s0  }
0x21a: {  	s9 =	simm.s32 @!p0 $0x7A1400;
	s10 =	simm.s32 @!p0 $0x12200;
	s0 =	sadd.s32 @!p0 s2, s0  }
0x21b: {  	[tilespmem:s10], [sflag:$0x2] =	stream.strided.gather @!p0 [hbm4b:s0+s6], $0x2000, s9, s6, $0x38;
	[tilespmem:$0x1EE80] =	vst v63  }
0x21c: {  	v11 =	vld [tilespmem:s3+$0x1EA02];
	_ =	sdelay $0x4  }
0x21d: {  	(v2sf) =	vpush v11, $0x0;
	_ =	sdelay $0xd  }
0x21e: {  	s0 =	sadd.s32 $0x2, s3  }
0x21f: {  	p1 =	sge.u32 s0, s8;
	s11 =	spop (v2sf)  }
0x220: {  	p0 =	slt.s32 @!p1 s11, $0x1  }
0x221: {  	p0 =	por p1, p0  }
0x222: {  	s6 =	simm.s32 @!p0 $0x3  }
0x223: {  	_ =	swait.ge @!p0 [sflag:s6], $0x2000  }
0x224: {  	[sflag:s6] =	ssyncset.done @!p0 $0x0  }
0x225: {  	[sflag:s6] =	ssyncadd.s32 @!p0 $0xFFFFE000  }
0x226: {  	v11 =	vld @!p0 [tilespmem:s0+$0x1EB80];
	_ =	sdelay $0x4  }
0x227: {  	(v2sf) =	vpush @!p0 v11, $0x0;
	_ =	sdelay $0xe  }
0x228: {  	s6 =	spop @!p0 (v2sf)  }
0x229: {  	s9 =	sadd.s32 @!p0 s11, s6  }
0x22a: {  	p2 =	sge.s32 @!p0 s6, s9  }
0x22b: {  	p2 =	por p0, p2  }
.Ltmp22:
0x22c: {  	_ = 	snop;
	(pc) =	sbr.rel @p2 .LBB2_31-.Ltmp22, $1  }
0x22d: {  	_ =	sdelay $0x3  }
0x22e: {  	s6 =	sshll.u32 s6, $0x2  }
0x22f: {  	s9 =	sshra.s32 s6, $0x2  }
0x230: {  	v11 =	vld [tilespmem:s9+$0x0];
	_ =	sdelay $0x4  }
0x231: {  	s6 =	sadd.s32 $0xC180, s9;
	(v2sf) =	vpush v11, $0x0  }
0x232: {  	v11 =	vld [tilespmem:s6+$0x0];
	_ =	sdelay $0x4  }
0x233: {  	(v2sf) =	vpush v11, $0x0;
	_ =	sdelay $0x8  }
0x234: {  	s0 =	sadd.s32 @!p0 s7, s0;
	s12 =	spop (v2sf)  }
0x235: {  	s10 =	sshll.u32 @!p0 s0, $0x7;
	s0 =	sadd.s32 $0xFFF0BE00, s12  }
0x236: {  	s14 =	ssub.s32 s12, s10;
	p0 =	sgt.s32 s0, $0x0  }
0x237: {  	p1 =	slt.s32 s14, $0x7F;
	s0 =	simm.s32 @!p0 $0x0  }
0x238: {  	s14 =	simm.s32 @!p1 $0x7F;
	s13 =	smin.u32 s0, $0x3F  }
0x239: {  	p0 =	slt.s32 s1, $0x20;
	v11 =	vadd.s32 s14, v1;
	s0 =	sadd.s32 $0x1, s1;
	s15 =	sshll.u32 s13, $0x7  }
0x23a: {  	s16 =	spop (v2sf);
	[smem:$0x0] =	sst s0;
	s13 =	simm.s32 @!p0 $0x7;
	v12 =	vor.u32 s15, v0  }
0x23b: {  	_ =	swait.ge @!p0 [sflag:s13], $0x40  }
0x23c: {  	[sflag:s13] =	ssyncset.done @!p0 $0x0  }
0x23d: {  	[sflag:s13] =	ssyncadd.s32 @!p0 $0xFFFFFFC0  }
0x23e: {  	v11 =	vld.idx.msk [tilespmem:v11+s23+$0x0], $0xffff  }
0x23f: {  	v12 =	vld.idx.msk [tilespmem:v12+s17+$0x0], $0xffff;
	_ =	sdelay $0x1  }
0x240: {  	v13 =	vadd.s32 s14, v5  }
0x241: {  	v14 =	vor.u32 s15, v6  }
0x242: {  	p1 =	slt.s32 s12, $0xF4200;
	s1 =	sshll.u32 s1, $0x6  }
0x243: {  	s13 =	sand.u32 $0x7C0, s1;
	v11 =	vpsel p1, v11, v12  }
0x244: {  	[tilespmem:s13+$0x1E200] =	vst v11  }
0x245: {  	v11 =	vld.idx.msk [tilespmem:v13+s23+$0x0], $0xffff  }
0x246: {  	v12 =	vld.idx.msk [tilespmem:v14+s17+$0x0], $0xffff;
	_ =	sdelay $0x1  }
0x247: {  	v13 =	vadd.s32 s14, v7  }
0x248: {  	v14 =	vor.u32 s15, v8;
	_ =	sdelay $0x1  }
0x249: {  	v11 =	vpsel p1, v11, v12  }
0x24a: {  	[tilespmem:s13+$0x1E210] =	vst v11  }
0x24b: {  	v11 =	vld.idx.msk [tilespmem:v13+s23+$0x0], $0xffff  }
0x24c: {  	v12 =	vld.idx.msk [tilespmem:v14+s17+$0x0], $0xffff;
	_ =	sdelay $0x1  }
0x24d: {  	v13 =	vadd.s32 s14, v9  }
0x24e: {  	v14 =	vor.u32 s15, v10;
	_ =	sdelay $0x1  }
0x24f: {  	s11 =	sadd.s32 $0xFFFFFFFF, s11;
	v11 =	vpsel p1, v11, v12  }
0x250: {  	p0 =	sne.s32 s11, $0x0;
	[tilespmem:s13+$0x1E220] =	vst v11  }
.Ltmp23:
0x251: {  	v11 =	vld.idx.msk [tilespmem:v13+s23+$0x0], $0xffff;
	(pc) =	sbr.rel @!p0 .LBB2_34-.Ltmp23, $4  }
0x252: {  	v12 =	vld.idx.msk [tilespmem:v14+s17+$0x0], $0xffff  }
0x253: {  	s16 =	sshll.u32 s16, $0x3  }
0x254: {  	s12 =	sand.u32 $0x1FFFFFF8, s16  }
0x255: {  	s15 =	sadd.s32 $0x1E200, s13;
	s14 =	sadd.s32 s4, s12;
	s12 =	sadd.s32 $0x1, s9  }
.LBB2_33:
0x256: {  	s11 =	sadd.s32 $0xFFFFFFFF, s11;
	s1 =	sadd.s32 $0x40, s1;
	s6 =	sadd.s32 $0x1, s6  }
0x257: {  	v11 =	vpsel p1, v11, v12;
	p0 =	sne.s32 s11, $0x0  }
0x258: {  	[tilespmem:s13+$0x1E230] =	vst v11  }
0x259: {  	[hbm4b:s14+s5] =	stream.linear.scatter [tilespmem:s15], [sflag:$0x7], $0x40, $0x38;
	[tilespmem:$0x1EE80] =	vst v63  }
0x25a: {  	v11 =	vld [tilespmem:s12+$0x0]  }
0x25b: {  	v12 =	vld [tilespmem:s6+$0x0];
	_ =	sdelay $0x3  }
0x25c: {  	(v2sf) =	vpush v11, $0x0  }
0x25d: {  	(v2sf) =	vpush v12, $0x0;
	_ =	sdelay $0xd  }
0x25e: {  	s9 =	spop (v2sf)  }
0x25f: {  	s15 =	ssub.s32 s9, s10;
	s13 =	sadd.s32 $0xFFF0BE00, s9;
	s14 =	spop (v2sf)  }
0x260: {  	p1 =	slt.s32 s15, $0x7F;
	p2 =	sgt.s32 s13, $0x0;
	s14 =	sshll.u32 s14, $0x3  }
0x261: {  	s15 =	simm.s32 @!p1 $0x7F;
	s13 =	simm.s32 @!p2 $0x0;
	s14 =	sand.u32 $0x1FFFFFF8, s14  }
0x262: {  	s13 =	smin.u32 s13, $0x3F;
	v11 =	vadd.s32 s15, v1  }
0x263: {  	p1 =	slt.s32 s0, $0x20;
	s0 =	sadd.s32 $0x1, s0;
	s16 =	sshll.u32 s13, $0x7  }
0x264: {  	s13 =	simm.s32 @!p1 $0x7;
	[smem:$0x0] =	sst s0;
	v12 =	vor.u32 s16, v0  }
0x265: {  	_ =	swait.ge @!p1 [sflag:s13], $0x40  }
0x266: {  	[sflag:s13] =	ssyncset.done @!p1 $0x0  }
0x267: {  	[sflag:s13] =	ssyncadd.s32 @!p1 $0xFFFFFFC0  }
0x268: {  	v11 =	vld.idx.msk [tilespmem:v11+s23+$0x0], $0xffff  }
0x269: {  	v12 =	vld.idx.msk [tilespmem:v12+s17+$0x0], $0xffff;
	_ =	sdelay $0x2  }
0x26a: {  	v13 =	vadd.s32 s15, v5;
	v14 =	vor.u32 s16, v6;
	_ =	sdelay $0x1  }
0x26b: {  	p1 =	slt.s32 s9, $0xF4200  }
0x26c: {  	s13 =	sand.u32 $0x7C0, s1;
	v11 =	vpsel p1, v11, v12  }
0x26d: {  	[tilespmem:s13+$0x1E200] =	vst v11  }
0x26e: {  	v11 =	vld.idx.msk [tilespmem:v13+s23+$0x0], $0xffff  }
0x26f: {  	v12 =	vld.idx.msk [tilespmem:v14+s17+$0x0], $0xffff;
	_ =	sdelay $0x2  }
0x270: {  	v13 =	vadd.s32 s15, v7;
	v14 =	vor.u32 s16, v8;
	_ =	sdelay $0x2  }
0x271: {  	v11 =	vpsel p1, v11, v12  }
0x272: {  	[tilespmem:s13+$0x1E210] =	vst v11  }
0x273: {  	v11 =	vld.idx.msk [tilespmem:v13+s23+$0x0], $0xffff  }
0x274: {  	v12 =	vld.idx.msk [tilespmem:v14+s17+$0x0], $0xffff;
	_ =	sdelay $0x2  }
0x275: {  	v13 =	vadd.s32 s15, v9;
	v14 =	vor.u32 s16, v10;
	_ =	sdelay $0x2  }
0x276: {  	v11 =	vpsel p1, v11, v12  }
0x277: {  	[tilespmem:s13+$0x1E220] =	vst v11  }
0x278: {  	v11 =	vld.idx.msk [tilespmem:v13+s23+$0x0], $0xffff  }
.Ltmp24:
0x279: {  	v12 =	vld.idx.msk [tilespmem:v14+s17+$0x0], $0xffff;
	(pc) =	sbr.rel @p0 .LBB2_33-.Ltmp24, $2  }
0x27a: {  	_ =	sdelay $0x2  }
0x27b: {  	s12 =	sadd.s32 $0x1, s12;
	s14 =	sadd.s32 s4, s14;
	s15 =	sadd.s32 $0x1E200, s13  }
.LBB2_34:
.Ltmp25:
0x27c: {  	(pc) =	sbr.rel .LBB2_35-.Ltmp25, $4  }
0x27d: {  	_ = 	snop  }
0x27e: {  	v11 =	vpsel p1, v11, v12  }
0x27f: {  	[tilespmem:s13+$0x1E230] =	vst v11  }
0x280: {  	[hbm4b:s14+s5] =	stream.linear.scatter [tilespmem:s15], [sflag:$0x7], $0x40, $0x38;
	[tilespmem:$0x1EE80] =	vst v63  }
.LBB2_31:
0x281: {  	s0 =	smov.u32 s1  }
0x282: {  	s0 =	smov.u32 @p1 s1  }
0x283: {  	s1 =	smov.u32 @p0 s0  }
0x284: {  	s0 =	smov.u32 s1  }
.LBB2_35:
0x285: {  	v11 =	vld [tilespmem:s3+$0x1EA08];
	_ =	sdelay $0x4  }
0x286: {  	(v2sf) =	vpush v11, $0x0;
	_ =	sdelay $0xd  }
0x287: {  	s1 =	sadd.s32 $0x8, s3  }
0x288: {  	p0 =	sge.u32 s1, s8;
	s6 =	spop (v2sf)  }
0x289: {  	p1 =	slt.s32 @!p0 s6, $0x1  }
0x28a: {  	p0 =	por p1, p0  }
0x28b: {  	s1 =	sadd.s32 @!p0 s7, s1  }
0x28c: {  	s1 =	sshll.u32 @!p0 s1, $0x7  }
0x28d: {  	s6 =	simm.s32 @!p0 $0x400;
	s1 =	sand.u32 @!p0 $0x1FFFFF80, s1  }
0x28e: {  	s9 =	simm.s32 @!p0 $0x7A1400;
	s10 =	simm.s32 @!p0 $0x14200;
	s1 =	sadd.s32 @!p0 s2, s1  }
0x28f: {  	[tilespmem:s10], [sflag:$0x3] =	stream.strided.gather @!p0 [hbm4b:s1+s6], $0x2000, s9, s6, $0x38;
	[tilespmem:$0x1EE80] =	vst v63  }
0x290: {  	v11 =	vld [tilespmem:s3+$0x1EA03];
	_ =	sdelay $0x4  }
0x291: {  	(v2sf) =	vpush v11, $0x0;
	_ =	sdelay $0xd  }
0x292: {  	s1 =	sadd.s32 $0x3, s3  }
0x293: {  	p1 =	sge.u32 s1, s8;
	s11 =	spop (v2sf)  }
0x294: {  	p0 =	slt.s32 @!p1 s11, $0x1  }
0x295: {  	p0 =	por p1, p0  }
0x296: {  	s6 =	simm.s32 @!p0 $0x4  }
0x297: {  	_ =	swait.ge @!p0 [sflag:s6], $0x2000  }
0x298: {  	[sflag:s6] =	ssyncset.done @!p0 $0x0  }
0x299: {  	[sflag:s6] =	ssyncadd.s32 @!p0 $0xFFFFE000  }
0x29a: {  	v11 =	vld @!p0 [tilespmem:s1+$0x1EB80];
	_ =	sdelay $0x4  }
0x29b: {  	(v2sf) =	vpush @!p0 v11, $0x0;
	_ =	sdelay $0xe  }
0x29c: {  	s6 =	spop @!p0 (v2sf)  }
0x29d: {  	s9 =	sadd.s32 @!p0 s11, s6  }
0x29e: {  	p2 =	sge.s32 @!p0 s6, s9  }
0x29f: {  	p2 =	por p0, p2  }
.Ltmp26:
0x2a0: {  	_ = 	snop;
	(pc) =	sbr.rel @p2 .LBB2_36-.Ltmp26, $1  }
0x2a1: {  	_ =	sdelay $0x3  }
0x2a2: {  	s6 =	sshll.u32 s6, $0x2  }
0x2a3: {  	s9 =	sshra.s32 s6, $0x2  }
0x2a4: {  	v11 =	vld [tilespmem:s9+$0x0];
	_ =	sdelay $0x4  }
0x2a5: {  	s6 =	sadd.s32 $0xC180, s9;
	(v2sf) =	vpush v11, $0x0  }
0x2a6: {  	v11 =	vld [tilespmem:s6+$0x0];
	_ =	sdelay $0x4  }
0x2a7: {  	(v2sf) =	vpush v11, $0x0;
	_ =	sdelay $0x8  }
0x2a8: {  	s1 =	sadd.s32 @!p0 s7, s1;
	s12 =	spop (v2sf)  }
0x2a9: {  	s10 =	sshll.u32 @!p0 s1, $0x7;
	s1 =	sadd.s32 $0xFFF0BE00, s12  }
0x2aa: {  	s14 =	ssub.s32 s12, s10;
	p0 =	sgt.s32 s1, $0x0  }
0x2ab: {  	p1 =	slt.s32 s14, $0x7F;
	s1 =	simm.s32 @!p0 $0x0  }
0x2ac: {  	s14 =	simm.s32 @!p1 $0x7F;
	s13 =	smin.u32 s1, $0x3F  }
0x2ad: {  	p0 =	slt.s32 s0, $0x20;
	v11 =	vadd.s32 s14, v1;
	s1 =	sadd.s32 $0x1, s0;
	s15 =	sshll.u32 s13, $0x7  }
0x2ae: {  	s16 =	spop (v2sf);
	[smem:$0x0] =	sst s1;
	s13 =	simm.s32 @!p0 $0x7;
	v12 =	vor.u32 s15, v0  }
0x2af: {  	_ =	swait.ge @!p0 [sflag:s13], $0x40  }
0x2b0: {  	[sflag:s13] =	ssyncset.done @!p0 $0x0  }
0x2b1: {  	[sflag:s13] =	ssyncadd.s32 @!p0 $0xFFFFFFC0  }
0x2b2: {  	v11 =	vld.idx.msk [tilespmem:v11+s24+$0x0], $0xffff  }
0x2b3: {  	v12 =	vld.idx.msk [tilespmem:v12+s17+$0x0], $0xffff;
	_ =	sdelay $0x1  }
0x2b4: {  	v13 =	vadd.s32 s14, v5  }
0x2b5: {  	v14 =	vor.u32 s15, v6  }
0x2b6: {  	p1 =	slt.s32 s12, $0xF4200;
	s0 =	sshll.u32 s0, $0x6  }
0x2b7: {  	s13 =	sand.u32 $0x7C0, s0;
	v11 =	vpsel p1, v11, v12  }
0x2b8: {  	[tilespmem:s13+$0x1E200] =	vst v11  }
0x2b9: {  	v11 =	vld.idx.msk [tilespmem:v13+s24+$0x0], $0xffff  }
0x2ba: {  	v12 =	vld.idx.msk [tilespmem:v14+s17+$0x0], $0xffff;
	_ =	sdelay $0x1  }
0x2bb: {  	v13 =	vadd.s32 s14, v7  }
0x2bc: {  	v14 =	vor.u32 s15, v8;
	_ =	sdelay $0x1  }
0x2bd: {  	v11 =	vpsel p1, v11, v12  }
0x2be: {  	[tilespmem:s13+$0x1E210] =	vst v11  }
0x2bf: {  	v11 =	vld.idx.msk [tilespmem:v13+s24+$0x0], $0xffff  }
0x2c0: {  	v12 =	vld.idx.msk [tilespmem:v14+s17+$0x0], $0xffff;
	_ =	sdelay $0x1  }
0x2c1: {  	v13 =	vadd.s32 s14, v9  }
0x2c2: {  	v14 =	vor.u32 s15, v10;
	_ =	sdelay $0x1  }
0x2c3: {  	s11 =	sadd.s32 $0xFFFFFFFF, s11;
	v11 =	vpsel p1, v11, v12  }
0x2c4: {  	p0 =	sne.s32 s11, $0x0;
	[tilespmem:s13+$0x1E220] =	vst v11  }
.Ltmp27:
0x2c5: {  	v11 =	vld.idx.msk [tilespmem:v13+s24+$0x0], $0xffff;
	(pc) =	sbr.rel @!p0 .LBB2_39-.Ltmp27, $4  }
0x2c6: {  	v12 =	vld.idx.msk [tilespmem:v14+s17+$0x0], $0xffff  }
0x2c7: {  	s16 =	sshll.u32 s16, $0x3  }
0x2c8: {  	s12 =	sand.u32 $0x1FFFFFF8, s16  }
0x2c9: {  	s15 =	sadd.s32 $0x1E200, s13;
	s14 =	sadd.s32 s4, s12;
	s12 =	sadd.s32 $0x1, s9  }
.LBB2_38:
0x2ca: {  	s11 =	sadd.s32 $0xFFFFFFFF, s11;
	s0 =	sadd.s32 $0x40, s0;
	s6 =	sadd.s32 $0x1, s6  }
0x2cb: {  	v11 =	vpsel p1, v11, v12;
	p0 =	sne.s32 s11, $0x0  }
0x2cc: {  	[tilespmem:s13+$0x1E230] =	vst v11  }
0x2cd: {  	[hbm4b:s14+s5] =	stream.linear.scatter [tilespmem:s15], [sflag:$0x7], $0x40, $0x38;
	[tilespmem:$0x1EE80] =	vst v63  }
0x2ce: {  	v11 =	vld [tilespmem:s12+$0x0]  }
0x2cf: {  	v12 =	vld [tilespmem:s6+$0x0];
	_ =	sdelay $0x3  }
0x2d0: {  	(v2sf) =	vpush v11, $0x0  }
0x2d1: {  	(v2sf) =	vpush v12, $0x0;
	_ =	sdelay $0xd  }
0x2d2: {  	s9 =	spop (v2sf)  }
0x2d3: {  	s15 =	ssub.s32 s9, s10;
	s13 =	sadd.s32 $0xFFF0BE00, s9;
	s14 =	spop (v2sf)  }
0x2d4: {  	p1 =	slt.s32 s15, $0x7F;
	p2 =	sgt.s32 s13, $0x0;
	s14 =	sshll.u32 s14, $0x3  }
0x2d5: {  	s15 =	simm.s32 @!p1 $0x7F;
	s13 =	simm.s32 @!p2 $0x0;
	s14 =	sand.u32 $0x1FFFFFF8, s14  }
0x2d6: {  	s13 =	smin.u32 s13, $0x3F;
	v11 =	vadd.s32 s15, v1  }
0x2d7: {  	p1 =	slt.s32 s1, $0x20;
	s1 =	sadd.s32 $0x1, s1;
	s16 =	sshll.u32 s13, $0x7  }
0x2d8: {  	s13 =	simm.s32 @!p1 $0x7;
	[smem:$0x0] =	sst s1;
	v12 =	vor.u32 s16, v0  }
0x2d9: {  	_ =	swait.ge @!p1 [sflag:s13], $0x40  }
0x2da: {  	[sflag:s13] =	ssyncset.done @!p1 $0x0  }
0x2db: {  	[sflag:s13] =	ssyncadd.s32 @!p1 $0xFFFFFFC0  }
0x2dc: {  	v11 =	vld.idx.msk [tilespmem:v11+s24+$0x0], $0xffff  }
0x2dd: {  	v12 =	vld.idx.msk [tilespmem:v12+s17+$0x0], $0xffff;
	_ =	sdelay $0x2  }
0x2de: {  	v13 =	vadd.s32 s15, v5;
	v14 =	vor.u32 s16, v6;
	_ =	sdelay $0x1  }
0x2df: {  	p1 =	slt.s32 s9, $0xF4200  }
0x2e0: {  	s13 =	sand.u32 $0x7C0, s0;
	v11 =	vpsel p1, v11, v12  }
0x2e1: {  	[tilespmem:s13+$0x1E200] =	vst v11  }
0x2e2: {  	v11 =	vld.idx.msk [tilespmem:v13+s24+$0x0], $0xffff  }
0x2e3: {  	v12 =	vld.idx.msk [tilespmem:v14+s17+$0x0], $0xffff;
	_ =	sdelay $0x2  }
0x2e4: {  	v13 =	vadd.s32 s15, v7;
	v14 =	vor.u32 s16, v8;
	_ =	sdelay $0x2  }
0x2e5: {  	v11 =	vpsel p1, v11, v12  }
0x2e6: {  	[tilespmem:s13+$0x1E210] =	vst v11  }
0x2e7: {  	v11 =	vld.idx.msk [tilespmem:v13+s24+$0x0], $0xffff  }
0x2e8: {  	v12 =	vld.idx.msk [tilespmem:v14+s17+$0x0], $0xffff;
	_ =	sdelay $0x2  }
0x2e9: {  	v13 =	vadd.s32 s15, v9;
	v14 =	vor.u32 s16, v10;
	_ =	sdelay $0x2  }
0x2ea: {  	v11 =	vpsel p1, v11, v12  }
0x2eb: {  	[tilespmem:s13+$0x1E220] =	vst v11  }
0x2ec: {  	v11 =	vld.idx.msk [tilespmem:v13+s24+$0x0], $0xffff  }
.Ltmp28:
0x2ed: {  	v12 =	vld.idx.msk [tilespmem:v14+s17+$0x0], $0xffff;
	(pc) =	sbr.rel @p0 .LBB2_38-.Ltmp28, $2  }
0x2ee: {  	_ =	sdelay $0x2  }
0x2ef: {  	s12 =	sadd.s32 $0x1, s12;
	s14 =	sadd.s32 s4, s14;
	s15 =	sadd.s32 $0x1E200, s13  }
.LBB2_39:
.Ltmp29:
0x2f0: {  	(pc) =	sbr.rel .LBB2_40-.Ltmp29, $4  }
0x2f1: {  	_ = 	snop  }
0x2f2: {  	v11 =	vpsel p1, v11, v12  }
0x2f3: {  	[tilespmem:s13+$0x1E230] =	vst v11  }
0x2f4: {  	[hbm4b:s14+s5] =	stream.linear.scatter [tilespmem:s15], [sflag:$0x7], $0x40, $0x38;
	[tilespmem:$0x1EE80] =	vst v63  }
.LBB2_36:
0x2f5: {  	s1 =	smov.u32 s0  }
0x2f6: {  	s1 =	smov.u32 @p1 s0  }
0x2f7: {  	s0 =	smov.u32 @p0 s1  }
0x2f8: {  	s1 =	smov.u32 s0  }
.LBB2_40:
0x2f9: {  	v11 =	vld [tilespmem:s3+$0x1EA09];
	_ =	sdelay $0x4  }
0x2fa: {  	(v2sf) =	vpush v11, $0x0;
	_ =	sdelay $0xd  }
0x2fb: {  	s0 =	sadd.s32 $0x9, s3  }
0x2fc: {  	p0 =	sge.u32 s0, s8;
	s6 =	spop (v2sf)  }
0x2fd: {  	p1 =	slt.s32 @!p0 s6, $0x1  }
0x2fe: {  	p0 =	por p1, p0  }
0x2ff: {  	s0 =	sadd.s32 @!p0 s7, s0  }
0x300: {  	s0 =	sshll.u32 @!p0 s0, $0x7  }
0x301: {  	s6 =	simm.s32 @!p0 $0x400;
	s0 =	sand.u32 @!p0 $0x1FFFFF80, s0  }
0x302: {  	s9 =	simm.s32 @!p0 $0x7A1400;
	s10 =	simm.s32 @!p0 $0x16200;
	s0 =	sadd.s32 @!p0 s2, s0  }
0x303: {  	[tilespmem:s10], [sflag:$0x4] =	stream.strided.gather @!p0 [hbm4b:s0+s6], $0x2000, s9, s6, $0x38;
	[tilespmem:$0x1EE80] =	vst v63  }
0x304: {  	v11 =	vld [tilespmem:s3+$0x1EA04];
	_ =	sdelay $0x4  }
0x305: {  	(v2sf) =	vpush v11, $0x0;
	_ =	sdelay $0xd  }
0x306: {  	s0 =	sadd.s32 $0x4, s3  }
0x307: {  	p1 =	sge.u32 s0, s8;
	s11 =	spop (v2sf)  }
0x308: {  	p0 =	slt.s32 @!p1 s11, $0x1  }
0x309: {  	p0 =	por p1, p0  }
0x30a: {  	s6 =	simm.s32 @!p0 $0x5  }
0x30b: {  	_ =	swait.ge @!p0 [sflag:s6], $0x2000  }
0x30c: {  	[sflag:s6] =	ssyncset.done @!p0 $0x0  }
0x30d: {  	[sflag:s6] =	ssyncadd.s32 @!p0 $0xFFFFE000  }
0x30e: {  	v11 =	vld @!p0 [tilespmem:s0+$0x1EB80];
	_ =	sdelay $0x4  }
0x30f: {  	(v2sf) =	vpush @!p0 v11, $0x0;
	_ =	sdelay $0xe  }
0x310: {  	s6 =	spop @!p0 (v2sf)  }
0x311: {  	s9 =	sadd.s32 @!p0 s11, s6  }
0x312: {  	p2 =	sge.s32 @!p0 s6, s9  }
0x313: {  	p2 =	por p0, p2  }
.Ltmp30:
0x314: {  	_ = 	snop;
	(pc) =	sbr.rel @p2 .LBB2_41-.Ltmp30, $1  }
0x315: {  	_ =	sdelay $0x3  }
0x316: {  	s6 =	sshll.u32 s6, $0x2  }
0x317: {  	s9 =	sshra.s32 s6, $0x2  }
0x318: {  	v11 =	vld [tilespmem:s9+$0x0];
	_ =	sdelay $0x4  }
0x319: {  	s6 =	sadd.s32 $0xC180, s9;
	(v2sf) =	vpush v11, $0x0  }
0x31a: {  	v11 =	vld [tilespmem:s6+$0x0];
	_ =	sdelay $0x4  }
0x31b: {  	(v2sf) =	vpush v11, $0x0;
	_ =	sdelay $0x8  }
0x31c: {  	s0 =	sadd.s32 @!p0 s7, s0;
	s12 =	spop (v2sf)  }
0x31d: {  	s10 =	sshll.u32 @!p0 s0, $0x7;
	s0 =	sadd.s32 $0xFFF0BE00, s12  }
0x31e: {  	s14 =	ssub.s32 s12, s10;
	p0 =	sgt.s32 s0, $0x0  }
0x31f: {  	p1 =	slt.s32 s14, $0x7F;
	s0 =	simm.s32 @!p0 $0x0  }
0x320: {  	s14 =	simm.s32 @!p1 $0x7F;
	s13 =	smin.u32 s0, $0x3F  }
0x321: {  	p0 =	slt.s32 s1, $0x20;
	v11 =	vadd.s32 s14, v1;
	s0 =	sadd.s32 $0x1, s1;
	s15 =	sshll.u32 s13, $0x7  }
0x322: {  	s16 =	spop (v2sf);
	[smem:$0x0] =	sst s0;
	s13 =	simm.s32 @!p0 $0x7;
	v12 =	vor.u32 s15, v0  }
0x323: {  	_ =	swait.ge @!p0 [sflag:s13], $0x40  }
0x324: {  	[sflag:s13] =	ssyncset.done @!p0 $0x0  }
0x325: {  	[sflag:s13] =	ssyncadd.s32 @!p0 $0xFFFFFFC0  }
0x326: {  	v11 =	vld.idx.msk [tilespmem:v11+s25+$0x0], $0xffff  }
0x327: {  	v12 =	vld.idx.msk [tilespmem:v12+s17+$0x0], $0xffff;
	_ =	sdelay $0x1  }
0x328: {  	v13 =	vadd.s32 s14, v5  }
0x329: {  	v14 =	vor.u32 s15, v6  }
0x32a: {  	p1 =	slt.s32 s12, $0xF4200;
	s1 =	sshll.u32 s1, $0x6  }
0x32b: {  	s13 =	sand.u32 $0x7C0, s1;
	v11 =	vpsel p1, v11, v12  }
0x32c: {  	[tilespmem:s13+$0x1E200] =	vst v11  }
0x32d: {  	v11 =	vld.idx.msk [tilespmem:v13+s25+$0x0], $0xffff  }
0x32e: {  	v12 =	vld.idx.msk [tilespmem:v14+s17+$0x0], $0xffff;
	_ =	sdelay $0x1  }
0x32f: {  	v13 =	vadd.s32 s14, v7  }
0x330: {  	v14 =	vor.u32 s15, v8;
	_ =	sdelay $0x1  }
0x331: {  	v11 =	vpsel p1, v11, v12  }
0x332: {  	[tilespmem:s13+$0x1E210] =	vst v11  }
0x333: {  	v11 =	vld.idx.msk [tilespmem:v13+s25+$0x0], $0xffff  }
0x334: {  	v12 =	vld.idx.msk [tilespmem:v14+s17+$0x0], $0xffff;
	_ =	sdelay $0x1  }
0x335: {  	v13 =	vadd.s32 s14, v9  }
0x336: {  	v14 =	vor.u32 s15, v10;
	_ =	sdelay $0x1  }
0x337: {  	s11 =	sadd.s32 $0xFFFFFFFF, s11;
	v11 =	vpsel p1, v11, v12  }
0x338: {  	p0 =	sne.s32 s11, $0x0;
	[tilespmem:s13+$0x1E220] =	vst v11  }
.Ltmp31:
0x339: {  	v11 =	vld.idx.msk [tilespmem:v13+s25+$0x0], $0xffff;
	(pc) =	sbr.rel @!p0 .LBB2_44-.Ltmp31, $4  }
0x33a: {  	v12 =	vld.idx.msk [tilespmem:v14+s17+$0x0], $0xffff  }
0x33b: {  	s16 =	sshll.u32 s16, $0x3  }
0x33c: {  	s12 =	sand.u32 $0x1FFFFFF8, s16  }
0x33d: {  	s15 =	sadd.s32 $0x1E200, s13;
	s14 =	sadd.s32 s4, s12;
	s12 =	sadd.s32 $0x1, s9  }
.LBB2_43:
0x33e: {  	s11 =	sadd.s32 $0xFFFFFFFF, s11;
	s1 =	sadd.s32 $0x40, s1;
	s6 =	sadd.s32 $0x1, s6  }
0x33f: {  	v11 =	vpsel p1, v11, v12;
	p0 =	sne.s32 s11, $0x0  }
0x340: {  	[tilespmem:s13+$0x1E230] =	vst v11  }
0x341: {  	[hbm4b:s14+s5] =	stream.linear.scatter [tilespmem:s15], [sflag:$0x7], $0x40, $0x38;
	[tilespmem:$0x1EE80] =	vst v63  }
0x342: {  	v11 =	vld [tilespmem:s12+$0x0]  }
0x343: {  	v12 =	vld [tilespmem:s6+$0x0];
	_ =	sdelay $0x3  }
0x344: {  	(v2sf) =	vpush v11, $0x0  }
0x345: {  	(v2sf) =	vpush v12, $0x0;
	_ =	sdelay $0xd  }
0x346: {  	s9 =	spop (v2sf)  }
0x347: {  	s15 =	ssub.s32 s9, s10;
	s13 =	sadd.s32 $0xFFF0BE00, s9;
	s14 =	spop (v2sf)  }
0x348: {  	p1 =	slt.s32 s15, $0x7F;
	p2 =	sgt.s32 s13, $0x0;
	s14 =	sshll.u32 s14, $0x3  }
0x349: {  	s15 =	simm.s32 @!p1 $0x7F;
	s13 =	simm.s32 @!p2 $0x0;
	s14 =	sand.u32 $0x1FFFFFF8, s14  }
0x34a: {  	s13 =	smin.u32 s13, $0x3F;
	v11 =	vadd.s32 s15, v1  }
0x34b: {  	p1 =	slt.s32 s0, $0x20;
	s0 =	sadd.s32 $0x1, s0;
	s16 =	sshll.u32 s13, $0x7  }
0x34c: {  	s13 =	simm.s32 @!p1 $0x7;
	[smem:$0x0] =	sst s0;
	v12 =	vor.u32 s16, v0  }
0x34d: {  	_ =	swait.ge @!p1 [sflag:s13], $0x40  }
0x34e: {  	[sflag:s13] =	ssyncset.done @!p1 $0x0  }
0x34f: {  	[sflag:s13] =	ssyncadd.s32 @!p1 $0xFFFFFFC0  }
0x350: {  	v11 =	vld.idx.msk [tilespmem:v11+s25+$0x0], $0xffff  }
0x351: {  	v12 =	vld.idx.msk [tilespmem:v12+s17+$0x0], $0xffff;
	_ =	sdelay $0x2  }
0x352: {  	v13 =	vadd.s32 s15, v5;
	v14 =	vor.u32 s16, v6;
	_ =	sdelay $0x1  }
0x353: {  	p1 =	slt.s32 s9, $0xF4200  }
0x354: {  	s13 =	sand.u32 $0x7C0, s1;
	v11 =	vpsel p1, v11, v12  }
0x355: {  	[tilespmem:s13+$0x1E200] =	vst v11  }
0x356: {  	v11 =	vld.idx.msk [tilespmem:v13+s25+$0x0], $0xffff  }
0x357: {  	v12 =	vld.idx.msk [tilespmem:v14+s17+$0x0], $0xffff;
	_ =	sdelay $0x2  }
0x358: {  	v13 =	vadd.s32 s15, v7;
	v14 =	vor.u32 s16, v8;
	_ =	sdelay $0x2  }
0x359: {  	v11 =	vpsel p1, v11, v12  }
0x35a: {  	[tilespmem:s13+$0x1E210] =	vst v11  }
0x35b: {  	v11 =	vld.idx.msk [tilespmem:v13+s25+$0x0], $0xffff  }
0x35c: {  	v12 =	vld.idx.msk [tilespmem:v14+s17+$0x0], $0xffff;
	_ =	sdelay $0x2  }
0x35d: {  	v13 =	vadd.s32 s15, v9;
	v14 =	vor.u32 s16, v10;
	_ =	sdelay $0x2  }
0x35e: {  	v11 =	vpsel p1, v11, v12  }
0x35f: {  	[tilespmem:s13+$0x1E220] =	vst v11  }
0x360: {  	v11 =	vld.idx.msk [tilespmem:v13+s25+$0x0], $0xffff  }
.Ltmp32:
0x361: {  	v12 =	vld.idx.msk [tilespmem:v14+s17+$0x0], $0xffff;
	(pc) =	sbr.rel @p0 .LBB2_43-.Ltmp32, $2  }
0x362: {  	_ =	sdelay $0x2  }
0x363: {  	s12 =	sadd.s32 $0x1, s12;
	s14 =	sadd.s32 s4, s14;
	s15 =	sadd.s32 $0x1E200, s13  }
.LBB2_44:
.Ltmp33:
0x364: {  	(pc) =	sbr.rel .LBB2_45-.Ltmp33, $4  }
0x365: {  	_ = 	snop  }
0x366: {  	v11 =	vpsel p1, v11, v12  }
0x367: {  	[tilespmem:s13+$0x1E230] =	vst v11  }
0x368: {  	[hbm4b:s14+s5] =	stream.linear.scatter [tilespmem:s15], [sflag:$0x7], $0x40, $0x38;
	[tilespmem:$0x1EE80] =	vst v63  }
.LBB2_41:
0x369: {  	s0 =	smov.u32 s1  }
0x36a: {  	s0 =	smov.u32 @p1 s1  }
0x36b: {  	s1 =	smov.u32 @p0 s0  }
0x36c: {  	s0 =	smov.u32 s1  }
.LBB2_45:
0x36d: {  	v11 =	vld [tilespmem:s3+$0x1EA0A];
	_ =	sdelay $0x4  }
0x36e: {  	(v2sf) =	vpush v11, $0x0;
	_ =	sdelay $0xd  }
0x36f: {  	s1 =	sadd.s32 $0xA, s3  }
0x370: {  	p0 =	sge.u32 s1, s8;
	s6 =	spop (v2sf)  }
0x371: {  	p1 =	slt.s32 @!p0 s6, $0x1  }
0x372: {  	p0 =	por p1, p0  }
0x373: {  	s1 =	sadd.s32 @!p0 s7, s1  }
0x374: {  	s1 =	sshll.u32 @!p0 s1, $0x7  }
0x375: {  	s6 =	simm.s32 @!p0 $0x400;
	s1 =	sand.u32 @!p0 $0x1FFFFF80, s1  }
0x376: {  	s9 =	simm.s32 @!p0 $0x7A1400;
	s10 =	simm.s32 @!p0 $0x18200;
	s1 =	sadd.s32 @!p0 s2, s1  }
0x377: {  	[tilespmem:s10], [sflag:$0x5] =	stream.strided.gather @!p0 [hbm4b:s1+s6], $0x2000, s9, s6, $0x38;
	[tilespmem:$0x1EE80] =	vst v63  }
0x378: {  	v11 =	vld [tilespmem:s3+$0x1EA05];
	_ =	sdelay $0x4  }
0x379: {  	(v2sf) =	vpush v11, $0x0;
	_ =	sdelay $0xd  }
0x37a: {  	s1 =	sadd.s32 $0x5, s3  }
0x37b: {  	p1 =	sge.u32 s1, s8;
	s11 =	spop (v2sf)  }
0x37c: {  	p0 =	slt.s32 @!p1 s11, $0x1  }
0x37d: {  	p0 =	por p1, p0  }
0x37e: {  	s6 =	simm.s32 @!p0 $0x6  }
0x37f: {  	_ =	swait.ge @!p0 [sflag:s6], $0x2000  }
0x380: {  	[sflag:s6] =	ssyncset.done @!p0 $0x0  }
0x381: {  	[sflag:s6] =	ssyncadd.s32 @!p0 $0xFFFFE000  }
0x382: {  	v11 =	vld @!p0 [tilespmem:s1+$0x1EB80];
	_ =	sdelay $0x4  }
0x383: {  	(v2sf) =	vpush @!p0 v11, $0x0;
	_ =	sdelay $0xe  }
0x384: {  	s6 =	spop @!p0 (v2sf)  }
0x385: {  	s9 =	sadd.s32 @!p0 s11, s6  }
0x386: {  	p2 =	sge.s32 @!p0 s6, s9  }
0x387: {  	p2 =	por p0, p2  }
.Ltmp34:
0x388: {  	_ = 	snop;
	(pc) =	sbr.rel @p2 .LBB2_46-.Ltmp34, $1  }
0x389: {  	_ =	sdelay $0x3  }
0x38a: {  	s6 =	sshll.u32 s6, $0x2  }
0x38b: {  	s9 =	sshra.s32 s6, $0x2  }
0x38c: {  	v11 =	vld [tilespmem:s9+$0x0];
	_ =	sdelay $0x4  }
0x38d: {  	s6 =	sadd.s32 $0xC180, s9;
	(v2sf) =	vpush v11, $0x0  }
0x38e: {  	v11 =	vld [tilespmem:s6+$0x0];
	_ =	sdelay $0x4  }
0x38f: {  	(v2sf) =	vpush v11, $0x0;
	_ =	sdelay $0x8  }
0x390: {  	s1 =	sadd.s32 @!p0 s7, s1;
	s12 =	spop (v2sf)  }
0x391: {  	s10 =	sshll.u32 @!p0 s1, $0x7;
	s1 =	sadd.s32 $0xFFF0BE00, s12  }
0x392: {  	s14 =	ssub.s32 s12, s10;
	p0 =	sgt.s32 s1, $0x0  }
0x393: {  	p1 =	slt.s32 s14, $0x7F;
	s1 =	simm.s32 @!p0 $0x0  }
0x394: {  	s14 =	simm.s32 @!p1 $0x7F;
	s13 =	smin.u32 s1, $0x3F  }
0x395: {  	p0 =	slt.s32 s0, $0x20;
	v11 =	vadd.s32 s14, v1;
	s1 =	sadd.s32 $0x1, s0;
	s15 =	sshll.u32 s13, $0x7  }
0x396: {  	s16 =	spop (v2sf);
	[smem:$0x0] =	sst s1;
	s13 =	simm.s32 @!p0 $0x7;
	v12 =	vor.u32 s15, v0  }
0x397: {  	_ =	swait.ge @!p0 [sflag:s13], $0x40  }
0x398: {  	[sflag:s13] =	ssyncset.done @!p0 $0x0  }
0x399: {  	[sflag:s13] =	ssyncadd.s32 @!p0 $0xFFFFFFC0  }
0x39a: {  	v11 =	vld.idx.msk [tilespmem:v11+s26+$0x0], $0xffff  }
0x39b: {  	v12 =	vld.idx.msk [tilespmem:v12+s17+$0x0], $0xffff;
	_ =	sdelay $0x1  }
0x39c: {  	v13 =	vadd.s32 s14, v5  }
0x39d: {  	v14 =	vor.u32 s15, v6  }
0x39e: {  	p1 =	slt.s32 s12, $0xF4200;
	s0 =	sshll.u32 s0, $0x6  }
0x39f: {  	s13 =	sand.u32 $0x7C0, s0;
	v11 =	vpsel p1, v11, v12  }
0x3a0: {  	[tilespmem:s13+$0x1E200] =	vst v11  }
0x3a1: {  	v11 =	vld.idx.msk [tilespmem:v13+s26+$0x0], $0xffff  }
0x3a2: {  	v12 =	vld.idx.msk [tilespmem:v14+s17+$0x0], $0xffff;
	_ =	sdelay $0x1  }
0x3a3: {  	v13 =	vadd.s32 s14, v7  }
0x3a4: {  	v14 =	vor.u32 s15, v8;
	_ =	sdelay $0x1  }
0x3a5: {  	v11 =	vpsel p1, v11, v12  }
0x3a6: {  	[tilespmem:s13+$0x1E210] =	vst v11  }
0x3a7: {  	v11 =	vld.idx.msk [tilespmem:v13+s26+$0x0], $0xffff  }
0x3a8: {  	v12 =	vld.idx.msk [tilespmem:v14+s17+$0x0], $0xffff;
	_ =	sdelay $0x1  }
0x3a9: {  	v13 =	vadd.s32 s14, v9  }
0x3aa: {  	v14 =	vor.u32 s15, v10;
	_ =	sdelay $0x1  }
0x3ab: {  	s11 =	sadd.s32 $0xFFFFFFFF, s11;
	v11 =	vpsel p1, v11, v12  }
0x3ac: {  	p0 =	sne.s32 s11, $0x0;
	[tilespmem:s13+$0x1E220] =	vst v11  }
.Ltmp35:
0x3ad: {  	v11 =	vld.idx.msk [tilespmem:v13+s26+$0x0], $0xffff;
	(pc) =	sbr.rel @!p0 .LBB2_49-.Ltmp35, $4  }
0x3ae: {  	v12 =	vld.idx.msk [tilespmem:v14+s17+$0x0], $0xffff  }
0x3af: {  	s16 =	sshll.u32 s16, $0x3  }
0x3b0: {  	s12 =	sand.u32 $0x1FFFFFF8, s16  }
0x3b1: {  	s15 =	sadd.s32 $0x1E200, s13;
	s14 =	sadd.s32 s4, s12;
	s12 =	sadd.s32 $0x1, s9  }
.LBB2_48:
0x3b2: {  	s11 =	sadd.s32 $0xFFFFFFFF, s11;
	s0 =	sadd.s32 $0x40, s0;
	s6 =	sadd.s32 $0x1, s6  }
0x3b3: {  	v11 =	vpsel p1, v11, v12;
	p0 =	sne.s32 s11, $0x0  }
0x3b4: {  	[tilespmem:s13+$0x1E230] =	vst v11  }
0x3b5: {  	[hbm4b:s14+s5] =	stream.linear.scatter [tilespmem:s15], [sflag:$0x7], $0x40, $0x38;
	[tilespmem:$0x1EE80] =	vst v63  }
0x3b6: {  	v11 =	vld [tilespmem:s12+$0x0]  }
0x3b7: {  	v12 =	vld [tilespmem:s6+$0x0];
	_ =	sdelay $0x3  }
0x3b8: {  	(v2sf) =	vpush v11, $0x0  }
0x3b9: {  	(v2sf) =	vpush v12, $0x0;
	_ =	sdelay $0xd  }
0x3ba: {  	s9 =	spop (v2sf)  }
0x3bb: {  	s15 =	ssub.s32 s9, s10;
	s13 =	sadd.s32 $0xFFF0BE00, s9;
	s14 =	spop (v2sf)  }
0x3bc: {  	p1 =	slt.s32 s15, $0x7F;
	p2 =	sgt.s32 s13, $0x0;
	s14 =	sshll.u32 s14, $0x3  }
0x3bd: {  	s15 =	simm.s32 @!p1 $0x7F;
	s13 =	simm.s32 @!p2 $0x0;
	s14 =	sand.u32 $0x1FFFFFF8, s14  }
0x3be: {  	s13 =	smin.u32 s13, $0x3F;
	v11 =	vadd.s32 s15, v1  }
0x3bf: {  	p1 =	slt.s32 s1, $0x20;
	s1 =	sadd.s32 $0x1, s1;
	s16 =	sshll.u32 s13, $0x7  }
0x3c0: {  	s13 =	simm.s32 @!p1 $0x7;
	[smem:$0x0] =	sst s1;
	v12 =	vor.u32 s16, v0  }
0x3c1: {  	_ =	swait.ge @!p1 [sflag:s13], $0x40  }
0x3c2: {  	[sflag:s13] =	ssyncset.done @!p1 $0x0  }
0x3c3: {  	[sflag:s13] =	ssyncadd.s32 @!p1 $0xFFFFFFC0  }
0x3c4: {  	v11 =	vld.idx.msk [tilespmem:v11+s26+$0x0], $0xffff  }
0x3c5: {  	v12 =	vld.idx.msk [tilespmem:v12+s17+$0x0], $0xffff;
	_ =	sdelay $0x2  }
0x3c6: {  	v13 =	vadd.s32 s15, v5;
	v14 =	vor.u32 s16, v6;
	_ =	sdelay $0x1  }
0x3c7: {  	p1 =	slt.s32 s9, $0xF4200  }
0x3c8: {  	s13 =	sand.u32 $0x7C0, s0;
	v11 =	vpsel p1, v11, v12  }
0x3c9: {  	[tilespmem:s13+$0x1E200] =	vst v11  }
0x3ca: {  	v11 =	vld.idx.msk [tilespmem:v13+s26+$0x0], $0xffff  }
0x3cb: {  	v12 =	vld.idx.msk [tilespmem:v14+s17+$0x0], $0xffff;
	_ =	sdelay $0x2  }
0x3cc: {  	v13 =	vadd.s32 s15, v7;
	v14 =	vor.u32 s16, v8;
	_ =	sdelay $0x2  }
0x3cd: {  	v11 =	vpsel p1, v11, v12  }
0x3ce: {  	[tilespmem:s13+$0x1E210] =	vst v11  }
0x3cf: {  	v11 =	vld.idx.msk [tilespmem:v13+s26+$0x0], $0xffff  }
0x3d0: {  	v12 =	vld.idx.msk [tilespmem:v14+s17+$0x0], $0xffff;
	_ =	sdelay $0x2  }
0x3d1: {  	v13 =	vadd.s32 s15, v9;
	v14 =	vor.u32 s16, v10;
	_ =	sdelay $0x2  }
0x3d2: {  	v11 =	vpsel p1, v11, v12  }
0x3d3: {  	[tilespmem:s13+$0x1E220] =	vst v11  }
0x3d4: {  	v11 =	vld.idx.msk [tilespmem:v13+s26+$0x0], $0xffff  }
.Ltmp36:
0x3d5: {  	v12 =	vld.idx.msk [tilespmem:v14+s17+$0x0], $0xffff;
	(pc) =	sbr.rel @p0 .LBB2_48-.Ltmp36, $2  }
0x3d6: {  	_ =	sdelay $0x2  }
0x3d7: {  	s12 =	sadd.s32 $0x1, s12;
	s14 =	sadd.s32 s4, s14;
	s15 =	sadd.s32 $0x1E200, s13  }
.LBB2_49:
.Ltmp37:
0x3d8: {  	(pc) =	sbr.rel .LBB2_50-.Ltmp37, $4  }
0x3d9: {  	_ = 	snop  }
0x3da: {  	v11 =	vpsel p1, v11, v12  }
0x3db: {  	[tilespmem:s13+$0x1E230] =	vst v11  }
0x3dc: {  	[hbm4b:s14+s5] =	stream.linear.scatter [tilespmem:s15], [sflag:$0x7], $0x40, $0x38;
	[tilespmem:$0x1EE80] =	vst v63  }
.LBB2_51:
0x3dd: {  	p0 =	slt.s32 s30, $0x1  }
.Ltmp38:
0x3de: {  	_ = 	snop;
	(pc) =	sbr.rel @p0 .LBB2_55-.Ltmp38, $1  }
0x3df: {  	_ =	sdelay $0x3  }
0x3e0: {  	s0 =	smin.u32 s30, $0x20  }
0x3e1: {  	p0 =	sne.s32 s0, $0x1  }
.Ltmp39:
0x3e2: {  	_ = 	snop;
	(pc) =	sbr.rel @!p0 .LBB2_54-.Ltmp39, $3  }
0x3e3: {  	_ =	sdelay $0x1  }
0x3e4: {  	_ =	swait.ge [sflag:s28], $0x40  }
0x3e5: {  	s0 =	sadd.s32 $0xFFFFFFFF, s0;
	[sflag:s28] =	ssyncset.done $0x0  }
.LBB2_53:
0x3e6: {  	p0 =	sne.s32 s0, $0x1;
	s0 =	sadd.s32 $0xFFFFFFFF, s0;
	[sflag:s28] =	ssyncadd.s32 $0xFFFFFFC0  }
.Ltmp40:
0x3e7: {  	(pc) =	sbr.rel @p0 .LBB2_53-.Ltmp40, $3  }
0x3e8: {  	_ =	sdelay $0x1  }
0x3e9: {  	_ =	swait.ge [sflag:s28], $0x40  }
0x3ea: {  	[sflag:s28] =	ssyncset.done $0x0  }
.Ltmp41:
0x3eb: {  	_ = 	snop;
	(pc) =	sbr.rel .LBB2_54-.Ltmp41, $1  }
0x3ec: {  	_ =	sdelay $0x3  }
.LBB2_10:
.Ltmp42:
0x3ed: {  	(pc) =	sbr.rel .LBB2_14-.Ltmp42, $2  }
0x3ee: {  	_ =	sdelay $0x2  }
0x3ef: {  	s3 =	simm.s32 $0x0  }
.LBB2_8:
.Ltmp43:
0x3f0: {  	(pc) =	sbr.rel .LBB2_18-.Ltmp43, $2  }
0x3f1: {  	_ =	sdelay $0x2  }
0x3f2: {  	s0 =	simm.s32 $0x0  }
.LBB2_12:
.Ltmp44:
0x3f3: {  	(pc) =	sbr.rel .LBB2_14-.Ltmp44, $2  }
0x3f4: {  	_ =	sdelay $0x2  }
0x3f5: {  	s3 =	simm.s32 $0x0  }
.LBB2_16:
.Ltmp45:
0x3f6: {  	(pc) =	sbr.rel .LBB2_18-.Ltmp45, $2  }
0x3f7: {  	_ =	sdelay $0x2  }
0x3f8: {  	s0 =	simm.s32 $0x0  }
.LBB2_56:
0x3f9: {  	_ =	sfence.sel $0x180000  }
0x3fa: {  	[bflag:$0x0] =	sbarrier.arrive $0xFFFF  }
0x3fb: {  	_ =	strace $0x90000047  }
0x3fc: {  	s0 =	stileid.u32;
	[bflag:$0x2] =	sbarrier.arrive $0xFFFF  }
0x3fd: {  	p0 =	sne.s32 s0, $0x0;
	s0 =	rddreg [dreg:$0x4]  }
0x3fe: {  	s0 =	sadd.s32 @!p0 $0x100000, s0  }
0x3ff: {  	[sflag:s0] =	ssyncadd.tile.s32 @!p0 $0x1;
	_ =	shalt  }
.Lfunc_end2:
_tile_overlayer_lowered:
.L_overlay_start_2:
0x400: {  	(tag) =	ssettag $0x2  }
0x401: {  	s0 =	rddreg [dreg:$0x0];
	s2 =	stileid.u32  }
0x402: {  	s1 =	rddreg [dreg:$0x1];
	p0 =	sne.s32 s2, $0x0  }
0x403: {  	s3 =	rddreg [dreg:$0x2];
	[bflag:$0x3] =	sbarrier.arrive $0xFFFF;
	s2 =	simm.s32 @!p0 $0x1C08  }
0x404: {  	[timem:s3], [sflag:s2] =	dma.local @!p0 [hbm:s0], s1  }
0x405: {  	s0 =	simm.s32 @!p0 $0x8  }
0x406: {  	_ =	swait.ge @!p0 [sflag:s0], s1  }
0x407: {  	s1 =	ssub.s32 @!p0 $0x0, s1;
	[sflag:s0] =	ssyncset.done @!p0 $0x0  }
0x408: {  	[sflag:s0] =	ssyncadd.s32 @!p0 s1  }
0x409: {  	[bflag:$0x3] =	sbarrier.arrive $0xFFFF  }
0x40a: {  	_ =	shalt  }

</sc_bundles>
